<compile_context>
chip_gen: v7x
topology: tpu7x:2x2x1
jax: 0.10.2.dev20260603
libtpu: 0.0.44.dev20260713+nightly
codegen_flags: <defaults>
</compile_context>

<pallas_src>
import functools

import jax
import jax.numpy as jnp
from jax import lax
from jax.experimental import pallas as pl
from jax.experimental.pallas import tpu as pltpu
from jax.experimental.pallas import tpu_sc as plsc

ITEM_COUNT = 16384
TABLE = 1000001
ALPHA = 0.0001
NC = 2
NS = 16
L = 16
ROW = 128
ROWS_T = ITEM_COUNT // (NS * ROW)

CHUNK = 62504
TAIL = TABLE - 15 * CHUNK
SH = 1000064
WB0 = 31256

_LN2 = 0.6931471805599453
_SQRT2 = 1.4142135623730951

_mesh = plsc.VectorSubcoreMesh(
    core_axis_name="c", subcore_axis_name="s", num_cores=NC, num_subcores=NS
)


@functools.partial(
    pl.kernel,
    out_type=(
        jax.ShapeDtypeStruct((ITEM_COUNT // ROW, ROW), jnp.float32),
        jax.ShapeDtypeStruct((TABLE,), jnp.float32),
        jax.ShapeDtypeStruct((TABLE,), jnp.float32),
    ),
    mesh=_mesh,
    scratch_types=[
        pltpu.VMEM((ROWS_T, ROW), jnp.int32),
        pltpu.VMEM((ROWS_T, ROW), jnp.float32),
        pltpu.VMEM((ROWS_T, ROW), jnp.float32),
        pltpu.VMEM((ROWS_T, ROW), jnp.float32),
        pltpu.VMEM((ROWS_T, ROW), jnp.float32),
        pltpu.VMEM((ROW,), jnp.float32),
        pltpu.VMEM((CHUNK,), jnp.float32),
        pltpu.VMEM_SHARED((SH,), jnp.float32),
        pltpu.SemaphoreType.DMA,
        pltpu.SemaphoreType.DMA,
        pltpu.SemaphoreType.DMA,
    ],
)
def _sc_update(items2, A, B, tb, out, newB, newA,
               idx_v, a_v, b_v, d_v, o_v, tb_v, bounce, sh,
               f_sem, g_sem, s_sem):
    c = lax.axis_index("c")
    s = lax.axis_index("s")
    off = s * CHUNK
    is_c0 = c == 0
    is_tail = s == NS - 1

    @pl.when(jnp.logical_and(is_c0, jnp.logical_not(is_tail)))
    def _():
        pltpu.async_copy(A.at[pl.ds(off, CHUNK)], bounce, f_sem)

    @pl.when(jnp.logical_and(is_c0, is_tail))
    def _():
        pltpu.async_copy(A.at[pl.ds(off, TAIL)],
                         bounce.at[pl.ds(0, TAIL)], f_sem)

    @pl.when(jnp.logical_and(jnp.logical_not(is_c0), jnp.logical_not(is_tail)))
    def _():
        pltpu.async_copy(B.at[pl.ds(off, CHUNK)], bounce, f_sem)

    @pl.when(jnp.logical_and(jnp.logical_not(is_c0), is_tail))
    def _():
        pltpu.async_copy(B.at[pl.ds(off, TAIL)],
                         bounce.at[pl.ds(0, TAIL)], f_sem)

    st_i = pltpu.async_copy(items2.at[pl.ds(s * ROWS_T, ROWS_T)], idx_v, g_sem)
    st_t = pltpu.async_copy(tb, tb_v, g_sem)
    st_i.wait()
    st_t.wait()
    @pl.when(jnp.logical_not(is_c0))
    def _():
        for j in range(ROWS_T):
            pltpu.async_copy(A.at[idx_v.at[j]], a_v.at[j], g_sem)
            pltpu.async_copy(B.at[idx_v.at[j]], b_v.at[j], g_sem)

    @pl.when(jnp.logical_not(is_tail))
    def _():
        pltpu.make_async_copy(A.at[pl.ds(off, CHUNK)], bounce, f_sem).wait()

    @pl.when(is_tail)
    def _():
        pltpu.make_async_copy(A.at[pl.ds(off, TAIL)],
                              bounce.at[pl.ds(0, TAIL)], f_sem).wait()

    @pl.when(jnp.logical_not(is_tail))
    def _():
        pltpu.async_copy(bounce, sh.at[pl.ds(off, CHUNK)], f_sem)

    @pl.when(is_tail)
    def _():
        pltpu.async_copy(bounce.at[pl.ds(0, TAIL)],
                         sh.at[pl.ds(off, TAIL)], f_sem)

    tnv = tb_v[pl.ds(0, L)]

    @pl.when(jnp.logical_not(is_c0))
    def _():
        for j in range(ROWS_T):
            pltpu.make_async_copy(A.at[idx_v.at[j]], a_v.at[j], g_sem).wait()
            pltpu.make_async_copy(B.at[idx_v.at[j]], b_v.at[j], g_sem).wait()

        def _row(j, carry):
            for k in range(ROW // L):
                sl = pl.ds(k * L, L)
                a = a_v[j, sl]
                b = b_v[j, sl]
                delta = (1.0 - ALPHA) * b + ALPHA * (tnv - a)
                d_v[j, sl] = delta
                bits = lax.bitcast_convert_type(delta, jnp.int32)
                e = lax.shift_right_logical(bits, 23) - 127
                m = lax.bitcast_convert_type(
                    (bits & 0x007FFFFF) | 0x3F800000, jnp.float32)
                big = m >= _SQRT2
                m = jnp.where(big, 0.5 * m, m)
                ef = e.astype(jnp.float32) + jnp.where(big, 1.0, 0.0)
                sq = (m - 1.0) / (m + 1.0)
                s2 = sq * sq
                p = sq * (2.0 + s2 * (0.66666667 + s2 * (0.4 + s2 * 0.28571429)))
                o_v[j, sl] = 0.0 - (ef * _LN2 + p)
            return carry

        lax.fori_loop(0, ROWS_T, _row, 0)
        pltpu.sync_copy(o_v, out.at[pl.ds(s * ROWS_T, ROWS_T)])

    @pl.when(jnp.logical_not(is_tail))
    def _():
        pltpu.make_async_copy(bounce, sh.at[pl.ds(off, CHUNK)], f_sem).wait()

    @pl.when(is_tail)
    def _():
        pltpu.make_async_copy(bounce.at[pl.ds(0, TAIL)],
                              sh.at[pl.ds(off, TAIL)], f_sem).wait()

    plsc.subcore_barrier()

    @pl.when(is_c0)
    def _():
        for j in range(ROWS_T):
            pltpu.async_copy(tb_v, sh.at[idx_v.at[j]], s_sem)

    @pl.when(jnp.logical_not(is_c0))
    def _():
        for j in range(ROWS_T):
            pltpu.async_copy(d_v.at[j], sh.at[idx_v.at[j]], s_sem)

    for j in range(ROWS_T):
        pltpu.make_async_copy(d_v.at[j], sh.at[idx_v.at[j]], s_sem).wait()
    plsc.subcore_barrier()

    for (hoff, hlen_n, hlen_t) in ((0, WB0, WB0), (WB0, CHUNK - WB0, TAIL - WB0)):
        @pl.when(jnp.logical_not(is_tail))
        def _(hoff=hoff, hlen=hlen_n):
            pltpu.sync_copy(sh.at[pl.ds(off + hoff, hlen)],
                            bounce.at[pl.ds(hoff, hlen)])

        @pl.when(is_tail)
        def _(hoff=hoff, hlen=hlen_t):
            pltpu.sync_copy(sh.at[pl.ds(off + hoff, hlen)],
                            bounce.at[pl.ds(hoff, hlen)])

        @pl.when(jnp.logical_and(is_c0, jnp.logical_not(is_tail)))
        def _(hoff=hoff, hlen=hlen_n):
            pltpu.async_copy(bounce.at[pl.ds(hoff, hlen)],
                             newA.at[pl.ds(off + hoff, hlen)], f_sem)

        @pl.when(jnp.logical_and(is_c0, is_tail))
        def _(hoff=hoff, hlen=hlen_t):
            pltpu.async_copy(bounce.at[pl.ds(hoff, hlen)],
                             newA.at[pl.ds(off + hoff, hlen)], f_sem)

        @pl.when(jnp.logical_and(jnp.logical_not(is_c0),
                                 jnp.logical_not(is_tail)))
        def _(hoff=hoff, hlen=hlen_n):
            pltpu.async_copy(bounce.at[pl.ds(hoff, hlen)],
                             newB.at[pl.ds(off + hoff, hlen)], f_sem)

        @pl.when(jnp.logical_and(jnp.logical_not(is_c0), is_tail))
        def _(hoff=hoff, hlen=hlen_t):
            pltpu.async_copy(bounce.at[pl.ds(hoff, hlen)],
                             newB.at[pl.ds(off + hoff, hlen)], f_sem)

    @pl.when(jnp.logical_not(is_tail))
    def _():
        pltpu.make_async_copy(bounce, newA.at[pl.ds(off, CHUNK)], f_sem).wait()

    @pl.when(is_tail)
    def _():
        pltpu.make_async_copy(bounce.at[pl.ds(0, TAIL)],
                              newA.at[pl.ds(off, TAIL)], f_sem).wait()


def kernel(items, A, B, t):
    t_new = t + 1.0
    items2 = items.reshape(ITEM_COUNT // ROW, ROW)
    tb = jnp.broadcast_to(t_new, (ROW,))
    out2, new_B, new_A = _sc_update(items2, A, B, tb)
    return (out2.reshape(ITEM_COUNT), new_B, new_A, t_new)

# --- scband reference (transcript-rebuilt; emitter-appended) ---
"""Pipeline reference for scband-est-pop-debias-28312424415589 (READ-ONLY COPY).

The authoritative reference and input builder live on the scoring server;
editing this copy changes nothing except your own understanding.
"""

import jax, jax.numpy as jnp
import numpy as np

ITEM_NUM = 1000000 + 1  # module does item_num + 1 internally
ALPHA = 0.0001


def setup_inputs(seed: int = 0) -> dict:
    key = jax.random.key(seed)
    items = jax.random.randint(key, (16384,), 0, 1000000, dtype=jnp.int32)
    # stateful buffers of EstPop_Debias, materialized as inputs
    A = jnp.zeros((ITEM_NUM,), dtype=jnp.float32)
    B = jnp.ones((ITEM_NUM,), dtype=jnp.float32)
    t = jnp.zeros((1,), dtype=jnp.float32)
    return {"items": items, "A": A, "B": B, "t": t}


def reference(items, A, B, t):
    # self.t += 1
    t = t + 1.0
    # delta = (1 - alpha) * B[items] + alpha * (t - A[items])   (gather)
    delta = (1.0 - ALPHA) * jnp.take(B, items, axis=0) + ALPHA * (t - jnp.take(A, items, axis=0))
    # self.B = self.B.index_put((items,), values=delta)          (scatter-overwrite)
    new_B = B.at[items].set(delta)
    # self.A = self.A.index_put((items,), values=self.t)         (scatter-overwrite)
    new_A = A.at[items].set(jnp.broadcast_to(t, items.shape))
    out = jnp.log(1.0 / delta)
    # return forward output plus updated state buffers (torch mutates them in place)
    return (out, new_B, new_A, t)

if __name__ == "__main__":
    import jax
    _d = setup_inputs()
    print(jax.jit(kernel)(*tuple(_d.values())))

</pallas_src>

<mosaic_0001>
#map = affine_map<(d0, d1) -> (0, 0)>
#map1 = affine_map<(d0, d1) -> (0)>
module attributes {stable_mosaic.version = 14 : i64} {
  func.func @_sc_update(%arg0: i32, %arg1: i32, %arg2: memref<128x128xi32, #tpu.memory_space<hbm>>, %arg3: memref<1000001xf32, #tpu.memory_space<hbm>>, %arg4: memref<1000001xf32, #tpu.memory_space<hbm>>, %arg5: memref<128xf32, #tpu.memory_space<hbm>>, %arg6: memref<128x128xf32, #tpu.memory_space<hbm>>, %arg7: memref<1000001xf32, #tpu.memory_space<hbm>>, %arg8: memref<1000001xf32, #tpu.memory_space<hbm>>, %arg9: memref<8x128xi32, #tpu.memory_space<vmem>>, %arg10: memref<8x128xf32, #tpu.memory_space<vmem>>, %arg11: memref<8x128xf32, #tpu.memory_space<vmem>>, %arg12: memref<8x128xf32, #tpu.memory_space<vmem>>, %arg13: memref<8x128xf32, #tpu.memory_space<vmem>>, %arg14: memref<128xf32, #tpu.memory_space<vmem>>, %arg15: memref<62504xf32, #tpu.memory_space<vmem>>, %arg16: memref<1000064xf32, #tpu.memory_space<vmem_shared>>, %arg17: memref<!tpu.dma_semaphore, #tpu.memory_space<semaphore_mem>>, %arg18: memref<!tpu.dma_semaphore, #tpu.memory_space<semaphore_mem>>, %arg19: memref<!tpu.dma_semaphore, #tpu.memory_space<semaphore_mem>>) attributes {dimension_semantics = [#tpu.dimension_semantics<core_parallel>, #tpu.dimension_semantics<subcore_parallel>], iteration_bounds = array<i64: 2, 16>, scalar_prefetch = 0 : i64, scratch_operands = 11 : i64, tpu.core_type = #tpu.core_type<sc_vector_subcore>, window_params = [{transform_indices = #map}, {transform_indices = #map1}, {transform_indices = #map1}, {transform_indices = #map1}, {transform_indices = #map}, {transform_indices = #map1}, {transform_indices = #map1}]} {
    %mul3A = arith.constant 62504 : i32
    %mul3A_0 = arith.muli %arg1, %mul3A : i32
    %eq3A = arith.constant 0 : i32
    %eq3A_1 = arith.cmpi eq, %arg0, %eq3A : i32
    %eq3A_2 = arith.constant 15 : i32
    %eq3A_3 = arith.cmpi eq, %arg1, %eq3A_2 : i32
    %not3A = arith.constant true
    %not3A_4 = arith.xori %eq3A_3, %not3A : i1
    %and3A = arith.andi %eq3A_1, %not3A_4 : i1
    %convert_element_type3A = arith.extui %and3A : i1 to i32
    %cond3A = arith.constant 0 : i32
    %cond3A_5 = arith.cmpi ne, %convert_element_type3A, %cond3A : i32
    scf.if %cond3A_5 {
      %dma_start3A_229 = tpu.memref_slice %arg3[%mul3A_0] : memref<1000001xf32, #tpu.memory_space<hbm>> -> memref<62504xf32, #tpu.memory_space<hbm>>
      %dma_start3A_230 = tpu.memref_slice %arg3[%mul3A_0] : memref<1000001xf32, #tpu.memory_space<hbm>> -> memref<62504xf32, #tpu.memory_space<hbm>>
      tpu.enqueue_dma source(%dma_start3A_230 : memref<62504xf32, #tpu.memory_space<hbm>>) target(%arg15 : memref<62504xf32, #tpu.memory_space<vmem>>) target_semaphore(%arg17 : memref<!tpu.dma_semaphore, #tpu.memory_space<semaphore_mem>>)
    } else {
    }
    %and3A_6 = arith.andi %eq3A_1, %eq3A_3 : i1
    %convert_element_type3A_7 = arith.extui %and3A_6 : i1 to i32
    %cond3A_8 = arith.constant 0 : i32
    %cond3A_9 = arith.cmpi ne, %convert_element_type3A_7, %cond3A_8 : i32
    scf.if %cond3A_9 {
      %dma_start3A_229 = arith.constant 0 : i32
      %dma_start3A_230 = tpu.memref_slice %arg15[%dma_start3A_229] : memref<62504xf32, #tpu.memory_space<vmem>> -> memref<62441xf32, #tpu.memory_space<vmem>>
      %dma_start3A_231 = tpu.memref_slice %arg3[%mul3A_0] : memref<1000001xf32, #tpu.memory_space<hbm>> -> memref<62441xf32, #tpu.memory_space<hbm>>
      %dma_start3A_232 = arith.constant 0 : i32
      %dma_start3A_233 = tpu.memref_slice %arg15[%dma_start3A_232] : memref<62504xf32, #tpu.memory_space<vmem>> -> memref<62441xf32, #tpu.memory_space<vmem>>
      %dma_start3A_234 = tpu.memref_slice %arg3[%mul3A_0] : memref<1000001xf32, #tpu.memory_space<hbm>> -> memref<62441xf32, #tpu.memory_space<hbm>>
      tpu.enqueue_dma source(%dma_start3A_234 : memref<62441xf32, #tpu.memory_space<hbm>>) target(%dma_start3A_233 : memref<62441xf32, #tpu.memory_space<vmem>>) target_semaphore(%arg17 : memref<!tpu.dma_semaphore, #tpu.memory_space<semaphore_mem>>)
    } else {
    }
    %not3A_10 = arith.constant true
    %not3A_11 = arith.xori %eq3A_1, %not3A_10 : i1
    %not3A_12 = arith.constant true
    %not3A_13 = arith.xori %eq3A_3, %not3A_12 : i1
    %and3A_14 = arith.andi %not3A_11, %not3A_13 : i1
    %convert_element_type3A_15 = arith.extui %and3A_14 : i1 to i32
    %cond3A_16 = arith.constant 0 : i32
    %cond3A_17 = arith.cmpi ne, %convert_element_type3A_15, %cond3A_16 : i32
    scf.if %cond3A_17 {
      %dma_start3A_229 = tpu.memref_slice %arg4[%mul3A_0] : memref<1000001xf32, #tpu.memory_space<hbm>> -> memref<62504xf32, #tpu.memory_space<hbm>>
      %dma_start3A_230 = tpu.memref_slice %arg4[%mul3A_0] : memref<1000001xf32, #tpu.memory_space<hbm>> -> memref<62504xf32, #tpu.memory_space<hbm>>
      tpu.enqueue_dma source(%dma_start3A_230 : memref<62504xf32, #tpu.memory_space<hbm>>) target(%arg15 : memref<62504xf32, #tpu.memory_space<vmem>>) target_semaphore(%arg17 : memref<!tpu.dma_semaphore, #tpu.memory_space<semaphore_mem>>)
    } else {
    }
    %not3A_18 = arith.constant true
    %not3A_19 = arith.xori %eq3A_1, %not3A_18 : i1
    %and3A_20 = arith.andi %not3A_19, %eq3A_3 : i1
    %convert_element_type3A_21 = arith.extui %and3A_20 : i1 to i32
    %cond3A_22 = arith.constant 0 : i32
    %cond3A_23 = arith.cmpi ne, %convert_element_type3A_21, %cond3A_22 : i32
    scf.if %cond3A_23 {
      %dma_start3A_229 = arith.constant 0 : i32
      %dma_start3A_230 = tpu.memref_slice %arg15[%dma_start3A_229] : memref<62504xf32, #tpu.memory_space<vmem>> -> memref<62441xf32, #tpu.memory_space<vmem>>
      %dma_start3A_231 = tpu.memref_slice %arg4[%mul3A_0] : memref<1000001xf32, #tpu.memory_space<hbm>> -> memref<62441xf32, #tpu.memory_space<hbm>>
      %dma_start3A_232 = arith.constant 0 : i32
      %dma_start3A_233 = tpu.memref_slice %arg15[%dma_start3A_232] : memref<62504xf32, #tpu.memory_space<vmem>> -> memref<62441xf32, #tpu.memory_space<vmem>>
      %dma_start3A_234 = tpu.memref_slice %arg4[%mul3A_0] : memref<1000001xf32, #tpu.memory_space<hbm>> -> memref<62441xf32, #tpu.memory_space<hbm>>
      tpu.enqueue_dma source(%dma_start3A_234 : memref<62441xf32, #tpu.memory_space<hbm>>) target(%dma_start3A_233 : memref<62441xf32, #tpu.memory_space<vmem>>) target_semaphore(%arg17 : memref<!tpu.dma_semaphore, #tpu.memory_space<semaphore_mem>>)
    } else {
    }
    %mul3A_24 = arith.constant 8 : i32
    %mul3A_25 = arith.muli %arg1, %mul3A_24 : i32
    %dma_start3A = arith.constant 0 : i32
    %dma_start3A_26 = tpu.memref_slice %arg2[%mul3A_25, %dma_start3A] : memref<128x128xi32, #tpu.memory_space<hbm>> -> memref<8x128xi32, #tpu.memory_space<hbm>>
    %dma_start3A_27 = arith.constant 0 : i32
    %dma_start3A_28 = tpu.memref_slice %arg2[%mul3A_25, %dma_start3A_27] : memref<128x128xi32, #tpu.memory_space<hbm>> -> memref<8x128xi32, #tpu.memory_space<hbm>>
    tpu.enqueue_dma source(%dma_start3A_28 : memref<8x128xi32, #tpu.memory_space<hbm>>) target(%arg9 : memref<8x128xi32, #tpu.memory_space<vmem>>) target_semaphore(%arg18 : memref<!tpu.dma_semaphore, #tpu.memory_space<semaphore_mem>>)
    tpu.enqueue_dma source(%arg5 : memref<128xf32, #tpu.memory_space<hbm>>) target(%arg14 : memref<128xf32, #tpu.memory_space<vmem>>) target_semaphore(%arg18 : memref<!tpu.dma_semaphore, #tpu.memory_space<semaphore_mem>>)
    %dma_wait3A = arith.constant 0 : i32
    %dma_wait3A_29 = tpu.memref_slice %arg2[%mul3A_25, %dma_wait3A] : memref<128x128xi32, #tpu.memory_space<hbm>> -> memref<8x128xi32, #tpu.memory_space<hbm>>
    %dma_wait3A_30 = arith.constant 0 : i32
    %dma_wait3A_31 = tpu.memref_slice %arg2[%mul3A_25, %dma_wait3A_30] : memref<128x128xi32, #tpu.memory_space<hbm>> -> memref<8x128xi32, #tpu.memory_space<hbm>>
    tpu.wait_dma2 semaphore(%arg18 : memref<!tpu.dma_semaphore, #tpu.memory_space<semaphore_mem>>) src(%dma_wait3A_31 : memref<8x128xi32, #tpu.memory_space<hbm>>) dst(%arg9 : memref<8x128xi32, #tpu.memory_space<vmem>>)
    tpu.wait_dma2 semaphore(%arg18 : memref<!tpu.dma_semaphore, #tpu.memory_space<semaphore_mem>>) src(%arg5 : memref<128xf32, #tpu.memory_space<hbm>>) dst(%arg14 : memref<128xf32, #tpu.memory_space<vmem>>)
    %not3A_32 = arith.constant true
    %not3A_33 = arith.xori %eq3A_1, %not3A_32 : i1
    %convert_element_type3A_34 = arith.extui %not3A_33 : i1 to i32
    %cond3A_35 = arith.constant 0 : i32
    %cond3A_36 = arith.cmpi ne, %convert_element_type3A_34, %cond3A_35 : i32
    scf.if %cond3A_36 {
      %dma_start3A_229 = arith.constant 0 : i32
      %dma_start3A_230 = arith.constant 0 : i32
      %dma_start3A_231 = arith.constant 0 : i32
      %dma_start3A_232 = tpu.memref_slice %arg10[%dma_start3A_230, %dma_start3A_231] : memref<8x128xf32, #tpu.memory_space<vmem>> -> memref<1x128xf32, #tpu.memory_space<vmem>>
      %dma_start3A_233 = tpu.memref_squeeze %dma_start3A_232 : memref<1x128xf32, #tpu.memory_space<vmem>> -> memref<128xf32, #tpu.memory_space<vmem>>
      %dma_start3A_234 = arith.constant 0 : i32
      %dma_start3A_235 = tpu.memref_slice %arg9[%dma_start3A_229, %dma_start3A_234] : memref<8x128xi32, #tpu.memory_space<vmem>> -> memref<1x128xi32, #tpu.memory_space<vmem>>
      %dma_start3A_236 = tpu.memref_squeeze %dma_start3A_235 : memref<1x128xi32, #tpu.memory_space<vmem>> -> memref<128xi32, #tpu.memory_space<vmem>>
      %dma_start3A_237 = arith.constant 0 : i32
      %dma_start3A_238 = tpu.memref_slice %arg3[%dma_start3A_237] : memref<1000001xf32, #tpu.memory_space<hbm>> -> memref<1000001xf32, #tpu.memory_space<hbm>>
      tpu.enqueue_indirect_dma source(%dma_start3A_238 : memref<1000001xf32, #tpu.memory_space<hbm>>) target(%dma_start3A_233 : memref<128xf32, #tpu.memory_space<vmem>>) offsets(%dma_start3A_236 : memref<128xi32, #tpu.memory_space<vmem>>) semaphore(%arg18 : memref<!tpu.dma_semaphore, #tpu.memory_space<semaphore_mem>>)
      %dma_start3A_239 = arith.constant 0 : i32
      %dma_start3A_240 = arith.constant 0 : i32
      %dma_start3A_241 = arith.constant 0 : i32
      %dma_start3A_242 = tpu.memref_slice %arg11[%dma_start3A_240, %dma_start3A_241] : memref<8x128xf32, #tpu.memory_space<vmem>> -> memref<1x128xf32, #tpu.memory_space<vmem>>
      %dma_start3A_243 = tpu.memref_squeeze %dma_start3A_242 : memref<1x128xf32, #tpu.memory_space<vmem>> -> memref<128xf32, #tpu.memory_space<vmem>>
      %dma_start3A_244 = arith.constant 0 : i32
      %dma_start3A_245 = tpu.memref_slice %arg9[%dma_start3A_239, %dma_start3A_244] : memref<8x128xi32, #tpu.memory_space<vmem>> -> memref<1x128xi32, #tpu.memory_space<vmem>>
      %dma_start3A_246 = tpu.memref_squeeze %dma_start3A_245 : memref<1x128xi32, #tpu.memory_space<vmem>> -> memref<128xi32, #tpu.memory_space<vmem>>
      %dma_start3A_247 = arith.constant 0 : i32
      %dma_start3A_248 = tpu.memref_slice %arg4[%dma_start3A_247] : memref<1000001xf32, #tpu.memory_space<hbm>> -> memref<1000001xf32, #tpu.memory_space<hbm>>
      tpu.enqueue_indirect_dma source(%dma_start3A_248 : memref<1000001xf32, #tpu.memory_space<hbm>>) target(%dma_start3A_243 : memref<128xf32, #tpu.memory_space<vmem>>) offsets(%dma_start3A_246 : memref<128xi32, #tpu.memory_space<vmem>>) semaphore(%arg18 : memref<!tpu.dma_semaphore, #tpu.memory_space<semaphore_mem>>)
      %dma_start3A_249 = arith.constant 1 : i32
      %dma_start3A_250 = arith.constant 1 : i32
      %dma_start3A_251 = arith.constant 0 : i32
      %dma_start3A_252 = tpu.memref_slice %arg10[%dma_start3A_250, %dma_start3A_251] : memref<8x128xf32, #tpu.memory_space<vmem>> -> memref<1x128xf32, #tpu.memory_space<vmem>>
      %dma_start3A_253 = tpu.memref_squeeze %dma_start3A_252 : memref<1x128xf32, #tpu.memory_space<vmem>> -> memref<128xf32, #tpu.memory_space<vmem>>
      %dma_start3A_254 = arith.constant 0 : i32
      %dma_start3A_255 = tpu.memref_slice %arg9[%dma_start3A_249, %dma_start3A_254] : memref<8x128xi32, #tpu.memory_space<vmem>> -> memref<1x128xi32, #tpu.memory_space<vmem>>
      %dma_start3A_256 = tpu.memref_squeeze %dma_start3A_255 : memref<1x128xi32, #tpu.memory_space<vmem>> -> memref<128xi32, #tpu.memory_space<vmem>>
      %dma_start3A_257 = arith.constant 0 : i32
      %dma_start3A_258 = tpu.memref_slice %arg3[%dma_start3A_257] : memref<1000001xf32, #tpu.memory_space<hbm>> -> memref<1000001xf32, #tpu.memory_space<hbm>>
      tpu.enqueue_indirect_dma source(%dma_start3A_258 : memref<1000001xf32, #tpu.memory_space<hbm>>) target(%dma_start3A_253 : memref<128xf32, #tpu.memory_space<vmem>>) offsets(%dma_start3A_256 : memref<128xi32, #tpu.memory_space<vmem>>) semaphore(%arg18 : memref<!tpu.dma_semaphore, #tpu.memory_space<semaphore_mem>>)
      %dma_start3A_259 = arith.constant 1 : i32
      %dma_start3A_260 = arith.constant 1 : i32
      %dma_start3A_261 = arith.constant 0 : i32
      %dma_start3A_262 = tpu.memref_slice %arg11[%dma_start3A_260, %dma_start3A_261] : memref<8x128xf32, #tpu.memory_space<vmem>> -> memref<1x128xf32, #tpu.memory_space<vmem>>
      %dma_start3A_263 = tpu.memref_squeeze %dma_start3A_262 : memref<1x128xf32, #tpu.memory_space<vmem>> -> memref<128xf32, #tpu.memory_space<vmem>>
      %dma_start3A_264 = arith.constant 0 : i32
      %dma_start3A_265 = tpu.memref_slice %arg9[%dma_start3A_259, %dma_start3A_264] : memref<8x128xi32, #tpu.memory_space<vmem>> -> memref<1x128xi32, #tpu.memory_space<vmem>>
      %dma_start3A_266 = tpu.memref_squeeze %dma_start3A_265 : memref<1x128xi32, #tpu.memory_space<vmem>> -> memref<128xi32, #tpu.memory_space<vmem>>
      %dma_start3A_267 = arith.constant 0 : i32
      %dma_start3A_268 = tpu.memref_slice %arg4[%dma_start3A_267] : memref<1000001xf32, #tpu.memory_space<hbm>> -> memref<1000001xf32, #tpu.memory_space<hbm>>
      tpu.enqueue_indirect_dma source(%dma_start3A_268 : memref<1000001xf32, #tpu.memory_space<hbm>>) target(%dma_start3A_263 : memref<128xf32, #tpu.memory_space<vmem>>) offsets(%dma_start3A_266 : memref<128xi32, #tpu.memory_space<vmem>>) semaphore(%arg18 : memref<!tpu.dma_semaphore, #tpu.memory_space<semaphore_mem>>)
      %dma_start3A_269 = arith.constant 2 : i32
      %dma_start3A_270 = arith.constant 2 : i32
      %dma_start3A_271 = arith.constant 0 : i32
      %dma_start3A_272 = tpu.memref_slice %arg10[%dma_start3A_270, %dma_start3A_271] : memref<8x128xf32, #tpu.memory_space<vmem>> -> memref<1x128xf32, #tpu.memory_space<vmem>>
      %dma_start3A_273 = tpu.memref_squeeze %dma_start3A_272 : memref<1x128xf32, #tpu.memory_space<vmem>> -> memref<128xf32, #tpu.memory_space<vmem>>
      %dma_start3A_274 = arith.constant 0 : i32
      %dma_start3A_275 = tpu.memref_slice %arg9[%dma_start3A_269, %dma_start3A_274] : memref<8x128xi32, #tpu.memory_space<vmem>> -> memref<1x128xi32, #tpu.memory_space<vmem>>
      %dma_start3A_276 = tpu.memref_squeeze %dma_start3A_275 : memref<1x128xi32, #tpu.memory_space<vmem>> -> memref<128xi32, #tpu.memory_space<vmem>>
      %dma_start3A_277 = arith.constant 0 : i32
      %dma_start3A_278 = tpu.memref_slice %arg3[%dma_start3A_277] : memref<1000001xf32, #tpu.memory_space<hbm>> -> memref<1000001xf32, #tpu.memory_space<hbm>>
      tpu.enqueue_indirect_dma source(%dma_start3A_278 : memref<1000001xf32, #tpu.memory_space<hbm>>) target(%dma_start3A_273 : memref<128xf32, #tpu.memory_space<vmem>>) offsets(%dma_start3A_276 : memref<128xi32, #tpu.memory_space<vmem>>) semaphore(%arg18 : memref<!tpu.dma_semaphore, #tpu.memory_space<semaphore_mem>>)
      %dma_start3A_279 = arith.constant 2 : i32
      %dma_start3A_280 = arith.constant 2 : i32
      %dma_start3A_281 = arith.constant 0 : i32
      %dma_start3A_282 = tpu.memref_slice %arg11[%dma_start3A_280, %dma_start3A_281] : memref<8x128xf32, #tpu.memory_space<vmem>> -> memref<1x128xf32, #tpu.memory_space<vmem>>
      %dma_start3A_283 = tpu.memref_squeeze %dma_start3A_282 : memref<1x128xf32, #tpu.memory_space<vmem>> -> memref<128xf32, #tpu.memory_space<vmem>>
      %dma_start3A_284 = arith.constant 0 : i32
      %dma_start3A_285 = tpu.memref_slice %arg9[%dma_start3A_279, %dma_start3A_284] : memref<8x128xi32, #tpu.memory_space<vmem>> -> memref<1x128xi32, #tpu.memory_space<vmem>>
      %dma_start3A_286 = tpu.memref_squeeze %dma_start3A_285 : memref<1x128xi32, #tpu.memory_space<vmem>> -> memref<128xi32, #tpu.memory_space<vmem>>
      %dma_start3A_287 = arith.constant 0 : i32
      %dma_start3A_288 = tpu.memref_slice %arg4[%dma_start3A_287] : memref<1000001xf32, #tpu.memory_space<hbm>> -> memref<1000001xf32, #tpu.memory_space<hbm>>
      tpu.enqueue_indirect_dma source(%dma_start3A_288 : memref<1000001xf32, #tpu.memory_space<hbm>>) target(%dma_start3A_283 : memref<128xf32, #tpu.memory_space<vmem>>) offsets(%dma_start3A_286 : memref<128xi32, #tpu.memory_space<vmem>>) semaphore(%arg18 : memref<!tpu.dma_semaphore, #tpu.memory_space<semaphore_mem>>)
      %dma_start3A_289 = arith.constant 3 : i32
      %dma_start3A_290 = arith.constant 3 : i32
      %dma_start3A_291 = arith.constant 0 : i32
      %dma_start3A_292 = tpu.memref_slice %arg10[%dma_start3A_290, %dma_start3A_291] : memref<8x128xf32, #tpu.memory_space<vmem>> -> memref<1x128xf32, #tpu.memory_space<vmem>>
      %dma_start3A_293 = tpu.memref_squeeze %dma_start3A_292 : memref<1x128xf32, #tpu.memory_space<vmem>> -> memref<128xf32, #tpu.memory_space<vmem>>
      %dma_start3A_294 = arith.constant 0 : i32
      %dma_start3A_295 = tpu.memref_slice %arg9[%dma_start3A_289, %dma_start3A_294] : memref<8x128xi32, #tpu.memory_space<vmem>> -> memref<1x128xi32, #tpu.memory_space<vmem>>
      %dma_start3A_296 = tpu.memref_squeeze %dma_start3A_295 : memref<1x128xi32, #tpu.memory_space<vmem>> -> memref<128xi32, #tpu.memory_space<vmem>>
      %dma_start3A_297 = arith.constant 0 : i32
      %dma_start3A_298 = tpu.memref_slice %arg3[%dma_start3A_297] : memref<1000001xf32, #tpu.memory_space<hbm>> -> memref<1000001xf32, #tpu.memory_space<hbm>>
      tpu.enqueue_indirect_dma source(%dma_start3A_298 : memref<1000001xf32, #tpu.memory_space<hbm>>) target(%dma_start3A_293 : memref<128xf32, #tpu.memory_space<vmem>>) offsets(%dma_start3A_296 : memref<128xi32, #tpu.memory_space<vmem>>) semaphore(%arg18 : memref<!tpu.dma_semaphore, #tpu.memory_space<semaphore_mem>>)
      %dma_start3A_299 = arith.constant 3 : i32
      %dma_start3A_300 = arith.constant 3 : i32
      %dma_start3A_301 = arith.constant 0 : i32
      %dma_start3A_302 = tpu.memref_slice %arg11[%dma_start3A_300, %dma_start3A_301] : memref<8x128xf32, #tpu.memory_space<vmem>> -> memref<1x128xf32, #tpu.memory_space<vmem>>
      %dma_start3A_303 = tpu.memref_squeeze %dma_start3A_302 : memref<1x128xf32, #tpu.memory_space<vmem>> -> memref<128xf32, #tpu.memory_space<vmem>>
      %dma_start3A_304 = arith.constant 0 : i32
      %dma_start3A_305 = tpu.memref_slice %arg9[%dma_start3A_299, %dma_start3A_304] : memref<8x128xi32, #tpu.memory_space<vmem>> -> memref<1x128xi32, #tpu.memory_space<vmem>>
      %dma_start3A_306 = tpu.memref_squeeze %dma_start3A_305 : memref<1x128xi32, #tpu.memory_space<vmem>> -> memref<128xi32, #tpu.memory_space<vmem>>
      %dma_start3A_307 = arith.constant 0 : i32
      %dma_start3A_308 = tpu.memref_slice %arg4[%dma_start3A_307] : memref<1000001xf32, #tpu.memory_space<hbm>> -> memref<1000001xf32, #tpu.memory_space<hbm>>
      tpu.enqueue_indirect_dma source(%dma_start3A_308 : memref<1000001xf32, #tpu.memory_space<hbm>>) target(%dma_start3A_303 : memref<128xf32, #tpu.memory_space<vmem>>) offsets(%dma_start3A_306 : memref<128xi32, #tpu.memory_space<vmem>>) semaphore(%arg18 : memref<!tpu.dma_semaphore, #tpu.memory_space<semaphore_mem>>)
      %dma_start3A_309 = arith.constant 4 : i32
      %dma_start3A_310 = arith.constant 4 : i32
      %dma_start3A_311 = arith.constant 0 : i32
      %dma_start3A_312 = tpu.memref_slice %arg10[%dma_start3A_310, %dma_start3A_311] : memref<8x128xf32, #tpu.memory_space<vmem>> -> memref<1x128xf32, #tpu.memory_space<vmem>>
      %dma_start3A_313 = tpu.memref_squeeze %dma_start3A_312 : memref<1x128xf32, #tpu.memory_space<vmem>> -> memref<128xf32, #tpu.memory_space<vmem>>
      %dma_start3A_314 = arith.constant 0 : i32
      %dma_start3A_315 = tpu.memref_slice %arg9[%dma_start3A_309, %dma_start3A_314] : memref<8x128xi32, #tpu.memory_space<vmem>> -> memref<1x128xi32, #tpu.memory_space<vmem>>
      %dma_start3A_316 = tpu.memref_squeeze %dma_start3A_315 : memref<1x128xi32, #tpu.memory_space<vmem>> -> memref<128xi32, #tpu.memory_space<vmem>>
      %dma_start3A_317 = arith.constant 0 : i32
      %dma_start3A_318 = tpu.memref_slice %arg3[%dma_start3A_317] : memref<1000001xf32, #tpu.memory_space<hbm>> -> memref<1000001xf32, #tpu.memory_space<hbm>>
      tpu.enqueue_indirect_dma source(%dma_start3A_318 : memref<1000001xf32, #tpu.memory_space<hbm>>) target(%dma_start3A_313 : memref<128xf32, #tpu.memory_space<vmem>>) offsets(%dma_start3A_316 : memref<128xi32, #tpu.memory_space<vmem>>) semaphore(%arg18 : memref<!tpu.dma_semaphore, #tpu.memory_space<semaphore_mem>>)
      %dma_start3A_319 = arith.constant 4 : i32
      %dma_start3A_320 = arith.constant 4 : i32
      %dma_start3A_321 = arith.constant 0 : i32
      %dma_start3A_322 = tpu.memref_slice %arg11[%dma_start3A_320, %dma_start3A_321] : memref<8x128xf32, #tpu.memory_space<vmem>> -> memref<1x128xf32, #tpu.memory_space<vmem>>
      %dma_start3A_323 = tpu.memref_squeeze %dma_start3A_322 : memref<1x128xf32, #tpu.memory_space<vmem>> -> memref<128xf32, #tpu.memory_space<vmem>>
      %dma_start3A_324 = arith.constant 0 : i32
      %dma_start3A_325 = tpu.memref_slice %arg9[%dma_start3A_319, %dma_start3A_324] : memref<8x128xi32, #tpu.memory_space<vmem>> -> memref<1x128xi32, #tpu.memory_space<vmem>>
      %dma_start3A_326 = tpu.memref_squeeze %dma_start3A_325 : memref<1x128xi32, #tpu.memory_space<vmem>> -> memref<128xi32, #tpu.memory_space<vmem>>
      %dma_start3A_327 = arith.constant 0 : i32
      %dma_start3A_328 = tpu.memref_slice %arg4[%dma_start3A_327] : memref<1000001xf32, #tpu.memory_space<hbm>> -> memref<1000001xf32, #tpu.memory_space<hbm>>
      tpu.enqueue_indirect_dma source(%dma_start3A_328 : memref<1000001xf32, #tpu.memory_space<hbm>>) target(%dma_start3A_323 : memref<128xf32, #tpu.memory_space<vmem>>) offsets(%dma_start3A_326 : memref<128xi32, #tpu.memory_space<vmem>>) semaphore(%arg18 : memref<!tpu.dma_semaphore, #tpu.memory_space<semaphore_mem>>)
      %dma_start3A_329 = arith.constant 5 : i32
      %dma_start3A_330 = arith.constant 5 : i32
      %dma_start3A_331 = arith.constant 0 : i32
      %dma_start3A_332 = tpu.memref_slice %arg10[%dma_start3A_330, %dma_start3A_331] : memref<8x128xf32, #tpu.memory_space<vmem>> -> memref<1x128xf32, #tpu.memory_space<vmem>>
      %dma_start3A_333 = tpu.memref_squeeze %dma_start3A_332 : memref<1x128xf32, #tpu.memory_space<vmem>> -> memref<128xf32, #tpu.memory_space<vmem>>
      %dma_start3A_334 = arith.constant 0 : i32
      %dma_start3A_335 = tpu.memref_slice %arg9[%dma_start3A_329, %dma_start3A_334] : memref<8x128xi32, #tpu.memory_space<vmem>> -> memref<1x128xi32, #tpu.memory_space<vmem>>
      %dma_start3A_336 = tpu.memref_squeeze %dma_start3A_335 : memref<1x128xi32, #tpu.memory_space<vmem>> -> memref<128xi32, #tpu.memory_space<vmem>>
      %dma_start3A_337 = arith.constant 0 : i32
      %dma_start3A_338 = tpu.memref_slice %arg3[%dma_start3A_337] : memref<1000001xf32, #tpu.memory_space<hbm>> -> memref<1000001xf32, #tpu.memory_space<hbm>>
      tpu.enqueue_indirect_dma source(%dma_start3A_338 : memref<1000001xf32, #tpu.memory_space<hbm>>) target(%dma_start3A_333 : memref<128xf32, #tpu.memory_space<vmem>>) offsets(%dma_start3A_336 : memref<128xi32, #tpu.memory_space<vmem>>) semaphore(%arg18 : memref<!tpu.dma_semaphore, #tpu.memory_space<semaphore_mem>>)
      %dma_start3A_339 = arith.constant 5 : i32
      %dma_start3A_340 = arith.constant 5 : i32
      %dma_start3A_341 = arith.constant 0 : i32
      %dma_start3A_342 = tpu.memref_slice %arg11[%dma_start3A_340, %dma_start3A_341] : memref<8x128xf32, #tpu.memory_space<vmem>> -> memref<1x128xf32, #tpu.memory_space<vmem>>
      %dma_start3A_343 = tpu.memref_squeeze %dma_start3A_342 : memref<1x128xf32, #tpu.memory_space<vmem>> -> memref<128xf32, #tpu.memory_space<vmem>>
      %dma_start3A_344 = arith.constant 0 : i32
      %dma_start3A_345 = tpu.memref_slice %arg9[%dma_start3A_339, %dma_start3A_344] : memref<8x128xi32, #tpu.memory_space<vmem>> -> memref<1x128xi32, #tpu.memory_space<vmem>>
      %dma_start3A_346 = tpu.memref_squeeze %dma_start3A_345 : memref<1x128xi32, #tpu.memory_space<vmem>> -> memref<128xi32, #tpu.memory_space<vmem>>
      %dma_start3A_347 = arith.constant 0 : i32
      %dma_start3A_348 = tpu.memref_slice %arg4[%dma_start3A_347] : memref<1000001xf32, #tpu.memory_space<hbm>> -> memref<1000001xf32, #tpu.memory_space<hbm>>
      tpu.enqueue_indirect_dma source(%dma_start3A_348 : memref<1000001xf32, #tpu.memory_space<hbm>>) target(%dma_start3A_343 : memref<128xf32, #tpu.memory_space<vmem>>) offsets(%dma_start3A_346 : memref<128xi32, #tpu.memory_space<vmem>>) semaphore(%arg18 : memref<!tpu.dma_semaphore, #tpu.memory_space<semaphore_mem>>)
      %dma_start3A_349 = arith.constant 6 : i32
      %dma_start3A_350 = arith.constant 6 : i32
      %dma_start3A_351 = arith.constant 0 : i32
      %dma_start3A_352 = tpu.memref_slice %arg10[%dma_start3A_350, %dma_start3A_351] : memref<8x128xf32, #tpu.memory_space<vmem>> -> memref<1x128xf32, #tpu.memory_space<vmem>>
      %dma_start3A_353 = tpu.memref_squeeze %dma_start3A_352 : memref<1x128xf32, #tpu.memory_space<vmem>> -> memref<128xf32, #tpu.memory_space<vmem>>
      %dma_start3A_354 = arith.constant 0 : i32
      %dma_start3A_355 = tpu.memref_slice %arg9[%dma_start3A_349, %dma_start3A_354] : memref<8x128xi32, #tpu.memory_space<vmem>> -> memref<1x128xi32, #tpu.memory_space<vmem>>
      %dma_start3A_356 = tpu.memref_squeeze %dma_start3A_355 : memref<1x128xi32, #tpu.memory_space<vmem>> -> memref<128xi32, #tpu.memory_space<vmem>>
      %dma_start3A_357 = arith.constant 0 : i32
      %dma_start3A_358 = tpu.memref_slice %arg3[%dma_start3A_357] : memref<1000001xf32, #tpu.memory_space<hbm>> -> memref<1000001xf32, #tpu.memory_space<hbm>>
      tpu.enqueue_indirect_dma source(%dma_start3A_358 : memref<1000001xf32, #tpu.memory_space<hbm>>) target(%dma_start3A_353 : memref<128xf32, #tpu.memory_space<vmem>>) offsets(%dma_start3A_356 : memref<128xi32, #tpu.memory_space<vmem>>) semaphore(%arg18 : memref<!tpu.dma_semaphore, #tpu.memory_space<semaphore_mem>>)
      %dma_start3A_359 = arith.constant 6 : i32
      %dma_start3A_360 = arith.constant 6 : i32
      %dma_start3A_361 = arith.constant 0 : i32
      %dma_start3A_362 = tpu.memref_slice %arg11[%dma_start3A_360, %dma_start3A_361] : memref<8x128xf32, #tpu.memory_space<vmem>> -> memref<1x128xf32, #tpu.memory_space<vmem>>
      %dma_start3A_363 = tpu.memref_squeeze %dma_start3A_362 : memref<1x128xf32, #tpu.memory_space<vmem>> -> memref<128xf32, #tpu.memory_space<vmem>>
      %dma_start3A_364 = arith.constant 0 : i32
      %dma_start3A_365 = tpu.memref_slice %arg9[%dma_start3A_359, %dma_start3A_364] : memref<8x128xi32, #tpu.memory_space<vmem>> -> memref<1x128xi32, #tpu.memory_space<vmem>>
      %dma_start3A_366 = tpu.memref_squeeze %dma_start3A_365 : memref<1x128xi32, #tpu.memory_space<vmem>> -> memref<128xi32, #tpu.memory_space<vmem>>
      %dma_start3A_367 = arith.constant 0 : i32
      %dma_start3A_368 = tpu.memref_slice %arg4[%dma_start3A_367] : memref<1000001xf32, #tpu.memory_space<hbm>> -> memref<1000001xf32, #tpu.memory_space<hbm>>
      tpu.enqueue_indirect_dma source(%dma_start3A_368 : memref<1000001xf32, #tpu.memory_space<hbm>>) target(%dma_start3A_363 : memref<128xf32, #tpu.memory_space<vmem>>) offsets(%dma_start3A_366 : memref<128xi32, #tpu.memory_space<vmem>>) semaphore(%arg18 : memref<!tpu.dma_semaphore, #tpu.memory_space<semaphore_mem>>)
      %dma_start3A_369 = arith.constant 7 : i32
      %dma_start3A_370 = arith.constant 7 : i32
      %dma_start3A_371 = arith.constant 0 : i32
      %dma_start3A_372 = tpu.memref_slice %arg10[%dma_start3A_370, %dma_start3A_371] : memref<8x128xf32, #tpu.memory_space<vmem>> -> memref<1x128xf32, #tpu.memory_space<vmem>>
      %dma_start3A_373 = tpu.memref_squeeze %dma_start3A_372 : memref<1x128xf32, #tpu.memory_space<vmem>> -> memref<128xf32, #tpu.memory_space<vmem>>
      %dma_start3A_374 = arith.constant 0 : i32
      %dma_start3A_375 = tpu.memref_slice %arg9[%dma_start3A_369, %dma_start3A_374] : memref<8x128xi32, #tpu.memory_space<vmem>> -> memref<1x128xi32, #tpu.memory_space<vmem>>
      %dma_start3A_376 = tpu.memref_squeeze %dma_start3A_375 : memref<1x128xi32, #tpu.memory_space<vmem>> -> memref<128xi32, #tpu.memory_space<vmem>>
      %dma_start3A_377 = arith.constant 0 : i32
      %dma_start3A_378 = tpu.memref_slice %arg3[%dma_start3A_377] : memref<1000001xf32, #tpu.memory_space<hbm>> -> memref<1000001xf32, #tpu.memory_space<hbm>>
      tpu.enqueue_indirect_dma source(%dma_start3A_378 : memref<1000001xf32, #tpu.memory_space<hbm>>) target(%dma_start3A_373 : memref<128xf32, #tpu.memory_space<vmem>>) offsets(%dma_start3A_376 : memref<128xi32, #tpu.memory_space<vmem>>) semaphore(%arg18 : memref<!tpu.dma_semaphore, #tpu.memory_space<semaphore_mem>>)
      %dma_start3A_379 = arith.constant 7 : i32
      %dma_start3A_380 = arith.constant 7 : i32
      %dma_start3A_381 = arith.constant 0 : i32
      %dma_start3A_382 = tpu.memref_slice %arg11[%dma_start3A_380, %dma_start3A_381] : memref<8x128xf32, #tpu.memory_space<vmem>> -> memref<1x128xf32, #tpu.memory_space<vmem>>
      %dma_start3A_383 = tpu.memref_squeeze %dma_start3A_382 : memref<1x128xf32, #tpu.memory_space<vmem>> -> memref<128xf32, #tpu.memory_space<vmem>>
      %dma_start3A_384 = arith.constant 0 : i32
      %dma_start3A_385 = tpu.memref_slice %arg9[%dma_start3A_379, %dma_start3A_384] : memref<8x128xi32, #tpu.memory_space<vmem>> -> memref<1x128xi32, #tpu.memory_space<vmem>>
      %dma_start3A_386 = tpu.memref_squeeze %dma_start3A_385 : memref<1x128xi32, #tpu.memory_space<vmem>> -> memref<128xi32, #tpu.memory_space<vmem>>
      %dma_start3A_387 = arith.constant 0 : i32
      %dma_start3A_388 = tpu.memref_slice %arg4[%dma_start3A_387] : memref<1000001xf32, #tpu.memory_space<hbm>> -> memref<1000001xf32, #tpu.memory_space<hbm>>
      tpu.enqueue_indirect_dma source(%dma_start3A_388 : memref<1000001xf32, #tpu.memory_space<hbm>>) target(%dma_start3A_383 : memref<128xf32, #tpu.memory_space<vmem>>) offsets(%dma_start3A_386 : memref<128xi32, #tpu.memory_space<vmem>>) semaphore(%arg18 : memref<!tpu.dma_semaphore, #tpu.memory_space<semaphore_mem>>)
    } else {
    }
    %not3A_37 = arith.constant true
    %not3A_38 = arith.xori %eq3A_3, %not3A_37 : i1
    %convert_element_type3A_39 = arith.extui %not3A_38 : i1 to i32
    %cond3A_40 = arith.constant 0 : i32
    %cond3A_41 = arith.cmpi ne, %convert_element_type3A_39, %cond3A_40 : i32
    scf.if %cond3A_41 {
      %dma_wait3A_229 = tpu.memref_slice %arg3[%mul3A_0] : memref<1000001xf32, #tpu.memory_space<hbm>> -> memref<62504xf32, #tpu.memory_space<hbm>>
      %dma_wait3A_230 = tpu.memref_slice %arg3[%mul3A_0] : memref<1000001xf32, #tpu.memory_space<hbm>> -> memref<62504xf32, #tpu.memory_space<hbm>>
      tpu.wait_dma2 semaphore(%arg17 : memref<!tpu.dma_semaphore, #tpu.memory_space<semaphore_mem>>) src(%dma_wait3A_230 : memref<62504xf32, #tpu.memory_space<hbm>>) dst(%arg15 : memref<62504xf32, #tpu.memory_space<vmem>>)
    } else {
    }
    %convert_element_type3A_42 = arith.extui %eq3A_3 : i1 to i32
    %cond3A_43 = arith.constant 0 : i32
    %cond3A_44 = arith.cmpi ne, %convert_element_type3A_42, %cond3A_43 : i32
    scf.if %cond3A_44 {
      %dma_wait3A_229 = arith.constant 0 : i32
      %dma_wait3A_230 = tpu.memref_slice %arg15[%dma_wait3A_229] : memref<62504xf32, #tpu.memory_space<vmem>> -> memref<62441xf32, #tpu.memory_space<vmem>>
      %dma_wait3A_231 = tpu.memref_slice %arg3[%mul3A_0] : memref<1000001xf32, #tpu.memory_space<hbm>> -> memref<62441xf32, #tpu.memory_space<hbm>>
      %dma_wait3A_232 = arith.constant 0 : i32
      %dma_wait3A_233 = tpu.memref_slice %arg15[%dma_wait3A_232] : memref<62504xf32, #tpu.memory_space<vmem>> -> memref<62441xf32, #tpu.memory_space<vmem>>
      %dma_wait3A_234 = tpu.memref_slice %arg3[%mul3A_0] : memref<1000001xf32, #tpu.memory_space<hbm>> -> memref<62441xf32, #tpu.memory_space<hbm>>
      tpu.wait_dma2 semaphore(%arg17 : memref<!tpu.dma_semaphore, #tpu.memory_space<semaphore_mem>>) src(%dma_wait3A_234 : memref<62441xf32, #tpu.memory_space<hbm>>) dst(%dma_wait3A_233 : memref<62441xf32, #tpu.memory_space<vmem>>)
    } else {
    }
    %not3A_45 = arith.constant true
    %not3A_46 = arith.xori %eq3A_3, %not3A_45 : i1
    %convert_element_type3A_47 = arith.extui %not3A_46 : i1 to i32
    %cond3A_48 = arith.constant 0 : i32
    %cond3A_49 = arith.cmpi ne, %convert_element_type3A_47, %cond3A_48 : i32
    scf.if %cond3A_49 {
      %dma_start3A_229 = tpu.memref_slice %arg16[%mul3A_0] : memref<1000064xf32, #tpu.memory_space<vmem_shared>> -> memref<62504xf32, #tpu.memory_space<vmem_shared>>
      %dma_start3A_230 = tpu.memref_slice %arg16[%mul3A_0] : memref<1000064xf32, #tpu.memory_space<vmem_shared>> -> memref<62504xf32, #tpu.memory_space<vmem_shared>>
      tpu.enqueue_dma source(%arg15 : memref<62504xf32, #tpu.memory_space<vmem>>) target(%dma_start3A_230 : memref<62504xf32, #tpu.memory_space<vmem_shared>>) target_semaphore(%arg17 : memref<!tpu.dma_semaphore, #tpu.memory_space<semaphore_mem>>)
    } else {
    }
    %convert_element_type3A_50 = arith.extui %eq3A_3 : i1 to i32
    %cond3A_51 = arith.constant 0 : i32
    %cond3A_52 = arith.cmpi ne, %convert_element_type3A_50, %cond3A_51 : i32
    scf.if %cond3A_52 {
      %dma_start3A_229 = arith.constant 0 : i32
      %dma_start3A_230 = tpu.memref_slice %arg15[%dma_start3A_229] : memref<62504xf32, #tpu.memory_space<vmem>> -> memref<62441xf32, #tpu.memory_space<vmem>>
      %dma_start3A_231 = tpu.memref_slice %arg16[%mul3A_0] : memref<1000064xf32, #tpu.memory_space<vmem_shared>> -> memref<62441xf32, #tpu.memory_space<vmem_shared>>
      %dma_start3A_232 = tpu.memref_slice %arg16[%mul3A_0] : memref<1000064xf32, #tpu.memory_space<vmem_shared>> -> memref<62441xf32, #tpu.memory_space<vmem_shared>>
      %dma_start3A_233 = arith.constant 0 : i32
      %dma_start3A_234 = tpu.memref_slice %arg15[%dma_start3A_233] : memref<62504xf32, #tpu.memory_space<vmem>> -> memref<62441xf32, #tpu.memory_space<vmem>>
      tpu.enqueue_dma source(%dma_start3A_234 : memref<62441xf32, #tpu.memory_space<vmem>>) target(%dma_start3A_232 : memref<62441xf32, #tpu.memory_space<vmem_shared>>) target_semaphore(%arg17 : memref<!tpu.dma_semaphore, #tpu.memory_space<semaphore_mem>>)
    } else {
    }
    %get3A = arith.constant 0 : index
    %get3A_53 = tpu.vector_load %arg14[%get3A] {strides = array<i32>} : memref<128xf32, #tpu.memory_space<vmem>>, vector<16xf32>,
    %get3A_54 = vector.shape_cast %get3A_53 : vector<16xf32> to vector<16xf32>
    %not3A_55 = arith.constant true
    %not3A_56 = arith.xori %eq3A_1, %not3A_55 : i1
    %convert_element_type3A_57 = arith.extui %not3A_56 : i1 to i32
    %cond3A_58 = arith.constant 0 : i32
    %cond3A_59 = arith.cmpi ne, %convert_element_type3A_57, %cond3A_58 : i32
    scf.if %cond3A_59 {
      %dma_wait3A_229 = arith.constant 0 : i32
      %dma_wait3A_230 = arith.constant 0 : i32
      %dma_wait3A_231 = arith.constant 0 : i32
      %dma_wait3A_232 = tpu.memref_slice %arg10[%dma_wait3A_230, %dma_wait3A_231] : memref<8x128xf32, #tpu.memory_space<vmem>> -> memref<1x128xf32, #tpu.memory_space<vmem>>
      %dma_wait3A_233 = tpu.memref_squeeze %dma_wait3A_232 : memref<1x128xf32, #tpu.memory_space<vmem>> -> memref<128xf32, #tpu.memory_space<vmem>>
      %dma_wait3A_234 = arith.constant 0 : i32
      %dma_wait3A_235 = tpu.memref_slice %arg9[%dma_wait3A_229, %dma_wait3A_234] : memref<8x128xi32, #tpu.memory_space<vmem>> -> memref<1x128xi32, #tpu.memory_space<vmem>>
      %dma_wait3A_236 = tpu.memref_squeeze %dma_wait3A_235 : memref<1x128xi32, #tpu.memory_space<vmem>> -> memref<128xi32, #tpu.memory_space<vmem>>
      %dma_wait3A_237 = arith.constant 0 : i32
      %dma_wait3A_238 = tpu.memref_slice %arg3[%dma_wait3A_237] : memref<1000001xf32, #tpu.memory_space<hbm>> -> memref<1000001xf32, #tpu.memory_space<hbm>>
      tpu.wait_indirect_dma semaphore(%arg18 : memref<!tpu.dma_semaphore, #tpu.memory_space<semaphore_mem>>) src(%dma_wait3A_238 : memref<1000001xf32, #tpu.memory_space<hbm>>) dst(%dma_wait3A_233 : memref<128xf32, #tpu.memory_space<vmem>>)
      %dma_wait3A_239 = arith.constant 0 : i32
      %dma_wait3A_240 = arith.constant 0 : i32
      %dma_wait3A_241 = arith.constant 0 : i32
      %dma_wait3A_242 = tpu.memref_slice %arg11[%dma_wait3A_240, %dma_wait3A_241] : memref<8x128xf32, #tpu.memory_space<vmem>> -> memref<1x128xf32, #tpu.memory_space<vmem>>
      %dma_wait3A_243 = tpu.memref_squeeze %dma_wait3A_242 : memref<1x128xf32, #tpu.memory_space<vmem>> -> memref<128xf32, #tpu.memory_space<vmem>>
      %dma_wait3A_244 = arith.constant 0 : i32
      %dma_wait3A_245 = tpu.memref_slice %arg9[%dma_wait3A_239, %dma_wait3A_244] : memref<8x128xi32, #tpu.memory_space<vmem>> -> memref<1x128xi32, #tpu.memory_space<vmem>>
      %dma_wait3A_246 = tpu.memref_squeeze %dma_wait3A_245 : memref<1x128xi32, #tpu.memory_space<vmem>> -> memref<128xi32, #tpu.memory_space<vmem>>
      %dma_wait3A_247 = arith.constant 0 : i32
      %dma_wait3A_248 = tpu.memref_slice %arg4[%dma_wait3A_247] : memref<1000001xf32, #tpu.memory_space<hbm>> -> memref<1000001xf32, #tpu.memory_space<hbm>>
      tpu.wait_indirect_dma semaphore(%arg18 : memref<!tpu.dma_semaphore, #tpu.memory_space<semaphore_mem>>) src(%dma_wait3A_248 : memref<1000001xf32, #tpu.memory_space<hbm>>) dst(%dma_wait3A_243 : memref<128xf32, #tpu.memory_space<vmem>>)
      %dma_wait3A_249 = arith.constant 1 : i32
      %dma_wait3A_250 = arith.constant 1 : i32
      %dma_wait3A_251 = arith.constant 0 : i32
      %dma_wait3A_252 = tpu.memref_slice %arg10[%dma_wait3A_250, %dma_wait3A_251] : memref<8x128xf32, #tpu.memory_space<vmem>> -> memref<1x128xf32, #tpu.memory_space<vmem>>
      %dma_wait3A_253 = tpu.memref_squeeze %dma_wait3A_252 : memref<1x128xf32, #tpu.memory_space<vmem>> -> memref<128xf32, #tpu.memory_space<vmem>>
      %dma_wait3A_254 = arith.constant 0 : i32
      %dma_wait3A_255 = tpu.memref_slice %arg9[%dma_wait3A_249, %dma_wait3A_254] : memref<8x128xi32, #tpu.memory_space<vmem>> -> memref<1x128xi32, #tpu.memory_space<vmem>>
      %dma_wait3A_256 = tpu.memref_squeeze %dma_wait3A_255 : memref<1x128xi32, #tpu.memory_space<vmem>> -> memref<128xi32, #tpu.memory_space<vmem>>
      %dma_wait3A_257 = arith.constant 0 : i32
      %dma_wait3A_258 = tpu.memref_slice %arg3[%dma_wait3A_257] : memref<1000001xf32, #tpu.memory_space<hbm>> -> memref<1000001xf32, #tpu.memory_space<hbm>>
      tpu.wait_indirect_dma semaphore(%arg18 : memref<!tpu.dma_semaphore, #tpu.memory_space<semaphore_mem>>) src(%dma_wait3A_258 : memref<1000001xf32, #tpu.memory_space<hbm>>) dst(%dma_wait3A_253 : memref<128xf32, #tpu.memory_space<vmem>>)
      %dma_wait3A_259 = arith.constant 1 : i32
      %dma_wait3A_260 = arith.constant 1 : i32
      %dma_wait3A_261 = arith.constant 0 : i32
      %dma_wait3A_262 = tpu.memref_slice %arg11[%dma_wait3A_260, %dma_wait3A_261] : memref<8x128xf32, #tpu.memory_space<vmem>> -> memref<1x128xf32, #tpu.memory_space<vmem>>
      %dma_wait3A_263 = tpu.memref_squeeze %dma_wait3A_262 : memref<1x128xf32, #tpu.memory_space<vmem>> -> memref<128xf32, #tpu.memory_space<vmem>>
      %dma_wait3A_264 = arith.constant 0 : i32
      %dma_wait3A_265 = tpu.memref_slice %arg9[%dma_wait3A_259, %dma_wait3A_264] : memref<8x128xi32, #tpu.memory_space<vmem>> -> memref<1x128xi32, #tpu.memory_space<vmem>>
      %dma_wait3A_266 = tpu.memref_squeeze %dma_wait3A_265 : memref<1x128xi32, #tpu.memory_space<vmem>> -> memref<128xi32, #tpu.memory_space<vmem>>
      %dma_wait3A_267 = arith.constant 0 : i32
      %dma_wait3A_268 = tpu.memref_slice %arg4[%dma_wait3A_267] : memref<1000001xf32, #tpu.memory_space<hbm>> -> memref<1000001xf32, #tpu.memory_space<hbm>>
      tpu.wait_indirect_dma semaphore(%arg18 : memref<!tpu.dma_semaphore, #tpu.memory_space<semaphore_mem>>) src(%dma_wait3A_268 : memref<1000001xf32, #tpu.memory_space<hbm>>) dst(%dma_wait3A_263 : memref<128xf32, #tpu.memory_space<vmem>>)
      %dma_wait3A_269 = arith.constant 2 : i32
      %dma_wait3A_270 = arith.constant 2 : i32
      %dma_wait3A_271 = arith.constant 0 : i32
      %dma_wait3A_272 = tpu.memref_slice %arg10[%dma_wait3A_270, %dma_wait3A_271] : memref<8x128xf32, #tpu.memory_space<vmem>> -> memref<1x128xf32, #tpu.memory_space<vmem>>
      %dma_wait3A_273 = tpu.memref_squeeze %dma_wait3A_272 : memref<1x128xf32, #tpu.memory_space<vmem>> -> memref<128xf32, #tpu.memory_space<vmem>>
      %dma_wait3A_274 = arith.constant 0 : i32
      %dma_wait3A_275 = tpu.memref_slice %arg9[%dma_wait3A_269, %dma_wait3A_274] : memref<8x128xi32, #tpu.memory_space<vmem>> -> memref<1x128xi32, #tpu.memory_space<vmem>>
      %dma_wait3A_276 = tpu.memref_squeeze %dma_wait3A_275 : memref<1x128xi32, #tpu.memory_space<vmem>> -> memref<128xi32, #tpu.memory_space<vmem>>
      %dma_wait3A_277 = arith.constant 0 : i32
      %dma_wait3A_278 = tpu.memref_slice %arg3[%dma_wait3A_277] : memref<1000001xf32, #tpu.memory_space<hbm>> -> memref<1000001xf32, #tpu.memory_space<hbm>>
      tpu.wait_indirect_dma semaphore(%arg18 : memref<!tpu.dma_semaphore, #tpu.memory_space<semaphore_mem>>) src(%dma_wait3A_278 : memref<1000001xf32, #tpu.memory_space<hbm>>) dst(%dma_wait3A_273 : memref<128xf32, #tpu.memory_space<vmem>>)
      %dma_wait3A_279 = arith.constant 2 : i32
      %dma_wait3A_280 = arith.constant 2 : i32
      %dma_wait3A_281 = arith.constant 0 : i32
      %dma_wait3A_282 = tpu.memref_slice %arg11[%dma_wait3A_280, %dma_wait3A_281] : memref<8x128xf32, #tpu.memory_space<vmem>> -> memref<1x128xf32, #tpu.memory_space<vmem>>
      %dma_wait3A_283 = tpu.memref_squeeze %dma_wait3A_282 : memref<1x128xf32, #tpu.memory_space<vmem>> -> memref<128xf32, #tpu.memory_space<vmem>>
      %dma_wait3A_284 = arith.constant 0 : i32
      %dma_wait3A_285 = tpu.memref_slice %arg9[%dma_wait3A_279, %dma_wait3A_284] : memref<8x128xi32, #tpu.memory_space<vmem>> -> memref<1x128xi32, #tpu.memory_space<vmem>>
      %dma_wait3A_286 = tpu.memref_squeeze %dma_wait3A_285 : memref<1x128xi32, #tpu.memory_space<vmem>> -> memref<128xi32, #tpu.memory_space<vmem>>
      %dma_wait3A_287 = arith.constant 0 : i32
      %dma_wait3A_288 = tpu.memref_slice %arg4[%dma_wait3A_287] : memref<1000001xf32, #tpu.memory_space<hbm>> -> memref<1000001xf32, #tpu.memory_space<hbm>>
      tpu.wait_indirect_dma semaphore(%arg18 : memref<!tpu.dma_semaphore, #tpu.memory_space<semaphore_mem>>) src(%dma_wait3A_288 : memref<1000001xf32, #tpu.memory_space<hbm>>) dst(%dma_wait3A_283 : memref<128xf32, #tpu.memory_space<vmem>>)
      %dma_wait3A_289 = arith.constant 3 : i32
      %dma_wait3A_290 = arith.constant 3 : i32
      %dma_wait3A_291 = arith.constant 0 : i32
      %dma_wait3A_292 = tpu.memref_slice %arg10[%dma_wait3A_290, %dma_wait3A_291] : memref<8x128xf32, #tpu.memory_space<vmem>> -> memref<1x128xf32, #tpu.memory_space<vmem>>
      %dma_wait3A_293 = tpu.memref_squeeze %dma_wait3A_292 : memref<1x128xf32, #tpu.memory_space<vmem>> -> memref<128xf32, #tpu.memory_space<vmem>>
      %dma_wait3A_294 = arith.constant 0 : i32
      %dma_wait3A_295 = tpu.memref_slice %arg9[%dma_wait3A_289, %dma_wait3A_294] : memref<8x128xi32, #tpu.memory_space<vmem>> -> memref<1x128xi32, #tpu.memory_space<vmem>>
      %dma_wait3A_296 = tpu.memref_squeeze %dma_wait3A_295 : memref<1x128xi32, #tpu.memory_space<vmem>> -> memref<128xi32, #tpu.memory_space<vmem>>
      %dma_wait3A_297 = arith.constant 0 : i32
      %dma_wait3A_298 = tpu.memref_slice %arg3[%dma_wait3A_297] : memref<1000001xf32, #tpu.memory_space<hbm>> -> memref<1000001xf32, #tpu.memory_space<hbm>>
      tpu.wait_indirect_dma semaphore(%arg18 : memref<!tpu.dma_semaphore, #tpu.memory_space<semaphore_mem>>) src(%dma_wait3A_298 : memref<1000001xf32, #tpu.memory_space<hbm>>) dst(%dma_wait3A_293 : memref<128xf32, #tpu.memory_space<vmem>>)
      %dma_wait3A_299 = arith.constant 3 : i32
      %dma_wait3A_300 = arith.constant 3 : i32
      %dma_wait3A_301 = arith.constant 0 : i32
      %dma_wait3A_302 = tpu.memref_slice %arg11[%dma_wait3A_300, %dma_wait3A_301] : memref<8x128xf32, #tpu.memory_space<vmem>> -> memref<1x128xf32, #tpu.memory_space<vmem>>
      %dma_wait3A_303 = tpu.memref_squeeze %dma_wait3A_302 : memref<1x128xf32, #tpu.memory_space<vmem>> -> memref<128xf32, #tpu.memory_space<vmem>>
      %dma_wait3A_304 = arith.constant 0 : i32
      %dma_wait3A_305 = tpu.memref_slice %arg9[%dma_wait3A_299, %dma_wait3A_304] : memref<8x128xi32, #tpu.memory_space<vmem>> -> memref<1x128xi32, #tpu.memory_space<vmem>>
      %dma_wait3A_306 = tpu.memref_squeeze %dma_wait3A_305 : memref<1x128xi32, #tpu.memory_space<vmem>> -> memref<128xi32, #tpu.memory_space<vmem>>
      %dma_wait3A_307 = arith.constant 0 : i32
      %dma_wait3A_308 = tpu.memref_slice %arg4[%dma_wait3A_307] : memref<1000001xf32, #tpu.memory_space<hbm>> -> memref<1000001xf32, #tpu.memory_space<hbm>>
      tpu.wait_indirect_dma semaphore(%arg18 : memref<!tpu.dma_semaphore, #tpu.memory_space<semaphore_mem>>) src(%dma_wait3A_308 : memref<1000001xf32, #tpu.memory_space<hbm>>) dst(%dma_wait3A_303 : memref<128xf32, #tpu.memory_space<vmem>>)
      %dma_wait3A_309 = arith.constant 4 : i32
      %dma_wait3A_310 = arith.constant 4 : i32
      %dma_wait3A_311 = arith.constant 0 : i32
      %dma_wait3A_312 = tpu.memref_slice %arg10[%dma_wait3A_310, %dma_wait3A_311] : memref<8x128xf32, #tpu.memory_space<vmem>> -> memref<1x128xf32, #tpu.memory_space<vmem>>
      %dma_wait3A_313 = tpu.memref_squeeze %dma_wait3A_312 : memref<1x128xf32, #tpu.memory_space<vmem>> -> memref<128xf32, #tpu.memory_space<vmem>>
      %dma_wait3A_314 = arith.constant 0 : i32
      %dma_wait3A_315 = tpu.memref_slice %arg9[%dma_wait3A_309, %dma_wait3A_314] : memref<8x128xi32, #tpu.memory_space<vmem>> -> memref<1x128xi32, #tpu.memory_space<vmem>>
      %dma_wait3A_316 = tpu.memref_squeeze %dma_wait3A_315 : memref<1x128xi32, #tpu.memory_space<vmem>> -> memref<128xi32, #tpu.memory_space<vmem>>
      %dma_wait3A_317 = arith.constant 0 : i32
      %dma_wait3A_318 = tpu.memref_slice %arg3[%dma_wait3A_317] : memref<1000001xf32, #tpu.memory_space<hbm>> -> memref<1000001xf32, #tpu.memory_space<hbm>>
      tpu.wait_indirect_dma semaphore(%arg18 : memref<!tpu.dma_semaphore, #tpu.memory_space<semaphore_mem>>) src(%dma_wait3A_318 : memref<1000001xf32, #tpu.memory_space<hbm>>) dst(%dma_wait3A_313 : memref<128xf32, #tpu.memory_space<vmem>>)
      %dma_wait3A_319 = arith.constant 4 : i32
      %dma_wait3A_320 = arith.constant 4 : i32
      %dma_wait3A_321 = arith.constant 0 : i32
      %dma_wait3A_322 = tpu.memref_slice %arg11[%dma_wait3A_320, %dma_wait3A_321] : memref<8x128xf32, #tpu.memory_space<vmem>> -> memref<1x128xf32, #tpu.memory_space<vmem>>
      %dma_wait3A_323 = tpu.memref_squeeze %dma_wait3A_322 : memref<1x128xf32, #tpu.memory_space<vmem>> -> memref<128xf32, #tpu.memory_space<vmem>>
      %dma_wait3A_324 = arith.constant 0 : i32
      %dma_wait3A_325 = tpu.memref_slice %arg9[%dma_wait3A_319, %dma_wait3A_324] : memref<8x128xi32, #tpu.memory_space<vmem>> -> memref<1x128xi32, #tpu.memory_space<vmem>>
      %dma_wait3A_326 = tpu.memref_squeeze %dma_wait3A_325 : memref<1x128xi32, #tpu.memory_space<vmem>> -> memref<128xi32, #tpu.memory_space<vmem>>
      %dma_wait3A_327 = arith.constant 0 : i32
      %dma_wait3A_328 = tpu.memref_slice %arg4[%dma_wait3A_327] : memref<1000001xf32, #tpu.memory_space<hbm>> -> memref<1000001xf32, #tpu.memory_space<hbm>>
      tpu.wait_indirect_dma semaphore(%arg18 : memref<!tpu.dma_semaphore, #tpu.memory_space<semaphore_mem>>) src(%dma_wait3A_328 : memref<1000001xf32, #tpu.memory_space<hbm>>) dst(%dma_wait3A_323 : memref<128xf32, #tpu.memory_space<vmem>>)
      %dma_wait3A_329 = arith.constant 5 : i32
      %dma_wait3A_330 = arith.constant 5 : i32
      %dma_wait3A_331 = arith.constant 0 : i32
      %dma_wait3A_332 = tpu.memref_slice %arg10[%dma_wait3A_330, %dma_wait3A_331] : memref<8x128xf32, #tpu.memory_space<vmem>> -> memref<1x128xf32, #tpu.memory_space<vmem>>
      %dma_wait3A_333 = tpu.memref_squeeze %dma_wait3A_332 : memref<1x128xf32, #tpu.memory_space<vmem>> -> memref<128xf32, #tpu.memory_space<vmem>>
      %dma_wait3A_334 = arith.constant 0 : i32
      %dma_wait3A_335 = tpu.memref_slice %arg9[%dma_wait3A_329, %dma_wait3A_334] : memref<8x128xi32, #tpu.memory_space<vmem>> -> memref<1x128xi32, #tpu.memory_space<vmem>>
      %dma_wait3A_336 = tpu.memref_squeeze %dma_wait3A_335 : memref<1x128xi32, #tpu.memory_space<vmem>> -> memref<128xi32, #tpu.memory_space<vmem>>
      %dma_wait3A_337 = arith.constant 0 : i32
      %dma_wait3A_338 = tpu.memref_slice %arg3[%dma_wait3A_337] : memref<1000001xf32, #tpu.memory_space<hbm>> -> memref<1000001xf32, #tpu.memory_space<hbm>>
      tpu.wait_indirect_dma semaphore(%arg18 : memref<!tpu.dma_semaphore, #tpu.memory_space<semaphore_mem>>) src(%dma_wait3A_338 : memref<1000001xf32, #tpu.memory_space<hbm>>) dst(%dma_wait3A_333 : memref<128xf32, #tpu.memory_space<vmem>>)
      %dma_wait3A_339 = arith.constant 5 : i32
      %dma_wait3A_340 = arith.constant 5 : i32
      %dma_wait3A_341 = arith.constant 0 : i32
      %dma_wait3A_342 = tpu.memref_slice %arg11[%dma_wait3A_340, %dma_wait3A_341] : memref<8x128xf32, #tpu.memory_space<vmem>> -> memref<1x128xf32, #tpu.memory_space<vmem>>
      %dma_wait3A_343 = tpu.memref_squeeze %dma_wait3A_342 : memref<1x128xf32, #tpu.memory_space<vmem>> -> memref<128xf32, #tpu.memory_space<vmem>>
      %dma_wait3A_344 = arith.constant 0 : i32
      %dma_wait3A_345 = tpu.memref_slice %arg9[%dma_wait3A_339, %dma_wait3A_344] : memref<8x128xi32, #tpu.memory_space<vmem>> -> memref<1x128xi32, #tpu.memory_space<vmem>>
      %dma_wait3A_346 = tpu.memref_squeeze %dma_wait3A_345 : memref<1x128xi32, #tpu.memory_space<vmem>> -> memref<128xi32, #tpu.memory_space<vmem>>
      %dma_wait3A_347 = arith.constant 0 : i32
      %dma_wait3A_348 = tpu.memref_slice %arg4[%dma_wait3A_347] : memref<1000001xf32, #tpu.memory_space<hbm>> -> memref<1000001xf32, #tpu.memory_space<hbm>>
      tpu.wait_indirect_dma semaphore(%arg18 : memref<!tpu.dma_semaphore, #tpu.memory_space<semaphore_mem>>) src(%dma_wait3A_348 : memref<1000001xf32, #tpu.memory_space<hbm>>) dst(%dma_wait3A_343 : memref<128xf32, #tpu.memory_space<vmem>>)
      %dma_wait3A_349 = arith.constant 6 : i32
      %dma_wait3A_350 = arith.constant 6 : i32
      %dma_wait3A_351 = arith.constant 0 : i32
      %dma_wait3A_352 = tpu.memref_slice %arg10[%dma_wait3A_350, %dma_wait3A_351] : memref<8x128xf32, #tpu.memory_space<vmem>> -> memref<1x128xf32, #tpu.memory_space<vmem>>
      %dma_wait3A_353 = tpu.memref_squeeze %dma_wait3A_352 : memref<1x128xf32, #tpu.memory_space<vmem>> -> memref<128xf32, #tpu.memory_space<vmem>>
      %dma_wait3A_354 = arith.constant 0 : i32
      %dma_wait3A_355 = tpu.memref_slice %arg9[%dma_wait3A_349, %dma_wait3A_354] : memref<8x128xi32, #tpu.memory_space<vmem>> -> memref<1x128xi32, #tpu.memory_space<vmem>>
      %dma_wait3A_356 = tpu.memref_squeeze %dma_wait3A_355 : memref<1x128xi32, #tpu.memory_space<vmem>> -> memref<128xi32, #tpu.memory_space<vmem>>
      %dma_wait3A_357 = arith.constant 0 : i32
      %dma_wait3A_358 = tpu.memref_slice %arg3[%dma_wait3A_357] : memref<1000001xf32, #tpu.memory_space<hbm>> -> memref<1000001xf32, #tpu.memory_space<hbm>>
      tpu.wait_indirect_dma semaphore(%arg18 : memref<!tpu.dma_semaphore, #tpu.memory_space<semaphore_mem>>) src(%dma_wait3A_358 : memref<1000001xf32, #tpu.memory_space<hbm>>) dst(%dma_wait3A_353 : memref<128xf32, #tpu.memory_space<vmem>>)
      %dma_wait3A_359 = arith.constant 6 : i32
      %dma_wait3A_360 = arith.constant 6 : i32
      %dma_wait3A_361 = arith.constant 0 : i32
      %dma_wait3A_362 = tpu.memref_slice %arg11[%dma_wait3A_360, %dma_wait3A_361] : memref<8x128xf32, #tpu.memory_space<vmem>> -> memref<1x128xf32, #tpu.memory_space<vmem>>
      %dma_wait3A_363 = tpu.memref_squeeze %dma_wait3A_362 : memref<1x128xf32, #tpu.memory_space<vmem>> -> memref<128xf32, #tpu.memory_space<vmem>>
      %dma_wait3A_364 = arith.constant 0 : i32
      %dma_wait3A_365 = tpu.memref_slice %arg9[%dma_wait3A_359, %dma_wait3A_364] : memref<8x128xi32, #tpu.memory_space<vmem>> -> memref<1x128xi32, #tpu.memory_space<vmem>>
      %dma_wait3A_366 = tpu.memref_squeeze %dma_wait3A_365 : memref<1x128xi32, #tpu.memory_space<vmem>> -> memref<128xi32, #tpu.memory_space<vmem>>
      %dma_wait3A_367 = arith.constant 0 : i32
      %dma_wait3A_368 = tpu.memref_slice %arg4[%dma_wait3A_367] : memref<1000001xf32, #tpu.memory_space<hbm>> -> memref<1000001xf32, #tpu.memory_space<hbm>>
      tpu.wait_indirect_dma semaphore(%arg18 : memref<!tpu.dma_semaphore, #tpu.memory_space<semaphore_mem>>) src(%dma_wait3A_368 : memref<1000001xf32, #tpu.memory_space<hbm>>) dst(%dma_wait3A_363 : memref<128xf32, #tpu.memory_space<vmem>>)
      %dma_wait3A_369 = arith.constant 7 : i32
      %dma_wait3A_370 = arith.constant 7 : i32
      %dma_wait3A_371 = arith.constant 0 : i32
      %dma_wait3A_372 = tpu.memref_slice %arg10[%dma_wait3A_370, %dma_wait3A_371] : memref<8x128xf32, #tpu.memory_space<vmem>> -> memref<1x128xf32, #tpu.memory_space<vmem>>
      %dma_wait3A_373 = tpu.memref_squeeze %dma_wait3A_372 : memref<1x128xf32, #tpu.memory_space<vmem>> -> memref<128xf32, #tpu.memory_space<vmem>>
      %dma_wait3A_374 = arith.constant 0 : i32
      %dma_wait3A_375 = tpu.memref_slice %arg9[%dma_wait3A_369, %dma_wait3A_374] : memref<8x128xi32, #tpu.memory_space<vmem>> -> memref<1x128xi32, #tpu.memory_space<vmem>>
      %dma_wait3A_376 = tpu.memref_squeeze %dma_wait3A_375 : memref<1x128xi32, #tpu.memory_space<vmem>> -> memref<128xi32, #tpu.memory_space<vmem>>
      %dma_wait3A_377 = arith.constant 0 : i32
      %dma_wait3A_378 = tpu.memref_slice %arg3[%dma_wait3A_377] : memref<1000001xf32, #tpu.memory_space<hbm>> -> memref<1000001xf32, #tpu.memory_space<hbm>>
      tpu.wait_indirect_dma semaphore(%arg18 : memref<!tpu.dma_semaphore, #tpu.memory_space<semaphore_mem>>) src(%dma_wait3A_378 : memref<1000001xf32, #tpu.memory_space<hbm>>) dst(%dma_wait3A_373 : memref<128xf32, #tpu.memory_space<vmem>>)
      %dma_wait3A_379 = arith.constant 7 : i32
      %dma_wait3A_380 = arith.constant 7 : i32
      %dma_wait3A_381 = arith.constant 0 : i32
      %dma_wait3A_382 = tpu.memref_slice %arg11[%dma_wait3A_380, %dma_wait3A_381] : memref<8x128xf32, #tpu.memory_space<vmem>> -> memref<1x128xf32, #tpu.memory_space<vmem>>
      %dma_wait3A_383 = tpu.memref_squeeze %dma_wait3A_382 : memref<1x128xf32, #tpu.memory_space<vmem>> -> memref<128xf32, #tpu.memory_space<vmem>>
      %dma_wait3A_384 = arith.constant 0 : i32
      %dma_wait3A_385 = tpu.memref_slice %arg9[%dma_wait3A_379, %dma_wait3A_384] : memref<8x128xi32, #tpu.memory_space<vmem>> -> memref<1x128xi32, #tpu.memory_space<vmem>>
      %dma_wait3A_386 = tpu.memref_squeeze %dma_wait3A_385 : memref<1x128xi32, #tpu.memory_space<vmem>> -> memref<128xi32, #tpu.memory_space<vmem>>
      %dma_wait3A_387 = arith.constant 0 : i32
      %dma_wait3A_388 = tpu.memref_slice %arg4[%dma_wait3A_387] : memref<1000001xf32, #tpu.memory_space<hbm>> -> memref<1000001xf32, #tpu.memory_space<hbm>>
      tpu.wait_indirect_dma semaphore(%arg18 : memref<!tpu.dma_semaphore, #tpu.memory_space<semaphore_mem>>) src(%dma_wait3A_388 : memref<1000001xf32, #tpu.memory_space<hbm>>) dst(%dma_wait3A_383 : memref<128xf32, #tpu.memory_space<vmem>>)
      %scan3A = arith.constant 0 : i32
      %scan3A_389 = arith.constant 0 : i32
      %scan3A_390 = arith.constant 8 : i32
      %scan3A_391 = arith.addi %scan3A_389, %scan3A_390 : i32
      %scan3A_392 = arith.constant 1 : i32
      scf.for %scan3A_396 = %scan3A_389 to %scan3A_391 step %scan3A_392  : i32 {
        %get3A_397 = arith.index_cast %scan3A_396 : i32 to index
        %get3A_398 = arith.constant 0 : index
        %get3A_399 = tpu.vector_load %arg10[%get3A_397, %get3A_398] {strides = array<i32>} : memref<8x128xf32, #tpu.memory_space<vmem>>, vector<1x16xf32>,
        %get3A_400 = vector.shape_cast %get3A_399 : vector<1x16xf32> to vector<16xf32>
        %get3A_401 = arith.index_cast %scan3A_396 : i32 to index
        %get3A_402 = arith.constant 0 : index
        %get3A_403 = tpu.vector_load %arg11[%get3A_401, %get3A_402] {strides = array<i32>} : memref<8x128xf32, #tpu.memory_space<vmem>>, vector<1x16xf32>,
        %get3A_404 = vector.shape_cast %get3A_403 : vector<1x16xf32> to vector<16xf32>
        %mul3A_405 = arith.constant 0.999899983 : f32
        %mul3A_406 = vector.broadcast %mul3A_405 : f32 to vector<16xf32>
        %mul3A_407 = arith.mulf %mul3A_406, %get3A_404 : vector<16xf32>
        %sub3A = arith.subf %get3A_54, %get3A_400 : vector<16xf32>
        %mul3A_408 = arith.constant 9.99999974E-5 : f32
        %mul3A_409 = vector.broadcast %mul3A_408 : f32 to vector<16xf32>
        %mul3A_410 = arith.mulf %mul3A_409, %sub3A : vector<16xf32>
        %add3A = arith.addf %mul3A_407, %mul3A_410 : vector<16xf32>
        %swap3A = arith.index_cast %scan3A_396 : i32 to index
        %swap3A_411 = arith.constant 0 : index
        %swap3A_412 = tpu.vector_load %arg12[%swap3A, %swap3A_411] {strides = array<i32>} : memref<8x128xf32, #tpu.memory_space<vmem>>, vector<1x16xf32>,
        %swap3A_413 = vector.shape_cast %swap3A_412 : vector<1x16xf32> to vector<16xf32>
        %swap3A_414 = vector.shape_cast %add3A : vector<16xf32> to vector<1x16xf32>
        tpu.vector_store %arg12[%swap3A, %swap3A_411], %swap3A_414 {strides = array<i32>} : memref<8x128xf32, #tpu.memory_space<vmem>>, vector<1x16xf32>,
        %bitcast_convert_type3A = tpu.bitcast %add3A : vector<16xf32> -> vector<16xi32>
        %shift_right_logical3A = arith.constant 23 : i32
        %shift_right_logical3A_415 = vector.broadcast %shift_right_logical3A : i32 to vector<16xi32>
        %shift_right_logical3A_416 = arith.shrui %bitcast_convert_type3A, %shift_right_logical3A_415 : vector<16xi32>
        %sub3A_417 = arith.constant 127 : i32
        %sub3A_418 = vector.broadcast %sub3A_417 : i32 to vector<16xi32>
        %sub3A_419 = arith.subi %shift_right_logical3A_416, %sub3A_418 : vector<16xi32>
        %and3A_420 = arith.constant 8388607 : i32
        %and3A_421 = vector.broadcast %and3A_420 : i32 to vector<16xi32>
        %and3A_422 = arith.andi %bitcast_convert_type3A, %and3A_421 : vector<16xi32>
        %or3A = arith.constant 1065353216 : i32
        %or3A_423 = vector.broadcast %or3A : i32 to vector<16xi32>
        %or3A_424 = arith.ori %and3A_422, %or3A_423 : vector<16xi32>
        %bitcast_convert_type3A_425 = tpu.bitcast %or3A_424 : vector<16xi32> -> vector<16xf32>
        %ge3A = arith.constant 1.41421354 : f32
        %ge3A_426 = vector.broadcast %ge3A : f32 to vector<16xf32>
        %ge3A_427 = arith.cmpf oge, %bitcast_convert_type3A_425, %ge3A_426 : vector<16xf32>
        %mul3A_428 = arith.constant 5.000000e-01 : f32
        %mul3A_429 = vector.broadcast %mul3A_428 : f32 to vector<16xf32>
        %mul3A_430 = arith.mulf %mul3A_429, %bitcast_convert_type3A_425 : vector<16xf32>
        %select_n3A = arith.select %ge3A_427, %mul3A_430, %bitcast_convert_type3A_425 : vector<16xi1>, vector<16xf32>
        %convert_element_type3A_431 = arith.sitofp %sub3A_419 : vector<16xi32> to vector<16xf32>
        %jit3A = arith.constant 1.000000e+00 : f32
        %jit3A_432 = arith.constant 0.000000e+00 : f32
        %broadcast_in_dim3A = vector.broadcast %jit3A : f32 to vector<16xf32>
        %broadcast_in_dim3A_433 = vector.broadcast %jit3A_432 : f32 to vector<16xf32>
        %select_n3A_434 = arith.select %ge3A_427, %broadcast_in_dim3A, %broadcast_in_dim3A_433 : vector<16xi1>, vector<16xf32>
        %add3A_435 = arith.addf %convert_element_type3A_431, %select_n3A_434 : vector<16xf32>
        %sub3A_436 = arith.constant 1.000000e+00 : f32
        %sub3A_437 = vector.broadcast %sub3A_436 : f32 to vector<16xf32>
        %sub3A_438 = arith.subf %select_n3A, %sub3A_437 : vector<16xf32>
        %add3A_439 = arith.constant 1.000000e+00 : f32
        %add3A_440 = vector.broadcast %add3A_439 : f32 to vector<16xf32>
        %add3A_441 = arith.addf %select_n3A, %add3A_440 : vector<16xf32>
        %div3A = arith.divf %sub3A_438, %add3A_441 : vector<16xf32>
        %mul3A_442 = arith.mulf %div3A, %div3A : vector<16xf32>
        %mul3A_443 = arith.constant 0.285714298 : f32
        %mul3A_444 = vector.broadcast %mul3A_443 : f32 to vector<16xf32>
        %mul3A_445 = arith.mulf %mul3A_442, %mul3A_444 : vector<16xf32>
        %add3A_446 = arith.constant 4.000000e-01 : f32
        %add3A_447 = vector.broadcast %add3A_446 : f32 to vector<16xf32>
        %add3A_448 = arith.addf %add3A_447, %mul3A_445 : vector<16xf32>
        %mul3A_449 = arith.mulf %mul3A_442, %add3A_448 : vector<16xf32>
        %add3A_450 = arith.constant 0.666666686 : f32
        %add3A_451 = vector.broadcast %add3A_450 : f32 to vector<16xf32>
        %add3A_452 = arith.addf %add3A_451, %mul3A_449 : vector<16xf32>
        %mul3A_453 = arith.mulf %mul3A_442, %add3A_452 : vector<16xf32>
        %add3A_454 = arith.constant 2.000000e+00 : f32
        %add3A_455 = vector.broadcast %add3A_454 : f32 to vector<16xf32>
        %add3A_456 = arith.addf %add3A_455, %mul3A_453 : vector<16xf32>
        %mul3A_457 = arith.mulf %div3A, %add3A_456 : vector<16xf32>
        %mul3A_458 = arith.constant 0.693147182 : f32
        %mul3A_459 = vector.broadcast %mul3A_458 : f32 to vector<16xf32>
        %mul3A_460 = arith.mulf %add3A_435, %mul3A_459 : vector<16xf32>
        %add3A_461 = arith.addf %mul3A_460, %mul3A_457 : vector<16xf32>
        %sub3A_462 = arith.constant 0.000000e+00 : f32
        %sub3A_463 = vector.broadcast %sub3A_462 : f32 to vector<16xf32>
        %sub3A_464 = arith.subf %sub3A_463, %add3A_461 : vector<16xf32>
        %swap3A_465 = arith.index_cast %scan3A_396 : i32 to index
        %swap3A_466 = arith.constant 0 : index
        %swap3A_467 = tpu.vector_load %arg13[%swap3A_465, %swap3A_466] {strides = array<i32>} : memref<8x128xf32, #tpu.memory_space<vmem>>, vector<1x16xf32>,
        %swap3A_468 = vector.shape_cast %swap3A_467 : vector<1x16xf32> to vector<16xf32>
        %swap3A_469 = vector.shape_cast %sub3A_464 : vector<16xf32> to vector<1x16xf32>
        tpu.vector_store %arg13[%swap3A_465, %swap3A_466], %swap3A_469 {strides = array<i32>} : memref<8x128xf32, #tpu.memory_space<vmem>>, vector<1x16xf32>,
        %get3A_470 = arith.index_cast %scan3A_396 : i32 to index
        %get3A_471 = arith.constant 16 : index
        %get3A_472 = tpu.vector_load %arg10[%get3A_470, %get3A_471] {strides = array<i32>} : memref<8x128xf32, #tpu.memory_space<vmem>>, vector<1x16xf32>,
        %get3A_473 = vector.shape_cast %get3A_472 : vector<1x16xf32> to vector<16xf32>
        %get3A_474 = arith.index_cast %scan3A_396 : i32 to index
        %get3A_475 = arith.constant 16 : index
        %get3A_476 = tpu.vector_load %arg11[%get3A_474, %get3A_475] {strides = array<i32>} : memref<8x128xf32, #tpu.memory_space<vmem>>, vector<1x16xf32>,
        %get3A_477 = vector.shape_cast %get3A_476 : vector<1x16xf32> to vector<16xf32>
        %mul3A_478 = arith.constant 0.999899983 : f32
        %mul3A_479 = vector.broadcast %mul3A_478 : f32 to vector<16xf32>
        %mul3A_480 = arith.mulf %mul3A_479, %get3A_477 : vector<16xf32>
        %sub3A_481 = arith.subf %get3A_54, %get3A_473 : vector<16xf32>
        %mul3A_482 = arith.constant 9.99999974E-5 : f32
        %mul3A_483 = vector.broadcast %mul3A_482 : f32 to vector<16xf32>
        %mul3A_484 = arith.mulf %mul3A_483, %sub3A_481 : vector<16xf32>
        %add3A_485 = arith.addf %mul3A_480, %mul3A_484 : vector<16xf32>
        %swap3A_486 = arith.index_cast %scan3A_396 : i32 to index
        %swap3A_487 = arith.constant 16 : index
        %swap3A_488 = tpu.vector_load %arg12[%swap3A_486, %swap3A_487] {strides = array<i32>} : memref<8x128xf32, #tpu.memory_space<vmem>>, vector<1x16xf32>,
        %swap3A_489 = vector.shape_cast %swap3A_488 : vector<1x16xf32> to vector<16xf32>
        %swap3A_490 = vector.shape_cast %add3A_485 : vector<16xf32> to vector<1x16xf32>
        tpu.vector_store %arg12[%swap3A_486, %swap3A_487], %swap3A_490 {strides = array<i32>} : memref<8x128xf32, #tpu.memory_space<vmem>>, vector<1x16xf32>,
        %bitcast_convert_type3A_491 = tpu.bitcast %add3A_485 : vector<16xf32> -> vector<16xi32>
        %shift_right_logical3A_492 = arith.constant 23 : i32
        %shift_right_logical3A_493 = vector.broadcast %shift_right_logical3A_492 : i32 to vector<16xi32>
        %shift_right_logical3A_494 = arith.shrui %bitcast_convert_type3A_491, %shift_right_logical3A_493 : vector<16xi32>
        %sub3A_495 = arith.constant 127 : i32
        %sub3A_496 = vector.broadcast %sub3A_495 : i32 to vector<16xi32>
        %sub3A_497 = arith.subi %shift_right_logical3A_494, %sub3A_496 : vector<16xi32>
        %and3A_498 = arith.constant 8388607 : i32
        %and3A_499 = vector.broadcast %and3A_498 : i32 to vector<16xi32>
        %and3A_500 = arith.andi %bitcast_convert_type3A_491, %and3A_499 : vector<16xi32>
        %or3A_501 = arith.constant 1065353216 : i32
        %or3A_502 = vector.broadcast %or3A_501 : i32 to vector<16xi32>
        %or3A_503 = arith.ori %and3A_500, %or3A_502 : vector<16xi32>
        %bitcast_convert_type3A_504 = tpu.bitcast %or3A_503 : vector<16xi32> -> vector<16xf32>
        %ge3A_505 = arith.constant 1.41421354 : f32
        %ge3A_506 = vector.broadcast %ge3A_505 : f32 to vector<16xf32>
        %ge3A_507 = arith.cmpf oge, %bitcast_convert_type3A_504, %ge3A_506 : vector<16xf32>
        %mul3A_508 = arith.constant 5.000000e-01 : f32
        %mul3A_509 = vector.broadcast %mul3A_508 : f32 to vector<16xf32>
        %mul3A_510 = arith.mulf %mul3A_509, %bitcast_convert_type3A_504 : vector<16xf32>
        %select_n3A_511 = arith.select %ge3A_507, %mul3A_510, %bitcast_convert_type3A_504 : vector<16xi1>, vector<16xf32>
        %convert_element_type3A_512 = arith.sitofp %sub3A_497 : vector<16xi32> to vector<16xf32>
        %jit3A_513 = arith.constant 1.000000e+00 : f32
        %jit3A_514 = arith.constant 0.000000e+00 : f32
        %broadcast_in_dim3A_515 = vector.broadcast %jit3A_513 : f32 to vector<16xf32>
        %broadcast_in_dim3A_516 = vector.broadcast %jit3A_514 : f32 to vector<16xf32>
        %select_n3A_517 = arith.select %ge3A_507, %broadcast_in_dim3A_515, %broadcast_in_dim3A_516 : vector<16xi1>, vector<16xf32>
        %add3A_518 = arith.addf %convert_element_type3A_512, %select_n3A_517 : vector<16xf32>
        %sub3A_519 = arith.constant 1.000000e+00 : f32
        %sub3A_520 = vector.broadcast %sub3A_519 : f32 to vector<16xf32>
        %sub3A_521 = arith.subf %select_n3A_511, %sub3A_520 : vector<16xf32>
        %add3A_522 = arith.constant 1.000000e+00 : f32
        %add3A_523 = vector.broadcast %add3A_522 : f32 to vector<16xf32>
        %add3A_524 = arith.addf %select_n3A_511, %add3A_523 : vector<16xf32>
        %div3A_525 = arith.divf %sub3A_521, %add3A_524 : vector<16xf32>
        %mul3A_526 = arith.mulf %div3A_525, %div3A_525 : vector<16xf32>
        %mul3A_527 = arith.constant 0.285714298 : f32
        %mul3A_528 = vector.broadcast %mul3A_527 : f32 to vector<16xf32>
        %mul3A_529 = arith.mulf %mul3A_526, %mul3A_528 : vector<16xf32>
        %add3A_530 = arith.constant 4.000000e-01 : f32
        %add3A_531 = vector.broadcast %add3A_530 : f32 to vector<16xf32>
        %add3A_532 = arith.addf %add3A_531, %mul3A_529 : vector<16xf32>
        %mul3A_533 = arith.mulf %mul3A_526, %add3A_532 : vector<16xf32>
        %add3A_534 = arith.constant 0.666666686 : f32
        %add3A_535 = vector.broadcast %add3A_534 : f32 to vector<16xf32>
        %add3A_536 = arith.addf %add3A_535, %mul3A_533 : vector<16xf32>
        %mul3A_537 = arith.mulf %mul3A_526, %add3A_536 : vector<16xf32>
        %add3A_538 = arith.constant 2.000000e+00 : f32
        %add3A_539 = vector.broadcast %add3A_538 : f32 to vector<16xf32>
        %add3A_540 = arith.addf %add3A_539, %mul3A_537 : vector<16xf32>
        %mul3A_541 = arith.mulf %div3A_525, %add3A_540 : vector<16xf32>
        %mul3A_542 = arith.constant 0.693147182 : f32
        %mul3A_543 = vector.broadcast %mul3A_542 : f32 to vector<16xf32>
        %mul3A_544 = arith.mulf %add3A_518, %mul3A_543 : vector<16xf32>
        %add3A_545 = arith.addf %mul3A_544, %mul3A_541 : vector<16xf32>
        %sub3A_546 = arith.constant 0.000000e+00 : f32
        %sub3A_547 = vector.broadcast %sub3A_546 : f32 to vector<16xf32>
        %sub3A_548 = arith.subf %sub3A_547, %add3A_545 : vector<16xf32>
        %swap3A_549 = arith.index_cast %scan3A_396 : i32 to index
        %swap3A_550 = arith.constant 16 : index
        %swap3A_551 = tpu.vector_load %arg13[%swap3A_549, %swap3A_550] {strides = array<i32>} : memref<8x128xf32, #tpu.memory_space<vmem>>, vector<1x16xf32>,
        %swap3A_552 = vector.shape_cast %swap3A_551 : vector<1x16xf32> to vector<16xf32>
        %swap3A_553 = vector.shape_cast %sub3A_548 : vector<16xf32> to vector<1x16xf32>
        tpu.vector_store %arg13[%swap3A_549, %swap3A_550], %swap3A_553 {strides = array<i32>} : memref<8x128xf32, #tpu.memory_space<vmem>>, vector<1x16xf32>,
        %get3A_554 = arith.index_cast %scan3A_396 : i32 to index
        %get3A_555 = arith.constant 32 : index
        %get3A_556 = tpu.vector_load %arg10[%get3A_554, %get3A_555] {strides = array<i32>} : memref<8x128xf32, #tpu.memory_space<vmem>>, vector<1x16xf32>,
        %get3A_557 = vector.shape_cast %get3A_556 : vector<1x16xf32> to vector<16xf32>
        %get3A_558 = arith.index_cast %scan3A_396 : i32 to index
        %get3A_559 = arith.constant 32 : index
        %get3A_560 = tpu.vector_load %arg11[%get3A_558, %get3A_559] {strides = array<i32>} : memref<8x128xf32, #tpu.memory_space<vmem>>, vector<1x16xf32>,
        %get3A_561 = vector.shape_cast %get3A_560 : vector<1x16xf32> to vector<16xf32>
        %mul3A_562 = arith.constant 0.999899983 : f32
        %mul3A_563 = vector.broadcast %mul3A_562 : f32 to vector<16xf32>
        %mul3A_564 = arith.mulf %mul3A_563, %get3A_561 : vector<16xf32>
        %sub3A_565 = arith.subf %get3A_54, %get3A_557 : vector<16xf32>
        %mul3A_566 = arith.constant 9.99999974E-5 : f32
        %mul3A_567 = vector.broadcast %mul3A_566 : f32 to vector<16xf32>
        %mul3A_568 = arith.mulf %mul3A_567, %sub3A_565 : vector<16xf32>
        %add3A_569 = arith.addf %mul3A_564, %mul3A_568 : vector<16xf32>
        %swap3A_570 = arith.index_cast %scan3A_396 : i32 to index
        %swap3A_571 = arith.constant 32 : index
        %swap3A_572 = tpu.vector_load %arg12[%swap3A_570, %swap3A_571] {strides = array<i32>} : memref<8x128xf32, #tpu.memory_space<vmem>>, vector<1x16xf32>,
        %swap3A_573 = vector.shape_cast %swap3A_572 : vector<1x16xf32> to vector<16xf32>
        %swap3A_574 = vector.shape_cast %add3A_569 : vector<16xf32> to vector<1x16xf32>
        tpu.vector_store %arg12[%swap3A_570, %swap3A_571], %swap3A_574 {strides = array<i32>} : memref<8x128xf32, #tpu.memory_space<vmem>>, vector<1x16xf32>,
        %bitcast_convert_type3A_575 = tpu.bitcast %add3A_569 : vector<16xf32> -> vector<16xi32>
        %shift_right_logical3A_576 = arith.constant 23 : i32
        %shift_right_logical3A_577 = vector.broadcast %shift_right_logical3A_576 : i32 to vector<16xi32>
        %shift_right_logical3A_578 = arith.shrui %bitcast_convert_type3A_575, %shift_right_logical3A_577 : vector<16xi32>
        %sub3A_579 = arith.constant 127 : i32
        %sub3A_580 = vector.broadcast %sub3A_579 : i32 to vector<16xi32>
        %sub3A_581 = arith.subi %shift_right_logical3A_578, %sub3A_580 : vector<16xi32>
        %and3A_582 = arith.constant 8388607 : i32
        %and3A_583 = vector.broadcast %and3A_582 : i32 to vector<16xi32>
        %and3A_584 = arith.andi %bitcast_convert_type3A_575, %and3A_583 : vector<16xi32>
        %or3A_585 = arith.constant 1065353216 : i32
        %or3A_586 = vector.broadcast %or3A_585 : i32 to vector<16xi32>
        %or3A_587 = arith.ori %and3A_584, %or3A_586 : vector<16xi32>
        %bitcast_convert_type3A_588 = tpu.bitcast %or3A_587 : vector<16xi32> -> vector<16xf32>
        %ge3A_589 = arith.constant 1.41421354 : f32
        %ge3A_590 = vector.broadcast %ge3A_589 : f32 to vector<16xf32>
        %ge3A_591 = arith.cmpf oge, %bitcast_convert_type3A_588, %ge3A_590 : vector<16xf32>
        %mul3A_592 = arith.constant 5.000000e-01 : f32
        %mul3A_593 = vector.broadcast %mul3A_592 : f32 to vector<16xf32>
        %mul3A_594 = arith.mulf %mul3A_593, %bitcast_convert_type3A_588 : vector<16xf32>
        %select_n3A_595 = arith.select %ge3A_591, %mul3A_594, %bitcast_convert_type3A_588 : vector<16xi1>, vector<16xf32>
        %convert_element_type3A_596 = arith.sitofp %sub3A_581 : vector<16xi32> to vector<16xf32>
        %jit3A_597 = arith.constant 1.000000e+00 : f32
        %jit3A_598 = arith.constant 0.000000e+00 : f32
        %broadcast_in_dim3A_599 = vector.broadcast %jit3A_597 : f32 to vector<16xf32>
        %broadcast_in_dim3A_600 = vector.broadcast %jit3A_598 : f32 to vector<16xf32>
        %select_n3A_601 = arith.select %ge3A_591, %broadcast_in_dim3A_599, %broadcast_in_dim3A_600 : vector<16xi1>, vector<16xf32>
        %add3A_602 = arith.addf %convert_element_type3A_596, %select_n3A_601 : vector<16xf32>
        %sub3A_603 = arith.constant 1.000000e+00 : f32
        %sub3A_604 = vector.broadcast %sub3A_603 : f32 to vector<16xf32>
        %sub3A_605 = arith.subf %select_n3A_595, %sub3A_604 : vector<16xf32>
        %add3A_606 = arith.constant 1.000000e+00 : f32
        %add3A_607 = vector.broadcast %add3A_606 : f32 to vector<16xf32>
        %add3A_608 = arith.addf %select_n3A_595, %add3A_607 : vector<16xf32>
        %div3A_609 = arith.divf %sub3A_605, %add3A_608 : vector<16xf32>
        %mul3A_610 = arith.mulf %div3A_609, %div3A_609 : vector<16xf32>
        %mul3A_611 = arith.constant 0.285714298 : f32
        %mul3A_612 = vector.broadcast %mul3A_611 : f32 to vector<16xf32>
        %mul3A_613 = arith.mulf %mul3A_610, %mul3A_612 : vector<16xf32>
        %add3A_614 = arith.constant 4.000000e-01 : f32
        %add3A_615 = vector.broadcast %add3A_614 : f32 to vector<16xf32>
        %add3A_616 = arith.addf %add3A_615, %mul3A_613 : vector<16xf32>
        %mul3A_617 = arith.mulf %mul3A_610, %add3A_616 : vector<16xf32>
        %add3A_618 = arith.constant 0.666666686 : f32
        %add3A_619 = vector.broadcast %add3A_618 : f32 to vector<16xf32>
        %add3A_620 = arith.addf %add3A_619, %mul3A_617 : vector<16xf32>
        %mul3A_621 = arith.mulf %mul3A_610, %add3A_620 : vector<16xf32>
        %add3A_622 = arith.constant 2.000000e+00 : f32
        %add3A_623 = vector.broadcast %add3A_622 : f32 to vector<16xf32>
        %add3A_624 = arith.addf %add3A_623, %mul3A_621 : vector<16xf32>
        %mul3A_625 = arith.mulf %div3A_609, %add3A_624 : vector<16xf32>
        %mul3A_626 = arith.constant 0.693147182 : f32
        %mul3A_627 = vector.broadcast %mul3A_626 : f32 to vector<16xf32>
        %mul3A_628 = arith.mulf %add3A_602, %mul3A_627 : vector<16xf32>
        %add3A_629 = arith.addf %mul3A_628, %mul3A_625 : vector<16xf32>
        %sub3A_630 = arith.constant 0.000000e+00 : f32
        %sub3A_631 = vector.broadcast %sub3A_630 : f32 to vector<16xf32>
        %sub3A_632 = arith.subf %sub3A_631, %add3A_629 : vector<16xf32>
        %swap3A_633 = arith.index_cast %scan3A_396 : i32 to index
        %swap3A_634 = arith.constant 32 : index
        %swap3A_635 = tpu.vector_load %arg13[%swap3A_633, %swap3A_634] {strides = array<i32>} : memref<8x128xf32, #tpu.memory_space<vmem>>, vector<1x16xf32>,
        %swap3A_636 = vector.shape_cast %swap3A_635 : vector<1x16xf32> to vector<16xf32>
        %swap3A_637 = vector.shape_cast %sub3A_632 : vector<16xf32> to vector<1x16xf32>
        tpu.vector_store %arg13[%swap3A_633, %swap3A_634], %swap3A_637 {strides = array<i32>} : memref<8x128xf32, #tpu.memory_space<vmem>>, vector<1x16xf32>,
        %get3A_638 = arith.index_cast %scan3A_396 : i32 to index
        %get3A_639 = arith.constant 48 : index
        %get3A_640 = tpu.vector_load %arg10[%get3A_638, %get3A_639] {strides = array<i32>} : memref<8x128xf32, #tpu.memory_space<vmem>>, vector<1x16xf32>,
        %get3A_641 = vector.shape_cast %get3A_640 : vector<1x16xf32> to vector<16xf32>
        %get3A_642 = arith.index_cast %scan3A_396 : i32 to index
        %get3A_643 = arith.constant 48 : index
        %get3A_644 = tpu.vector_load %arg11[%get3A_642, %get3A_643] {strides = array<i32>} : memref<8x128xf32, #tpu.memory_space<vmem>>, vector<1x16xf32>,
        %get3A_645 = vector.shape_cast %get3A_644 : vector<1x16xf32> to vector<16xf32>
        %mul3A_646 = arith.constant 0.999899983 : f32
        %mul3A_647 = vector.broadcast %mul3A_646 : f32 to vector<16xf32>
        %mul3A_648 = arith.mulf %mul3A_647, %get3A_645 : vector<16xf32>
        %sub3A_649 = arith.subf %get3A_54, %get3A_641 : vector<16xf32>
        %mul3A_650 = arith.constant 9.99999974E-5 : f32
        %mul3A_651 = vector.broadcast %mul3A_650 : f32 to vector<16xf32>
        %mul3A_652 = arith.mulf %mul3A_651, %sub3A_649 : vector<16xf32>
        %add3A_653 = arith.addf %mul3A_648, %mul3A_652 : vector<16xf32>
        %swap3A_654 = arith.index_cast %scan3A_396 : i32 to index
        %swap3A_655 = arith.constant 48 : index
        %swap3A_656 = tpu.vector_load %arg12[%swap3A_654, %swap3A_655] {strides = array<i32>} : memref<8x128xf32, #tpu.memory_space<vmem>>, vector<1x16xf32>,
        %swap3A_657 = vector.shape_cast %swap3A_656 : vector<1x16xf32> to vector<16xf32>
        %swap3A_658 = vector.shape_cast %add3A_653 : vector<16xf32> to vector<1x16xf32>
        tpu.vector_store %arg12[%swap3A_654, %swap3A_655], %swap3A_658 {strides = array<i32>} : memref<8x128xf32, #tpu.memory_space<vmem>>, vector<1x16xf32>,
        %bitcast_convert_type3A_659 = tpu.bitcast %add3A_653 : vector<16xf32> -> vector<16xi32>
        %shift_right_logical3A_660 = arith.constant 23 : i32
        %shift_right_logical3A_661 = vector.broadcast %shift_right_logical3A_660 : i32 to vector<16xi32>
        %shift_right_logical3A_662 = arith.shrui %bitcast_convert_type3A_659, %shift_right_logical3A_661 : vector<16xi32>
        %sub3A_663 = arith.constant 127 : i32
        %sub3A_664 = vector.broadcast %sub3A_663 : i32 to vector<16xi32>
        %sub3A_665 = arith.subi %shift_right_logical3A_662, %sub3A_664 : vector<16xi32>
        %and3A_666 = arith.constant 8388607 : i32
        %and3A_667 = vector.broadcast %and3A_666 : i32 to vector<16xi32>
        %and3A_668 = arith.andi %bitcast_convert_type3A_659, %and3A_667 : vector<16xi32>
        %or3A_669 = arith.constant 1065353216 : i32
        %or3A_670 = vector.broadcast %or3A_669 : i32 to vector<16xi32>
        %or3A_671 = arith.ori %and3A_668, %or3A_670 : vector<16xi32>
        %bitcast_convert_type3A_672 = tpu.bitcast %or3A_671 : vector<16xi32> -> vector<16xf32>
        %ge3A_673 = arith.constant 1.41421354 : f32
        %ge3A_674 = vector.broadcast %ge3A_673 : f32 to vector<16xf32>
        %ge3A_675 = arith.cmpf oge, %bitcast_convert_type3A_672, %ge3A_674 : vector<16xf32>
        %mul3A_676 = arith.constant 5.000000e-01 : f32
        %mul3A_677 = vector.broadcast %mul3A_676 : f32 to vector<16xf32>
        %mul3A_678 = arith.mulf %mul3A_677, %bitcast_convert_type3A_672 : vector<16xf32>
        %select_n3A_679 = arith.select %ge3A_675, %mul3A_678, %bitcast_convert_type3A_672 : vector<16xi1>, vector<16xf32>
        %convert_element_type3A_680 = arith.sitofp %sub3A_665 : vector<16xi32> to vector<16xf32>
        %jit3A_681 = arith.constant 1.000000e+00 : f32
        %jit3A_682 = arith.constant 0.000000e+00 : f32
        %broadcast_in_dim3A_683 = vector.broadcast %jit3A_681 : f32 to vector<16xf32>
        %broadcast_in_dim3A_684 = vector.broadcast %jit3A_682 : f32 to vector<16xf32>
        %select_n3A_685 = arith.select %ge3A_675, %broadcast_in_dim3A_683, %broadcast_in_dim3A_684 : vector<16xi1>, vector<16xf32>
        %add3A_686 = arith.addf %convert_element_type3A_680, %select_n3A_685 : vector<16xf32>
        %sub3A_687 = arith.constant 1.000000e+00 : f32
        %sub3A_688 = vector.broadcast %sub3A_687 : f32 to vector<16xf32>
        %sub3A_689 = arith.subf %select_n3A_679, %sub3A_688 : vector<16xf32>
        %add3A_690 = arith.constant 1.000000e+00 : f32
        %add3A_691 = vector.broadcast %add3A_690 : f32 to vector<16xf32>
        %add3A_692 = arith.addf %select_n3A_679, %add3A_691 : vector<16xf32>
        %div3A_693 = arith.divf %sub3A_689, %add3A_692 : vector<16xf32>
        %mul3A_694 = arith.mulf %div3A_693, %div3A_693 : vector<16xf32>
        %mul3A_695 = arith.constant 0.285714298 : f32
        %mul3A_696 = vector.broadcast %mul3A_695 : f32 to vector<16xf32>
        %mul3A_697 = arith.mulf %mul3A_694, %mul3A_696 : vector<16xf32>
        %add3A_698 = arith.constant 4.000000e-01 : f32
        %add3A_699 = vector.broadcast %add3A_698 : f32 to vector<16xf32>
        %add3A_700 = arith.addf %add3A_699, %mul3A_697 : vector<16xf32>
        %mul3A_701 = arith.mulf %mul3A_694, %add3A_700 : vector<16xf32>
        %add3A_702 = arith.constant 0.666666686 : f32
        %add3A_703 = vector.broadcast %add3A_702 : f32 to vector<16xf32>
        %add3A_704 = arith.addf %add3A_703, %mul3A_701 : vector<16xf32>
        %mul3A_705 = arith.mulf %mul3A_694, %add3A_704 : vector<16xf32>
        %add3A_706 = arith.constant 2.000000e+00 : f32
        %add3A_707 = vector.broadcast %add3A_706 : f32 to vector<16xf32>
        %add3A_708 = arith.addf %add3A_707, %mul3A_705 : vector<16xf32>
        %mul3A_709 = arith.mulf %div3A_693, %add3A_708 : vector<16xf32>
        %mul3A_710 = arith.constant 0.693147182 : f32
        %mul3A_711 = vector.broadcast %mul3A_710 : f32 to vector<16xf32>
        %mul3A_712 = arith.mulf %add3A_686, %mul3A_711 : vector<16xf32>
        %add3A_713 = arith.addf %mul3A_712, %mul3A_709 : vector<16xf32>
        %sub3A_714 = arith.constant 0.000000e+00 : f32
        %sub3A_715 = vector.broadcast %sub3A_714 : f32 to vector<16xf32>
        %sub3A_716 = arith.subf %sub3A_715, %add3A_713 : vector<16xf32>
        %swap3A_717 = arith.index_cast %scan3A_396 : i32 to index
        %swap3A_718 = arith.constant 48 : index
        %swap3A_719 = tpu.vector_load %arg13[%swap3A_717, %swap3A_718] {strides = array<i32>} : memref<8x128xf32, #tpu.memory_space<vmem>>, vector<1x16xf32>,
        %swap3A_720 = vector.shape_cast %swap3A_719 : vector<1x16xf32> to vector<16xf32>
        %swap3A_721 = vector.shape_cast %sub3A_716 : vector<16xf32> to vector<1x16xf32>
        tpu.vector_store %arg13[%swap3A_717, %swap3A_718], %swap3A_721 {strides = array<i32>} : memref<8x128xf32, #tpu.memory_space<vmem>>, vector<1x16xf32>,
        %get3A_722 = arith.index_cast %scan3A_396 : i32 to index
        %get3A_723 = arith.constant 64 : index
        %get3A_724 = tpu.vector_load %arg10[%get3A_722, %get3A_723] {strides = array<i32>} : memref<8x128xf32, #tpu.memory_space<vmem>>, vector<1x16xf32>,
        %get3A_725 = vector.shape_cast %get3A_724 : vector<1x16xf32> to vector<16xf32>
        %get3A_726 = arith.index_cast %scan3A_396 : i32 to index
        %get3A_727 = arith.constant 64 : index
        %get3A_728 = tpu.vector_load %arg11[%get3A_726, %get3A_727] {strides = array<i32>} : memref<8x128xf32, #tpu.memory_space<vmem>>, vector<1x16xf32>,
        %get3A_729 = vector.shape_cast %get3A_728 : vector<1x16xf32> to vector<16xf32>
        %mul3A_730 = arith.constant 0.999899983 : f32
        %mul3A_731 = vector.broadcast %mul3A_730 : f32 to vector<16xf32>
        %mul3A_732 = arith.mulf %mul3A_731, %get3A_729 : vector<16xf32>
        %sub3A_733 = arith.subf %get3A_54, %get3A_725 : vector<16xf32>
        %mul3A_734 = arith.constant 9.99999974E-5 : f32
        %mul3A_735 = vector.broadcast %mul3A_734 : f32 to vector<16xf32>
        %mul3A_736 = arith.mulf %mul3A_735, %sub3A_733 : vector<16xf32>
        %add3A_737 = arith.addf %mul3A_732, %mul3A_736 : vector<16xf32>
        %swap3A_738 = arith.index_cast %scan3A_396 : i32 to index
        %swap3A_739 = arith.constant 64 : index
        %swap3A_740 = tpu.vector_load %arg12[%swap3A_738, %swap3A_739] {strides = array<i32>} : memref<8x128xf32, #tpu.memory_space<vmem>>, vector<1x16xf32>,
        %swap3A_741 = vector.shape_cast %swap3A_740 : vector<1x16xf32> to vector<16xf32>
        %swap3A_742 = vector.shape_cast %add3A_737 : vector<16xf32> to vector<1x16xf32>
        tpu.vector_store %arg12[%swap3A_738, %swap3A_739], %swap3A_742 {strides = array<i32>} : memref<8x128xf32, #tpu.memory_space<vmem>>, vector<1x16xf32>,
        %bitcast_convert_type3A_743 = tpu.bitcast %add3A_737 : vector<16xf32> -> vector<16xi32>
        %shift_right_logical3A_744 = arith.constant 23 : i32
        %shift_right_logical3A_745 = vector.broadcast %shift_right_logical3A_744 : i32 to vector<16xi32>
        %shift_right_logical3A_746 = arith.shrui %bitcast_convert_type3A_743, %shift_right_logical3A_745 : vector<16xi32>
        %sub3A_747 = arith.constant 127 : i32
        %sub3A_748 = vector.broadcast %sub3A_747 : i32 to vector<16xi32>
        %sub3A_749 = arith.subi %shift_right_logical3A_746, %sub3A_748 : vector<16xi32>
        %and3A_750 = arith.constant 8388607 : i32
        %and3A_751 = vector.broadcast %and3A_750 : i32 to vector<16xi32>
        %and3A_752 = arith.andi %bitcast_convert_type3A_743, %and3A_751 : vector<16xi32>
        %or3A_753 = arith.constant 1065353216 : i32
        %or3A_754 = vector.broadcast %or3A_753 : i32 to vector<16xi32>
        %or3A_755 = arith.ori %and3A_752, %or3A_754 : vector<16xi32>
        %bitcast_convert_type3A_756 = tpu.bitcast %or3A_755 : vector<16xi32> -> vector<16xf32>
        %ge3A_757 = arith.constant 1.41421354 : f32
        %ge3A_758 = vector.broadcast %ge3A_757 : f32 to vector<16xf32>
        %ge3A_759 = arith.cmpf oge, %bitcast_convert_type3A_756, %ge3A_758 : vector<16xf32>
        %mul3A_760 = arith.constant 5.000000e-01 : f32
        %mul3A_761 = vector.broadcast %mul3A_760 : f32 to vector<16xf32>
        %mul3A_762 = arith.mulf %mul3A_761, %bitcast_convert_type3A_756 : vector<16xf32>
        %select_n3A_763 = arith.select %ge3A_759, %mul3A_762, %bitcast_convert_type3A_756 : vector<16xi1>, vector<16xf32>
        %convert_element_type3A_764 = arith.sitofp %sub3A_749 : vector<16xi32> to vector<16xf32>
        %jit3A_765 = arith.constant 1.000000e+00 : f32
        %jit3A_766 = arith.constant 0.000000e+00 : f32
        %broadcast_in_dim3A_767 = vector.broadcast %jit3A_765 : f32 to vector<16xf32>
        %broadcast_in_dim3A_768 = vector.broadcast %jit3A_766 : f32 to vector<16xf32>
        %select_n3A_769 = arith.select %ge3A_759, %broadcast_in_dim3A_767, %broadcast_in_dim3A_768 : vector<16xi1>, vector<16xf32>
        %add3A_770 = arith.addf %convert_element_type3A_764, %select_n3A_769 : vector<16xf32>
        %sub3A_771 = arith.constant 1.000000e+00 : f32
        %sub3A_772 = vector.broadcast %sub3A_771 : f32 to vector<16xf32>
        %sub3A_773 = arith.subf %select_n3A_763, %sub3A_772 : vector<16xf32>
        %add3A_774 = arith.constant 1.000000e+00 : f32
        %add3A_775 = vector.broadcast %add3A_774 : f32 to vector<16xf32>
        %add3A_776 = arith.addf %select_n3A_763, %add3A_775 : vector<16xf32>
        %div3A_777 = arith.divf %sub3A_773, %add3A_776 : vector<16xf32>
        %mul3A_778 = arith.mulf %div3A_777, %div3A_777 : vector<16xf32>
        %mul3A_779 = arith.constant 0.285714298 : f32
        %mul3A_780 = vector.broadcast %mul3A_779 : f32 to vector<16xf32>
        %mul3A_781 = arith.mulf %mul3A_778, %mul3A_780 : vector<16xf32>
        %add3A_782 = arith.constant 4.000000e-01 : f32
        %add3A_783 = vector.broadcast %add3A_782 : f32 to vector<16xf32>
        %add3A_784 = arith.addf %add3A_783, %mul3A_781 : vector<16xf32>
        %mul3A_785 = arith.mulf %mul3A_778, %add3A_784 : vector<16xf32>
        %add3A_786 = arith.constant 0.666666686 : f32
        %add3A_787 = vector.broadcast %add3A_786 : f32 to vector<16xf32>
        %add3A_788 = arith.addf %add3A_787, %mul3A_785 : vector<16xf32>
        %mul3A_789 = arith.mulf %mul3A_778, %add3A_788 : vector<16xf32>
        %add3A_790 = arith.constant 2.000000e+00 : f32
        %add3A_791 = vector.broadcast %add3A_790 : f32 to vector<16xf32>
        %add3A_792 = arith.addf %add3A_791, %mul3A_789 : vector<16xf32>
        %mul3A_793 = arith.mulf %div3A_777, %add3A_792 : vector<16xf32>
        %mul3A_794 = arith.constant 0.693147182 : f32
        %mul3A_795 = vector.broadcast %mul3A_794 : f32 to vector<16xf32>
        %mul3A_796 = arith.mulf %add3A_770, %mul3A_795 : vector<16xf32>
        %add3A_797 = arith.addf %mul3A_796, %mul3A_793 : vector<16xf32>
        %sub3A_798 = arith.constant 0.000000e+00 : f32
        %sub3A_799 = vector.broadcast %sub3A_798 : f32 to vector<16xf32>
        %sub3A_800 = arith.subf %sub3A_799, %add3A_797 : vector<16xf32>
        %swap3A_801 = arith.index_cast %scan3A_396 : i32 to index
        %swap3A_802 = arith.constant 64 : index
        %swap3A_803 = tpu.vector_load %arg13[%swap3A_801, %swap3A_802] {strides = array<i32>} : memref<8x128xf32, #tpu.memory_space<vmem>>, vector<1x16xf32>,
        %swap3A_804 = vector.shape_cast %swap3A_803 : vector<1x16xf32> to vector<16xf32>
        %swap3A_805 = vector.shape_cast %sub3A_800 : vector<16xf32> to vector<1x16xf32>
        tpu.vector_store %arg13[%swap3A_801, %swap3A_802], %swap3A_805 {strides = array<i32>} : memref<8x128xf32, #tpu.memory_space<vmem>>, vector<1x16xf32>,
        %get3A_806 = arith.index_cast %scan3A_396 : i32 to index
        %get3A_807 = arith.constant 80 : index
        %get3A_808 = tpu.vector_load %arg10[%get3A_806, %get3A_807] {strides = array<i32>} : memref<8x128xf32, #tpu.memory_space<vmem>>, vector<1x16xf32>,
        %get3A_809 = vector.shape_cast %get3A_808 : vector<1x16xf32> to vector<16xf32>
        %get3A_810 = arith.index_cast %scan3A_396 : i32 to index
        %get3A_811 = arith.constant 80 : index
        %get3A_812 = tpu.vector_load %arg11[%get3A_810, %get3A_811] {strides = array<i32>} : memref<8x128xf32, #tpu.memory_space<vmem>>, vector<1x16xf32>,
        %get3A_813 = vector.shape_cast %get3A_812 : vector<1x16xf32> to vector<16xf32>
        %mul3A_814 = arith.constant 0.999899983 : f32
        %mul3A_815 = vector.broadcast %mul3A_814 : f32 to vector<16xf32>
        %mul3A_816 = arith.mulf %mul3A_815, %get3A_813 : vector<16xf32>
        %sub3A_817 = arith.subf %get3A_54, %get3A_809 : vector<16xf32>
        %mul3A_818 = arith.constant 9.99999974E-5 : f32
        %mul3A_819 = vector.broadcast %mul3A_818 : f32 to vector<16xf32>
        %mul3A_820 = arith.mulf %mul3A_819, %sub3A_817 : vector<16xf32>
        %add3A_821 = arith.addf %mul3A_816, %mul3A_820 : vector<16xf32>
        %swap3A_822 = arith.index_cast %scan3A_396 : i32 to index
        %swap3A_823 = arith.constant 80 : index
        %swap3A_824 = tpu.vector_load %arg12[%swap3A_822, %swap3A_823] {strides = array<i32>} : memref<8x128xf32, #tpu.memory_space<vmem>>, vector<1x16xf32>,
        %swap3A_825 = vector.shape_cast %swap3A_824 : vector<1x16xf32> to vector<16xf32>
        %swap3A_826 = vector.shape_cast %add3A_821 : vector<16xf32> to vector<1x16xf32>
        tpu.vector_store %arg12[%swap3A_822, %swap3A_823], %swap3A_826 {strides = array<i32>} : memref<8x128xf32, #tpu.memory_space<vmem>>, vector<1x16xf32>,
        %bitcast_convert_type3A_827 = tpu.bitcast %add3A_821 : vector<16xf32> -> vector<16xi32>
        %shift_right_logical3A_828 = arith.constant 23 : i32
        %shift_right_logical3A_829 = vector.broadcast %shift_right_logical3A_828 : i32 to vector<16xi32>
        %shift_right_logical3A_830 = arith.shrui %bitcast_convert_type3A_827, %shift_right_logical3A_829 : vector<16xi32>
        %sub3A_831 = arith.constant 127 : i32
        %sub3A_832 = vector.broadcast %sub3A_831 : i32 to vector<16xi32>
        %sub3A_833 = arith.subi %shift_right_logical3A_830, %sub3A_832 : vector<16xi32>
        %and3A_834 = arith.constant 8388607 : i32
        %and3A_835 = vector.broadcast %and3A_834 : i32 to vector<16xi32>
        %and3A_836 = arith.andi %bitcast_convert_type3A_827, %and3A_835 : vector<16xi32>
        %or3A_837 = arith.constant 1065353216 : i32
        %or3A_838 = vector.broadcast %or3A_837 : i32 to vector<16xi32>
        %or3A_839 = arith.ori %and3A_836, %or3A_838 : vector<16xi32>
        %bitcast_convert_type3A_840 = tpu.bitcast %or3A_839 : vector<16xi32> -> vector<16xf32>
        %ge3A_841 = arith.constant 1.41421354 : f32
        %ge3A_842 = vector.broadcast %ge3A_841 : f32 to vector<16xf32>
        %ge3A_843 = arith.cmpf oge, %bitcast_convert_type3A_840, %ge3A_842 : vector<16xf32>
        %mul3A_844 = arith.constant 5.000000e-01 : f32
        %mul3A_845 = vector.broadcast %mul3A_844 : f32 to vector<16xf32>
        %mul3A_846 = arith.mulf %mul3A_845, %bitcast_convert_type3A_840 : vector<16xf32>
        %select_n3A_847 = arith.select %ge3A_843, %mul3A_846, %bitcast_convert_type3A_840 : vector<16xi1>, vector<16xf32>
        %convert_element_type3A_848 = arith.sitofp %sub3A_833 : vector<16xi32> to vector<16xf32>
        %jit3A_849 = arith.constant 1.000000e+00 : f32
        %jit3A_850 = arith.constant 0.000000e+00 : f32
        %broadcast_in_dim3A_851 = vector.broadcast %jit3A_849 : f32 to vector<16xf32>
        %broadcast_in_dim3A_852 = vector.broadcast %jit3A_850 : f32 to vector<16xf32>
        %select_n3A_853 = arith.select %ge3A_843, %broadcast_in_dim3A_851, %broadcast_in_dim3A_852 : vector<16xi1>, vector<16xf32>
        %add3A_854 = arith.addf %convert_element_type3A_848, %select_n3A_853 : vector<16xf32>
        %sub3A_855 = arith.constant 1.000000e+00 : f32
        %sub3A_856 = vector.broadcast %sub3A_855 : f32 to vector<16xf32>
        %sub3A_857 = arith.subf %select_n3A_847, %sub3A_856 : vector<16xf32>
        %add3A_858 = arith.constant 1.000000e+00 : f32
        %add3A_859 = vector.broadcast %add3A_858 : f32 to vector<16xf32>
        %add3A_860 = arith.addf %select_n3A_847, %add3A_859 : vector<16xf32>
        %div3A_861 = arith.divf %sub3A_857, %add3A_860 : vector<16xf32>
        %mul3A_862 = arith.mulf %div3A_861, %div3A_861 : vector<16xf32>
        %mul3A_863 = arith.constant 0.285714298 : f32
        %mul3A_864 = vector.broadcast %mul3A_863 : f32 to vector<16xf32>
        %mul3A_865 = arith.mulf %mul3A_862, %mul3A_864 : vector<16xf32>
        %add3A_866 = arith.constant 4.000000e-01 : f32
        %add3A_867 = vector.broadcast %add3A_866 : f32 to vector<16xf32>
        %add3A_868 = arith.addf %add3A_867, %mul3A_865 : vector<16xf32>
        %mul3A_869 = arith.mulf %mul3A_862, %add3A_868 : vector<16xf32>
        %add3A_870 = arith.constant 0.666666686 : f32
        %add3A_871 = vector.broadcast %add3A_870 : f32 to vector<16xf32>
        %add3A_872 = arith.addf %add3A_871, %mul3A_869 : vector<16xf32>
        %mul3A_873 = arith.mulf %mul3A_862, %add3A_872 : vector<16xf32>
        %add3A_874 = arith.constant 2.000000e+00 : f32
        %add3A_875 = vector.broadcast %add3A_874 : f32 to vector<16xf32>
        %add3A_876 = arith.addf %add3A_875, %mul3A_873 : vector<16xf32>
        %mul3A_877 = arith.mulf %div3A_861, %add3A_876 : vector<16xf32>
        %mul3A_878 = arith.constant 0.693147182 : f32
        %mul3A_879 = vector.broadcast %mul3A_878 : f32 to vector<16xf32>
        %mul3A_880 = arith.mulf %add3A_854, %mul3A_879 : vector<16xf32>
        %add3A_881 = arith.addf %mul3A_880, %mul3A_877 : vector<16xf32>
        %sub3A_882 = arith.constant 0.000000e+00 : f32
        %sub3A_883 = vector.broadcast %sub3A_882 : f32 to vector<16xf32>
        %sub3A_884 = arith.subf %sub3A_883, %add3A_881 : vector<16xf32>
        %swap3A_885 = arith.index_cast %scan3A_396 : i32 to index
        %swap3A_886 = arith.constant 80 : index
        %swap3A_887 = tpu.vector_load %arg13[%swap3A_885, %swap3A_886] {strides = array<i32>} : memref<8x128xf32, #tpu.memory_space<vmem>>, vector<1x16xf32>,
        %swap3A_888 = vector.shape_cast %swap3A_887 : vector<1x16xf32> to vector<16xf32>
        %swap3A_889 = vector.shape_cast %sub3A_884 : vector<16xf32> to vector<1x16xf32>
        tpu.vector_store %arg13[%swap3A_885, %swap3A_886], %swap3A_889 {strides = array<i32>} : memref<8x128xf32, #tpu.memory_space<vmem>>, vector<1x16xf32>,
        %get3A_890 = arith.index_cast %scan3A_396 : i32 to index
        %get3A_891 = arith.constant 96 : index
        %get3A_892 = tpu.vector_load %arg10[%get3A_890, %get3A_891] {strides = array<i32>} : memref<8x128xf32, #tpu.memory_space<vmem>>, vector<1x16xf32>,
        %get3A_893 = vector.shape_cast %get3A_892 : vector<1x16xf32> to vector<16xf32>
        %get3A_894 = arith.index_cast %scan3A_396 : i32 to index
        %get3A_895 = arith.constant 96 : index
        %get3A_896 = tpu.vector_load %arg11[%get3A_894, %get3A_895] {strides = array<i32>} : memref<8x128xf32, #tpu.memory_space<vmem>>, vector<1x16xf32>,
        %get3A_897 = vector.shape_cast %get3A_896 : vector<1x16xf32> to vector<16xf32>
        %mul3A_898 = arith.constant 0.999899983 : f32
        %mul3A_899 = vector.broadcast %mul3A_898 : f32 to vector<16xf32>
        %mul3A_900 = arith.mulf %mul3A_899, %get3A_897 : vector<16xf32>
        %sub3A_901 = arith.subf %get3A_54, %get3A_893 : vector<16xf32>
        %mul3A_902 = arith.constant 9.99999974E-5 : f32
        %mul3A_903 = vector.broadcast %mul3A_902 : f32 to vector<16xf32>
        %mul3A_904 = arith.mulf %mul3A_903, %sub3A_901 : vector<16xf32>
        %add3A_905 = arith.addf %mul3A_900, %mul3A_904 : vector<16xf32>
        %swap3A_906 = arith.index_cast %scan3A_396 : i32 to index
        %swap3A_907 = arith.constant 96 : index
        %swap3A_908 = tpu.vector_load %arg12[%swap3A_906, %swap3A_907] {strides = array<i32>} : memref<8x128xf32, #tpu.memory_space<vmem>>, vector<1x16xf32>,
        %swap3A_909 = vector.shape_cast %swap3A_908 : vector<1x16xf32> to vector<16xf32>
        %swap3A_910 = vector.shape_cast %add3A_905 : vector<16xf32> to vector<1x16xf32>
        tpu.vector_store %arg12[%swap3A_906, %swap3A_907], %swap3A_910 {strides = array<i32>} : memref<8x128xf32, #tpu.memory_space<vmem>>, vector<1x16xf32>,
        %bitcast_convert_type3A_911 = tpu.bitcast %add3A_905 : vector<16xf32> -> vector<16xi32>
        %shift_right_logical3A_912 = arith.constant 23 : i32
        %shift_right_logical3A_913 = vector.broadcast %shift_right_logical3A_912 : i32 to vector<16xi32>
        %shift_right_logical3A_914 = arith.shrui %bitcast_convert_type3A_911, %shift_right_logical3A_913 : vector<16xi32>
        %sub3A_915 = arith.constant 127 : i32
        %sub3A_916 = vector.broadcast %sub3A_915 : i32 to vector<16xi32>
        %sub3A_917 = arith.subi %shift_right_logical3A_914, %sub3A_916 : vector<16xi32>
        %and3A_918 = arith.constant 8388607 : i32
        %and3A_919 = vector.broadcast %and3A_918 : i32 to vector<16xi32>
        %and3A_920 = arith.andi %bitcast_convert_type3A_911, %and3A_919 : vector<16xi32>
        %or3A_921 = arith.constant 1065353216 : i32
        %or3A_922 = vector.broadcast %or3A_921 : i32 to vector<16xi32>
        %or3A_923 = arith.ori %and3A_920, %or3A_922 : vector<16xi32>
        %bitcast_convert_type3A_924 = tpu.bitcast %or3A_923 : vector<16xi32> -> vector<16xf32>
        %ge3A_925 = arith.constant 1.41421354 : f32
        %ge3A_926 = vector.broadcast %ge3A_925 : f32 to vector<16xf32>
        %ge3A_927 = arith.cmpf oge, %bitcast_convert_type3A_924, %ge3A_926 : vector<16xf32>
        %mul3A_928 = arith.constant 5.000000e-01 : f32
        %mul3A_929 = vector.broadcast %mul3A_928 : f32 to vector<16xf32>
        %mul3A_930 = arith.mulf %mul3A_929, %bitcast_convert_type3A_924 : vector<16xf32>
        %select_n3A_931 = arith.select %ge3A_927, %mul3A_930, %bitcast_convert_type3A_924 : vector<16xi1>, vector<16xf32>
        %convert_element_type3A_932 = arith.sitofp %sub3A_917 : vector<16xi32> to vector<16xf32>
        %jit3A_933 = arith.constant 1.000000e+00 : f32
        %jit3A_934 = arith.constant 0.000000e+00 : f32
        %broadcast_in_dim3A_935 = vector.broadcast %jit3A_933 : f32 to vector<16xf32>
        %broadcast_in_dim3A_936 = vector.broadcast %jit3A_934 : f32 to vector<16xf32>
        %select_n3A_937 = arith.select %ge3A_927, %broadcast_in_dim3A_935, %broadcast_in_dim3A_936 : vector<16xi1>, vector<16xf32>
        %add3A_938 = arith.addf %convert_element_type3A_932, %select_n3A_937 : vector<16xf32>
        %sub3A_939 = arith.constant 1.000000e+00 : f32
        %sub3A_940 = vector.broadcast %sub3A_939 : f32 to vector<16xf32>
        %sub3A_941 = arith.subf %select_n3A_931, %sub3A_940 : vector<16xf32>
        %add3A_942 = arith.constant 1.000000e+00 : f32
        %add3A_943 = vector.broadcast %add3A_942 : f32 to vector<16xf32>
        %add3A_944 = arith.addf %select_n3A_931, %add3A_943 : vector<16xf32>
        %div3A_945 = arith.divf %sub3A_941, %add3A_944 : vector<16xf32>
        %mul3A_946 = arith.mulf %div3A_945, %div3A_945 : vector<16xf32>
        %mul3A_947 = arith.constant 0.285714298 : f32
        %mul3A_948 = vector.broadcast %mul3A_947 : f32 to vector<16xf32>
        %mul3A_949 = arith.mulf %mul3A_946, %mul3A_948 : vector<16xf32>
        %add3A_950 = arith.constant 4.000000e-01 : f32
        %add3A_951 = vector.broadcast %add3A_950 : f32 to vector<16xf32>
        %add3A_952 = arith.addf %add3A_951, %mul3A_949 : vector<16xf32>
        %mul3A_953 = arith.mulf %mul3A_946, %add3A_952 : vector<16xf32>
        %add3A_954 = arith.constant 0.666666686 : f32
        %add3A_955 = vector.broadcast %add3A_954 : f32 to vector<16xf32>
        %add3A_956 = arith.addf %add3A_955, %mul3A_953 : vector<16xf32>
        %mul3A_957 = arith.mulf %mul3A_946, %add3A_956 : vector<16xf32>
        %add3A_958 = arith.constant 2.000000e+00 : f32
        %add3A_959 = vector.broadcast %add3A_958 : f32 to vector<16xf32>
        %add3A_960 = arith.addf %add3A_959, %mul3A_957 : vector<16xf32>
        %mul3A_961 = arith.mulf %div3A_945, %add3A_960 : vector<16xf32>
        %mul3A_962 = arith.constant 0.693147182 : f32
        %mul3A_963 = vector.broadcast %mul3A_962 : f32 to vector<16xf32>
        %mul3A_964 = arith.mulf %add3A_938, %mul3A_963 : vector<16xf32>
        %add3A_965 = arith.addf %mul3A_964, %mul3A_961 : vector<16xf32>
        %sub3A_966 = arith.constant 0.000000e+00 : f32
        %sub3A_967 = vector.broadcast %sub3A_966 : f32 to vector<16xf32>
        %sub3A_968 = arith.subf %sub3A_967, %add3A_965 : vector<16xf32>
        %swap3A_969 = arith.index_cast %scan3A_396 : i32 to index
        %swap3A_970 = arith.constant 96 : index
        %swap3A_971 = tpu.vector_load %arg13[%swap3A_969, %swap3A_970] {strides = array<i32>} : memref<8x128xf32, #tpu.memory_space<vmem>>, vector<1x16xf32>,
        %swap3A_972 = vector.shape_cast %swap3A_971 : vector<1x16xf32> to vector<16xf32>
        %swap3A_973 = vector.shape_cast %sub3A_968 : vector<16xf32> to vector<1x16xf32>
        tpu.vector_store %arg13[%swap3A_969, %swap3A_970], %swap3A_973 {strides = array<i32>} : memref<8x128xf32, #tpu.memory_space<vmem>>, vector<1x16xf32>,
        %get3A_974 = arith.index_cast %scan3A_396 : i32 to index
        %get3A_975 = arith.constant 112 : index
        %get3A_976 = tpu.vector_load %arg10[%get3A_974, %get3A_975] {strides = array<i32>} : memref<8x128xf32, #tpu.memory_space<vmem>>, vector<1x16xf32>,
        %get3A_977 = vector.shape_cast %get3A_976 : vector<1x16xf32> to vector<16xf32>
        %get3A_978 = arith.index_cast %scan3A_396 : i32 to index
        %get3A_979 = arith.constant 112 : index
        %get3A_980 = tpu.vector_load %arg11[%get3A_978, %get3A_979] {strides = array<i32>} : memref<8x128xf32, #tpu.memory_space<vmem>>, vector<1x16xf32>,
        %get3A_981 = vector.shape_cast %get3A_980 : vector<1x16xf32> to vector<16xf32>
        %mul3A_982 = arith.constant 0.999899983 : f32
        %mul3A_983 = vector.broadcast %mul3A_982 : f32 to vector<16xf32>
        %mul3A_984 = arith.mulf %mul3A_983, %get3A_981 : vector<16xf32>
        %sub3A_985 = arith.subf %get3A_54, %get3A_977 : vector<16xf32>
        %mul3A_986 = arith.constant 9.99999974E-5 : f32
        %mul3A_987 = vector.broadcast %mul3A_986 : f32 to vector<16xf32>
        %mul3A_988 = arith.mulf %mul3A_987, %sub3A_985 : vector<16xf32>
        %add3A_989 = arith.addf %mul3A_984, %mul3A_988 : vector<16xf32>
        %swap3A_990 = arith.index_cast %scan3A_396 : i32 to index
        %swap3A_991 = arith.constant 112 : index
        %swap3A_992 = tpu.vector_load %arg12[%swap3A_990, %swap3A_991] {strides = array<i32>} : memref<8x128xf32, #tpu.memory_space<vmem>>, vector<1x16xf32>,
        %swap3A_993 = vector.shape_cast %swap3A_992 : vector<1x16xf32> to vector<16xf32>
        %swap3A_994 = vector.shape_cast %add3A_989 : vector<16xf32> to vector<1x16xf32>
        tpu.vector_store %arg12[%swap3A_990, %swap3A_991], %swap3A_994 {strides = array<i32>} : memref<8x128xf32, #tpu.memory_space<vmem>>, vector<1x16xf32>,
        %bitcast_convert_type3A_995 = tpu.bitcast %add3A_989 : vector<16xf32> -> vector<16xi32>
        %shift_right_logical3A_996 = arith.constant 23 : i32
        %shift_right_logical3A_997 = vector.broadcast %shift_right_logical3A_996 : i32 to vector<16xi32>
        %shift_right_logical3A_998 = arith.shrui %bitcast_convert_type3A_995, %shift_right_logical3A_997 : vector<16xi32>
        %sub3A_999 = arith.constant 127 : i32
        %sub3A_1000 = vector.broadcast %sub3A_999 : i32 to vector<16xi32>
        %sub3A_1001 = arith.subi %shift_right_logical3A_998, %sub3A_1000 : vector<16xi32>
        %and3A_1002 = arith.constant 8388607 : i32
        %and3A_1003 = vector.broadcast %and3A_1002 : i32 to vector<16xi32>
        %and3A_1004 = arith.andi %bitcast_convert_type3A_995, %and3A_1003 : vector<16xi32>
        %or3A_1005 = arith.constant 1065353216 : i32
        %or3A_1006 = vector.broadcast %or3A_1005 : i32 to vector<16xi32>
        %or3A_1007 = arith.ori %and3A_1004, %or3A_1006 : vector<16xi32>
        %bitcast_convert_type3A_1008 = tpu.bitcast %or3A_1007 : vector<16xi32> -> vector<16xf32>
        %ge3A_1009 = arith.constant 1.41421354 : f32
        %ge3A_1010 = vector.broadcast %ge3A_1009 : f32 to vector<16xf32>
        %ge3A_1011 = arith.cmpf oge, %bitcast_convert_type3A_1008, %ge3A_1010 : vector<16xf32>
        %mul3A_1012 = arith.constant 5.000000e-01 : f32
        %mul3A_1013 = vector.broadcast %mul3A_1012 : f32 to vector<16xf32>
        %mul3A_1014 = arith.mulf %mul3A_1013, %bitcast_convert_type3A_1008 : vector<16xf32>
        %select_n3A_1015 = arith.select %ge3A_1011, %mul3A_1014, %bitcast_convert_type3A_1008 : vector<16xi1>, vector<16xf32>
        %convert_element_type3A_1016 = arith.sitofp %sub3A_1001 : vector<16xi32> to vector<16xf32>
        %jit3A_1017 = arith.constant 1.000000e+00 : f32
        %jit3A_1018 = arith.constant 0.000000e+00 : f32
        %broadcast_in_dim3A_1019 = vector.broadcast %jit3A_1017 : f32 to vector<16xf32>
        %broadcast_in_dim3A_1020 = vector.broadcast %jit3A_1018 : f32 to vector<16xf32>
        %select_n3A_1021 = arith.select %ge3A_1011, %broadcast_in_dim3A_1019, %broadcast_in_dim3A_1020 : vector<16xi1>, vector<16xf32>
        %add3A_1022 = arith.addf %convert_element_type3A_1016, %select_n3A_1021 : vector<16xf32>
        %sub3A_1023 = arith.constant 1.000000e+00 : f32
        %sub3A_1024 = vector.broadcast %sub3A_1023 : f32 to vector<16xf32>
        %sub3A_1025 = arith.subf %select_n3A_1015, %sub3A_1024 : vector<16xf32>
        %add3A_1026 = arith.constant 1.000000e+00 : f32
        %add3A_1027 = vector.broadcast %add3A_1026 : f32 to vector<16xf32>
        %add3A_1028 = arith.addf %select_n3A_1015, %add3A_1027 : vector<16xf32>
        %div3A_1029 = arith.divf %sub3A_1025, %add3A_1028 : vector<16xf32>
        %mul3A_1030 = arith.mulf %div3A_1029, %div3A_1029 : vector<16xf32>
        %mul3A_1031 = arith.constant 0.285714298 : f32
        %mul3A_1032 = vector.broadcast %mul3A_1031 : f32 to vector<16xf32>
        %mul3A_1033 = arith.mulf %mul3A_1030, %mul3A_1032 : vector<16xf32>
        %add3A_1034 = arith.constant 4.000000e-01 : f32
        %add3A_1035 = vector.broadcast %add3A_1034 : f32 to vector<16xf32>
        %add3A_1036 = arith.addf %add3A_1035, %mul3A_1033 : vector<16xf32>
        %mul3A_1037 = arith.mulf %mul3A_1030, %add3A_1036 : vector<16xf32>
        %add3A_1038 = arith.constant 0.666666686 : f32
        %add3A_1039 = vector.broadcast %add3A_1038 : f32 to vector<16xf32>
        %add3A_1040 = arith.addf %add3A_1039, %mul3A_1037 : vector<16xf32>
        %mul3A_1041 = arith.mulf %mul3A_1030, %add3A_1040 : vector<16xf32>
        %add3A_1042 = arith.constant 2.000000e+00 : f32
        %add3A_1043 = vector.broadcast %add3A_1042 : f32 to vector<16xf32>
        %add3A_1044 = arith.addf %add3A_1043, %mul3A_1041 : vector<16xf32>
        %mul3A_1045 = arith.mulf %div3A_1029, %add3A_1044 : vector<16xf32>
        %mul3A_1046 = arith.constant 0.693147182 : f32
        %mul3A_1047 = vector.broadcast %mul3A_1046 : f32 to vector<16xf32>
        %mul3A_1048 = arith.mulf %add3A_1022, %mul3A_1047 : vector<16xf32>
        %add3A_1049 = arith.addf %mul3A_1048, %mul3A_1045 : vector<16xf32>
        %sub3A_1050 = arith.constant 0.000000e+00 : f32
        %sub3A_1051 = vector.broadcast %sub3A_1050 : f32 to vector<16xf32>
        %sub3A_1052 = arith.subf %sub3A_1051, %add3A_1049 : vector<16xf32>
        %swap3A_1053 = arith.index_cast %scan3A_396 : i32 to index
        %swap3A_1054 = arith.constant 112 : index
        %swap3A_1055 = tpu.vector_load %arg13[%swap3A_1053, %swap3A_1054] {strides = array<i32>} : memref<8x128xf32, #tpu.memory_space<vmem>>, vector<1x16xf32>,
        %swap3A_1056 = vector.shape_cast %swap3A_1055 : vector<1x16xf32> to vector<16xf32>
        %swap3A_1057 = vector.shape_cast %sub3A_1052 : vector<16xf32> to vector<1x16xf32>
        tpu.vector_store %arg13[%swap3A_1053, %swap3A_1054], %swap3A_1057 {strides = array<i32>} : memref<8x128xf32, #tpu.memory_space<vmem>>, vector<1x16xf32>,
      }
      %scan3A_393 = arith.constant 8 : i32
      %mul3A_394 = arith.constant 8 : i32
      %mul3A_395 = arith.muli %arg1, %mul3A_394 : i32
      "tpu.region"() ({
        %run_scoped3A = tpu.sem_alloc : memref<!tpu.dma_semaphore, #tpu.memory_space<semaphore_mem>>
        %dma_start3A_396 = arith.constant 0 : i32
        %dma_start3A_397 = tpu.memref_slice %arg6[%mul3A_395, %dma_start3A_396] : memref<128x128xf32, #tpu.memory_space<hbm>> -> memref<8x128xf32, #tpu.memory_space<hbm>>
        %dma_start3A_398 = arith.constant 0 : i32
        %dma_start3A_399 = tpu.memref_slice %arg6[%mul3A_395, %dma_start3A_398] : memref<128x128xf32, #tpu.memory_space<hbm>> -> memref<8x128xf32, #tpu.memory_space<hbm>>
        tpu.enqueue_dma source(%arg13 : memref<8x128xf32, #tpu.memory_space<vmem>>) target(%dma_start3A_399 : memref<8x128xf32, #tpu.memory_space<hbm>>) target_semaphore(%run_scoped3A : memref<!tpu.dma_semaphore, #tpu.memory_space<semaphore_mem>>)
        %dma_wait3A_400 = arith.constant 0 : i32
        %dma_wait3A_401 = tpu.memref_slice %arg6[%mul3A_395, %dma_wait3A_400] : memref<128x128xf32, #tpu.memory_space<hbm>> -> memref<8x128xf32, #tpu.memory_space<hbm>>
        %dma_wait3A_402 = arith.constant 0 : i32
        %dma_wait3A_403 = tpu.memref_slice %arg6[%mul3A_395, %dma_wait3A_402] : memref<128x128xf32, #tpu.memory_space<hbm>> -> memref<8x128xf32, #tpu.memory_space<hbm>>
        tpu.wait_dma2 semaphore(%run_scoped3A : memref<!tpu.dma_semaphore, #tpu.memory_space<semaphore_mem>>) src(%arg13 : memref<8x128xf32, #tpu.memory_space<vmem>>) dst(%dma_wait3A_403 : memref<8x128xf32, #tpu.memory_space<hbm>>)
        tpu.yield
      }) : () -> ()
    } else {
    }
    %not3A_60 = arith.constant true
    %not3A_61 = arith.xori %eq3A_3, %not3A_60 : i1
    %convert_element_type3A_62 = arith.extui %not3A_61 : i1 to i32
    %cond3A_63 = arith.constant 0 : i32
    %cond3A_64 = arith.cmpi ne, %convert_element_type3A_62, %cond3A_63 : i32
    scf.if %cond3A_64 {
      %dma_wait3A_229 = tpu.memref_slice %arg16[%mul3A_0] : memref<1000064xf32, #tpu.memory_space<vmem_shared>> -> memref<62504xf32, #tpu.memory_space<vmem_shared>>
      %dma_wait3A_230 = tpu.memref_slice %arg16[%mul3A_0] : memref<1000064xf32, #tpu.memory_space<vmem_shared>> -> memref<62504xf32, #tpu.memory_space<vmem_shared>>
      tpu.wait_dma2 semaphore(%arg17 : memref<!tpu.dma_semaphore, #tpu.memory_space<semaphore_mem>>) src(%arg15 : memref<62504xf32, #tpu.memory_space<vmem>>) dst(%dma_wait3A_230 : memref<62504xf32, #tpu.memory_space<vmem_shared>>)
    } else {
    }
    %convert_element_type3A_65 = arith.extui %eq3A_3 : i1 to i32
    %cond3A_66 = arith.constant 0 : i32
    %cond3A_67 = arith.cmpi ne, %convert_element_type3A_65, %cond3A_66 : i32
    scf.if %cond3A_67 {
      %dma_wait3A_229 = arith.constant 0 : i32
      %dma_wait3A_230 = tpu.memref_slice %arg15[%dma_wait3A_229] : memref<62504xf32, #tpu.memory_space<vmem>> -> memref<62441xf32, #tpu.memory_space<vmem>>
      %dma_wait3A_231 = tpu.memref_slice %arg16[%mul3A_0] : memref<1000064xf32, #tpu.memory_space<vmem_shared>> -> memref<62441xf32, #tpu.memory_space<vmem_shared>>
      %dma_wait3A_232 = tpu.memref_slice %arg16[%mul3A_0] : memref<1000064xf32, #tpu.memory_space<vmem_shared>> -> memref<62441xf32, #tpu.memory_space<vmem_shared>>
      %dma_wait3A_233 = arith.constant 0 : i32
      %dma_wait3A_234 = tpu.memref_slice %arg15[%dma_wait3A_233] : memref<62504xf32, #tpu.memory_space<vmem>> -> memref<62441xf32, #tpu.memory_space<vmem>>
      tpu.wait_dma2 semaphore(%arg17 : memref<!tpu.dma_semaphore, #tpu.memory_space<semaphore_mem>>) src(%dma_wait3A_234 : memref<62441xf32, #tpu.memory_space<vmem>>) dst(%dma_wait3A_232 : memref<62441xf32, #tpu.memory_space<vmem_shared>>)
    } else {
    }
    %barrier3A = arith.constant 0 : index
    tpu.barrier barrier_id(%barrier3A)
    %convert_element_type3A_68 = arith.extui %eq3A_1 : i1 to i32
    %cond3A_69 = arith.constant 0 : i32
    %cond3A_70 = arith.cmpi ne, %convert_element_type3A_68, %cond3A_69 : i32
    scf.if %cond3A_70 {
      %dma_start3A_229 = arith.constant 0 : i32
      %dma_start3A_230 = arith.constant 0 : i32
      %dma_start3A_231 = tpu.memref_slice %arg9[%dma_start3A_229, %dma_start3A_230] : memref<8x128xi32, #tpu.memory_space<vmem>> -> memref<1x128xi32, #tpu.memory_space<vmem>>
      %dma_start3A_232 = tpu.memref_squeeze %dma_start3A_231 : memref<1x128xi32, #tpu.memory_space<vmem>> -> memref<128xi32, #tpu.memory_space<vmem>>
      %dma_start3A_233 = arith.constant 0 : i32
      %dma_start3A_234 = tpu.memref_slice %arg16[%dma_start3A_233] : memref<1000064xf32, #tpu.memory_space<vmem_shared>> -> memref<1000064xf32, #tpu.memory_space<vmem_shared>>
      tpu.enqueue_indirect_dma source(%arg14 : memref<128xf32, #tpu.memory_space<vmem>>) target(%dma_start3A_234 : memref<1000064xf32, #tpu.memory_space<vmem_shared>>) offsets(%dma_start3A_232 : memref<128xi32, #tpu.memory_space<vmem>>) semaphore(%arg19 : memref<!tpu.dma_semaphore, #tpu.memory_space<semaphore_mem>>)
      %dma_start3A_235 = arith.constant 1 : i32
      %dma_start3A_236 = arith.constant 0 : i32
      %dma_start3A_237 = tpu.memref_slice %arg9[%dma_start3A_235, %dma_start3A_236] : memref<8x128xi32, #tpu.memory_space<vmem>> -> memref<1x128xi32, #tpu.memory_space<vmem>>
      %dma_start3A_238 = tpu.memref_squeeze %dma_start3A_237 : memref<1x128xi32, #tpu.memory_space<vmem>> -> memref<128xi32, #tpu.memory_space<vmem>>
      %dma_start3A_239 = arith.constant 0 : i32
      %dma_start3A_240 = tpu.memref_slice %arg16[%dma_start3A_239] : memref<1000064xf32, #tpu.memory_space<vmem_shared>> -> memref<1000064xf32, #tpu.memory_space<vmem_shared>>
      tpu.enqueue_indirect_dma source(%arg14 : memref<128xf32, #tpu.memory_space<vmem>>) target(%dma_start3A_240 : memref<1000064xf32, #tpu.memory_space<vmem_shared>>) offsets(%dma_start3A_238 : memref<128xi32, #tpu.memory_space<vmem>>) semaphore(%arg19 : memref<!tpu.dma_semaphore, #tpu.memory_space<semaphore_mem>>)
      %dma_start3A_241 = arith.constant 2 : i32
      %dma_start3A_242 = arith.constant 0 : i32
      %dma_start3A_243 = tpu.memref_slice %arg9[%dma_start3A_241, %dma_start3A_242] : memref<8x128xi32, #tpu.memory_space<vmem>> -> memref<1x128xi32, #tpu.memory_space<vmem>>
      %dma_start3A_244 = tpu.memref_squeeze %dma_start3A_243 : memref<1x128xi32, #tpu.memory_space<vmem>> -> memref<128xi32, #tpu.memory_space<vmem>>
      %dma_start3A_245 = arith.constant 0 : i32
      %dma_start3A_246 = tpu.memref_slice %arg16[%dma_start3A_245] : memref<1000064xf32, #tpu.memory_space<vmem_shared>> -> memref<1000064xf32, #tpu.memory_space<vmem_shared>>
      tpu.enqueue_indirect_dma source(%arg14 : memref<128xf32, #tpu.memory_space<vmem>>) target(%dma_start3A_246 : memref<1000064xf32, #tpu.memory_space<vmem_shared>>) offsets(%dma_start3A_244 : memref<128xi32, #tpu.memory_space<vmem>>) semaphore(%arg19 : memref<!tpu.dma_semaphore, #tpu.memory_space<semaphore_mem>>)
      %dma_start3A_247 = arith.constant 3 : i32
      %dma_start3A_248 = arith.constant 0 : i32
      %dma_start3A_249 = tpu.memref_slice %arg9[%dma_start3A_247, %dma_start3A_248] : memref<8x128xi32, #tpu.memory_space<vmem>> -> memref<1x128xi32, #tpu.memory_space<vmem>>
      %dma_start3A_250 = tpu.memref_squeeze %dma_start3A_249 : memref<1x128xi32, #tpu.memory_space<vmem>> -> memref<128xi32, #tpu.memory_space<vmem>>
      %dma_start3A_251 = arith.constant 0 : i32
      %dma_start3A_252 = tpu.memref_slice %arg16[%dma_start3A_251] : memref<1000064xf32, #tpu.memory_space<vmem_shared>> -> memref<1000064xf32, #tpu.memory_space<vmem_shared>>
      tpu.enqueue_indirect_dma source(%arg14 : memref<128xf32, #tpu.memory_space<vmem>>) target(%dma_start3A_252 : memref<1000064xf32, #tpu.memory_space<vmem_shared>>) offsets(%dma_start3A_250 : memref<128xi32, #tpu.memory_space<vmem>>) semaphore(%arg19 : memref<!tpu.dma_semaphore, #tpu.memory_space<semaphore_mem>>)
      %dma_start3A_253 = arith.constant 4 : i32
      %dma_start3A_254 = arith.constant 0 : i32
      %dma_start3A_255 = tpu.memref_slice %arg9[%dma_start3A_253, %dma_start3A_254] : memref<8x128xi32, #tpu.memory_space<vmem>> -> memref<1x128xi32, #tpu.memory_space<vmem>>
      %dma_start3A_256 = tpu.memref_squeeze %dma_start3A_255 : memref<1x128xi32, #tpu.memory_space<vmem>> -> memref<128xi32, #tpu.memory_space<vmem>>
      %dma_start3A_257 = arith.constant 0 : i32
      %dma_start3A_258 = tpu.memref_slice %arg16[%dma_start3A_257] : memref<1000064xf32, #tpu.memory_space<vmem_shared>> -> memref<1000064xf32, #tpu.memory_space<vmem_shared>>
      tpu.enqueue_indirect_dma source(%arg14 : memref<128xf32, #tpu.memory_space<vmem>>) target(%dma_start3A_258 : memref<1000064xf32, #tpu.memory_space<vmem_shared>>) offsets(%dma_start3A_256 : memref<128xi32, #tpu.memory_space<vmem>>) semaphore(%arg19 : memref<!tpu.dma_semaphore, #tpu.memory_space<semaphore_mem>>)
      %dma_start3A_259 = arith.constant 5 : i32
      %dma_start3A_260 = arith.constant 0 : i32
      %dma_start3A_261 = tpu.memref_slice %arg9[%dma_start3A_259, %dma_start3A_260] : memref<8x128xi32, #tpu.memory_space<vmem>> -> memref<1x128xi32, #tpu.memory_space<vmem>>
      %dma_start3A_262 = tpu.memref_squeeze %dma_start3A_261 : memref<1x128xi32, #tpu.memory_space<vmem>> -> memref<128xi32, #tpu.memory_space<vmem>>
      %dma_start3A_263 = arith.constant 0 : i32
      %dma_start3A_264 = tpu.memref_slice %arg16[%dma_start3A_263] : memref<1000064xf32, #tpu.memory_space<vmem_shared>> -> memref<1000064xf32, #tpu.memory_space<vmem_shared>>
      tpu.enqueue_indirect_dma source(%arg14 : memref<128xf32, #tpu.memory_space<vmem>>) target(%dma_start3A_264 : memref<1000064xf32, #tpu.memory_space<vmem_shared>>) offsets(%dma_start3A_262 : memref<128xi32, #tpu.memory_space<vmem>>) semaphore(%arg19 : memref<!tpu.dma_semaphore, #tpu.memory_space<semaphore_mem>>)
      %dma_start3A_265 = arith.constant 6 : i32
      %dma_start3A_266 = arith.constant 0 : i32
      %dma_start3A_267 = tpu.memref_slice %arg9[%dma_start3A_265, %dma_start3A_266] : memref<8x128xi32, #tpu.memory_space<vmem>> -> memref<1x128xi32, #tpu.memory_space<vmem>>
      %dma_start3A_268 = tpu.memref_squeeze %dma_start3A_267 : memref<1x128xi32, #tpu.memory_space<vmem>> -> memref<128xi32, #tpu.memory_space<vmem>>
      %dma_start3A_269 = arith.constant 0 : i32
      %dma_start3A_270 = tpu.memref_slice %arg16[%dma_start3A_269] : memref<1000064xf32, #tpu.memory_space<vmem_shared>> -> memref<1000064xf32, #tpu.memory_space<vmem_shared>>
      tpu.enqueue_indirect_dma source(%arg14 : memref<128xf32, #tpu.memory_space<vmem>>) target(%dma_start3A_270 : memref<1000064xf32, #tpu.memory_space<vmem_shared>>) offsets(%dma_start3A_268 : memref<128xi32, #tpu.memory_space<vmem>>) semaphore(%arg19 : memref<!tpu.dma_semaphore, #tpu.memory_space<semaphore_mem>>)
      %dma_start3A_271 = arith.constant 7 : i32
      %dma_start3A_272 = arith.constant 0 : i32
      %dma_start3A_273 = tpu.memref_slice %arg9[%dma_start3A_271, %dma_start3A_272] : memref<8x128xi32, #tpu.memory_space<vmem>> -> memref<1x128xi32, #tpu.memory_space<vmem>>
      %dma_start3A_274 = tpu.memref_squeeze %dma_start3A_273 : memref<1x128xi32, #tpu.memory_space<vmem>> -> memref<128xi32, #tpu.memory_space<vmem>>
      %dma_start3A_275 = arith.constant 0 : i32
      %dma_start3A_276 = tpu.memref_slice %arg16[%dma_start3A_275] : memref<1000064xf32, #tpu.memory_space<vmem_shared>> -> memref<1000064xf32, #tpu.memory_space<vmem_shared>>
      tpu.enqueue_indirect_dma source(%arg14 : memref<128xf32, #tpu.memory_space<vmem>>) target(%dma_start3A_276 : memref<1000064xf32, #tpu.memory_space<vmem_shared>>) offsets(%dma_start3A_274 : memref<128xi32, #tpu.memory_space<vmem>>) semaphore(%arg19 : memref<!tpu.dma_semaphore, #tpu.memory_space<semaphore_mem>>)
    } else {
    }
    %not3A_71 = arith.constant true
    %not3A_72 = arith.xori %eq3A_1, %not3A_71 : i1
    %convert_element_type3A_73 = arith.extui %not3A_72 : i1 to i32
    %cond3A_74 = arith.constant 0 : i32
    %cond3A_75 = arith.cmpi ne, %convert_element_type3A_73, %cond3A_74 : i32
    scf.if %cond3A_75 {
      %dma_start3A_229 = arith.constant 0 : i32
      %dma_start3A_230 = arith.constant 0 : i32
      %dma_start3A_231 = arith.constant 0 : i32
      %dma_start3A_232 = tpu.memref_slice %arg12[%dma_start3A_229, %dma_start3A_231] : memref<8x128xf32, #tpu.memory_space<vmem>> -> memref<1x128xf32, #tpu.memory_space<vmem>>
      %dma_start3A_233 = tpu.memref_squeeze %dma_start3A_232 : memref<1x128xf32, #tpu.memory_space<vmem>> -> memref<128xf32, #tpu.memory_space<vmem>>
      %dma_start3A_234 = arith.constant 0 : i32
      %dma_start3A_235 = tpu.memref_slice %arg9[%dma_start3A_230, %dma_start3A_234] : memref<8x128xi32, #tpu.memory_space<vmem>> -> memref<1x128xi32, #tpu.memory_space<vmem>>
      %dma_start3A_236 = tpu.memref_squeeze %dma_start3A_235 : memref<1x128xi32, #tpu.memory_space<vmem>> -> memref<128xi32, #tpu.memory_space<vmem>>
      %dma_start3A_237 = arith.constant 0 : i32
      %dma_start3A_238 = tpu.memref_slice %arg16[%dma_start3A_237] : memref<1000064xf32, #tpu.memory_space<vmem_shared>> -> memref<1000064xf32, #tpu.memory_space<vmem_shared>>
      tpu.enqueue_indirect_dma source(%dma_start3A_233 : memref<128xf32, #tpu.memory_space<vmem>>) target(%dma_start3A_238 : memref<1000064xf32, #tpu.memory_space<vmem_shared>>) offsets(%dma_start3A_236 : memref<128xi32, #tpu.memory_space<vmem>>) semaphore(%arg19 : memref<!tpu.dma_semaphore, #tpu.memory_space<semaphore_mem>>)
      %dma_start3A_239 = arith.constant 1 : i32
      %dma_start3A_240 = arith.constant 1 : i32
      %dma_start3A_241 = arith.constant 0 : i32
      %dma_start3A_242 = tpu.memref_slice %arg12[%dma_start3A_239, %dma_start3A_241] : memref<8x128xf32, #tpu.memory_space<vmem>> -> memref<1x128xf32, #tpu.memory_space<vmem>>
      %dma_start3A_243 = tpu.memref_squeeze %dma_start3A_242 : memref<1x128xf32, #tpu.memory_space<vmem>> -> memref<128xf32, #tpu.memory_space<vmem>>
      %dma_start3A_244 = arith.constant 0 : i32
      %dma_start3A_245 = tpu.memref_slice %arg9[%dma_start3A_240, %dma_start3A_244] : memref<8x128xi32, #tpu.memory_space<vmem>> -> memref<1x128xi32, #tpu.memory_space<vmem>>
      %dma_start3A_246 = tpu.memref_squeeze %dma_start3A_245 : memref<1x128xi32, #tpu.memory_space<vmem>> -> memref<128xi32, #tpu.memory_space<vmem>>
      %dma_start3A_247 = arith.constant 0 : i32
      %dma_start3A_248 = tpu.memref_slice %arg16[%dma_start3A_247] : memref<1000064xf32, #tpu.memory_space<vmem_shared>> -> memref<1000064xf32, #tpu.memory_space<vmem_shared>>
      tpu.enqueue_indirect_dma source(%dma_start3A_243 : memref<128xf32, #tpu.memory_space<vmem>>) target(%dma_start3A_248 : memref<1000064xf32, #tpu.memory_space<vmem_shared>>) offsets(%dma_start3A_246 : memref<128xi32, #tpu.memory_space<vmem>>) semaphore(%arg19 : memref<!tpu.dma_semaphore, #tpu.memory_space<semaphore_mem>>)
      %dma_start3A_249 = arith.constant 2 : i32
      %dma_start3A_250 = arith.constant 2 : i32
      %dma_start3A_251 = arith.constant 0 : i32
      %dma_start3A_252 = tpu.memref_slice %arg12[%dma_start3A_249, %dma_start3A_251] : memref<8x128xf32, #tpu.memory_space<vmem>> -> memref<1x128xf32, #tpu.memory_space<vmem>>
      %dma_start3A_253 = tpu.memref_squeeze %dma_start3A_252 : memref<1x128xf32, #tpu.memory_space<vmem>> -> memref<128xf32, #tpu.memory_space<vmem>>
      %dma_start3A_254 = arith.constant 0 : i32
      %dma_start3A_255 = tpu.memref_slice %arg9[%dma_start3A_250, %dma_start3A_254] : memref<8x128xi32, #tpu.memory_space<vmem>> -> memref<1x128xi32, #tpu.memory_space<vmem>>
      %dma_start3A_256 = tpu.memref_squeeze %dma_start3A_255 : memref<1x128xi32, #tpu.memory_space<vmem>> -> memref<128xi32, #tpu.memory_space<vmem>>
      %dma_start3A_257 = arith.constant 0 : i32
      %dma_start3A_258 = tpu.memref_slice %arg16[%dma_start3A_257] : memref<1000064xf32, #tpu.memory_space<vmem_shared>> -> memref<1000064xf32, #tpu.memory_space<vmem_shared>>
      tpu.enqueue_indirect_dma source(%dma_start3A_253 : memref<128xf32, #tpu.memory_space<vmem>>) target(%dma_start3A_258 : memref<1000064xf32, #tpu.memory_space<vmem_shared>>) offsets(%dma_start3A_256 : memref<128xi32, #tpu.memory_space<vmem>>) semaphore(%arg19 : memref<!tpu.dma_semaphore, #tpu.memory_space<semaphore_mem>>)
      %dma_start3A_259 = arith.constant 3 : i32
      %dma_start3A_260 = arith.constant 3 : i32
      %dma_start3A_261 = arith.constant 0 : i32
      %dma_start3A_262 = tpu.memref_slice %arg12[%dma_start3A_259, %dma_start3A_261] : memref<8x128xf32, #tpu.memory_space<vmem>> -> memref<1x128xf32, #tpu.memory_space<vmem>>
      %dma_start3A_263 = tpu.memref_squeeze %dma_start3A_262 : memref<1x128xf32, #tpu.memory_space<vmem>> -> memref<128xf32, #tpu.memory_space<vmem>>
      %dma_start3A_264 = arith.constant 0 : i32
      %dma_start3A_265 = tpu.memref_slice %arg9[%dma_start3A_260, %dma_start3A_264] : memref<8x128xi32, #tpu.memory_space<vmem>> -> memref<1x128xi32, #tpu.memory_space<vmem>>
      %dma_start3A_266 = tpu.memref_squeeze %dma_start3A_265 : memref<1x128xi32, #tpu.memory_space<vmem>> -> memref<128xi32, #tpu.memory_space<vmem>>
      %dma_start3A_267 = arith.constant 0 : i32
      %dma_start3A_268 = tpu.memref_slice %arg16[%dma_start3A_267] : memref<1000064xf32, #tpu.memory_space<vmem_shared>> -> memref<1000064xf32, #tpu.memory_space<vmem_shared>>
      tpu.enqueue_indirect_dma source(%dma_start3A_263 : memref<128xf32, #tpu.memory_space<vmem>>) target(%dma_start3A_268 : memref<1000064xf32, #tpu.memory_space<vmem_shared>>) offsets(%dma_start3A_266 : memref<128xi32, #tpu.memory_space<vmem>>) semaphore(%arg19 : memref<!tpu.dma_semaphore, #tpu.memory_space<semaphore_mem>>)
      %dma_start3A_269 = arith.constant 4 : i32
      %dma_start3A_270 = arith.constant 4 : i32
      %dma_start3A_271 = arith.constant 0 : i32
      %dma_start3A_272 = tpu.memref_slice %arg12[%dma_start3A_269, %dma_start3A_271] : memref<8x128xf32, #tpu.memory_space<vmem>> -> memref<1x128xf32, #tpu.memory_space<vmem>>
      %dma_start3A_273 = tpu.memref_squeeze %dma_start3A_272 : memref<1x128xf32, #tpu.memory_space<vmem>> -> memref<128xf32, #tpu.memory_space<vmem>>
      %dma_start3A_274 = arith.constant 0 : i32
      %dma_start3A_275 = tpu.memref_slice %arg9[%dma_start3A_270, %dma_start3A_274] : memref<8x128xi32, #tpu.memory_space<vmem>> -> memref<1x128xi32, #tpu.memory_space<vmem>>
      %dma_start3A_276 = tpu.memref_squeeze %dma_start3A_275 : memref<1x128xi32, #tpu.memory_space<vmem>> -> memref<128xi32, #tpu.memory_space<vmem>>
      %dma_start3A_277 = arith.constant 0 : i32
      %dma_start3A_278 = tpu.memref_slice %arg16[%dma_start3A_277] : memref<1000064xf32, #tpu.memory_space<vmem_shared>> -> memref<1000064xf32, #tpu.memory_space<vmem_shared>>
      tpu.enqueue_indirect_dma source(%dma_start3A_273 : memref<128xf32, #tpu.memory_space<vmem>>) target(%dma_start3A_278 : memref<1000064xf32, #tpu.memory_space<vmem_shared>>) offsets(%dma_start3A_276 : memref<128xi32, #tpu.memory_space<vmem>>) semaphore(%arg19 : memref<!tpu.dma_semaphore, #tpu.memory_space<semaphore_mem>>)
      %dma_start3A_279 = arith.constant 5 : i32
      %dma_start3A_280 = arith.constant 5 : i32
      %dma_start3A_281 = arith.constant 0 : i32
      %dma_start3A_282 = tpu.memref_slice %arg12[%dma_start3A_279, %dma_start3A_281] : memref<8x128xf32, #tpu.memory_space<vmem>> -> memref<1x128xf32, #tpu.memory_space<vmem>>
      %dma_start3A_283 = tpu.memref_squeeze %dma_start3A_282 : memref<1x128xf32, #tpu.memory_space<vmem>> -> memref<128xf32, #tpu.memory_space<vmem>>
      %dma_start3A_284 = arith.constant 0 : i32
      %dma_start3A_285 = tpu.memref_slice %arg9[%dma_start3A_280, %dma_start3A_284] : memref<8x128xi32, #tpu.memory_space<vmem>> -> memref<1x128xi32, #tpu.memory_space<vmem>>
      %dma_start3A_286 = tpu.memref_squeeze %dma_start3A_285 : memref<1x128xi32, #tpu.memory_space<vmem>> -> memref<128xi32, #tpu.memory_space<vmem>>
      %dma_start3A_287 = arith.constant 0 : i32
      %dma_start3A_288 = tpu.memref_slice %arg16[%dma_start3A_287] : memref<1000064xf32, #tpu.memory_space<vmem_shared>> -> memref<1000064xf32, #tpu.memory_space<vmem_shared>>
      tpu.enqueue_indirect_dma source(%dma_start3A_283 : memref<128xf32, #tpu.memory_space<vmem>>) target(%dma_start3A_288 : memref<1000064xf32, #tpu.memory_space<vmem_shared>>) offsets(%dma_start3A_286 : memref<128xi32, #tpu.memory_space<vmem>>) semaphore(%arg19 : memref<!tpu.dma_semaphore, #tpu.memory_space<semaphore_mem>>)
      %dma_start3A_289 = arith.constant 6 : i32
      %dma_start3A_290 = arith.constant 6 : i32
      %dma_start3A_291 = arith.constant 0 : i32
      %dma_start3A_292 = tpu.memref_slice %arg12[%dma_start3A_289, %dma_start3A_291] : memref<8x128xf32, #tpu.memory_space<vmem>> -> memref<1x128xf32, #tpu.memory_space<vmem>>
      %dma_start3A_293 = tpu.memref_squeeze %dma_start3A_292 : memref<1x128xf32, #tpu.memory_space<vmem>> -> memref<128xf32, #tpu.memory_space<vmem>>
      %dma_start3A_294 = arith.constant 0 : i32
      %dma_start3A_295 = tpu.memref_slice %arg9[%dma_start3A_290, %dma_start3A_294] : memref<8x128xi32, #tpu.memory_space<vmem>> -> memref<1x128xi32, #tpu.memory_space<vmem>>
      %dma_start3A_296 = tpu.memref_squeeze %dma_start3A_295 : memref<1x128xi32, #tpu.memory_space<vmem>> -> memref<128xi32, #tpu.memory_space<vmem>>
      %dma_start3A_297 = arith.constant 0 : i32
      %dma_start3A_298 = tpu.memref_slice %arg16[%dma_start3A_297] : memref<1000064xf32, #tpu.memory_space<vmem_shared>> -> memref<1000064xf32, #tpu.memory_space<vmem_shared>>
      tpu.enqueue_indirect_dma source(%dma_start3A_293 : memref<128xf32, #tpu.memory_space<vmem>>) target(%dma_start3A_298 : memref<1000064xf32, #tpu.memory_space<vmem_shared>>) offsets(%dma_start3A_296 : memref<128xi32, #tpu.memory_space<vmem>>) semaphore(%arg19 : memref<!tpu.dma_semaphore, #tpu.memory_space<semaphore_mem>>)
      %dma_start3A_299 = arith.constant 7 : i32
      %dma_start3A_300 = arith.constant 7 : i32
      %dma_start3A_301 = arith.constant 0 : i32
      %dma_start3A_302 = tpu.memref_slice %arg12[%dma_start3A_299, %dma_start3A_301] : memref<8x128xf32, #tpu.memory_space<vmem>> -> memref<1x128xf32, #tpu.memory_space<vmem>>
      %dma_start3A_303 = tpu.memref_squeeze %dma_start3A_302 : memref<1x128xf32, #tpu.memory_space<vmem>> -> memref<128xf32, #tpu.memory_space<vmem>>
      %dma_start3A_304 = arith.constant 0 : i32
      %dma_start3A_305 = tpu.memref_slice %arg9[%dma_start3A_300, %dma_start3A_304] : memref<8x128xi32, #tpu.memory_space<vmem>> -> memref<1x128xi32, #tpu.memory_space<vmem>>
      %dma_start3A_306 = tpu.memref_squeeze %dma_start3A_305 : memref<1x128xi32, #tpu.memory_space<vmem>> -> memref<128xi32, #tpu.memory_space<vmem>>
      %dma_start3A_307 = arith.constant 0 : i32
      %dma_start3A_308 = tpu.memref_slice %arg16[%dma_start3A_307] : memref<1000064xf32, #tpu.memory_space<vmem_shared>> -> memref<1000064xf32, #tpu.memory_space<vmem_shared>>
      tpu.enqueue_indirect_dma source(%dma_start3A_303 : memref<128xf32, #tpu.memory_space<vmem>>) target(%dma_start3A_308 : memref<1000064xf32, #tpu.memory_space<vmem_shared>>) offsets(%dma_start3A_306 : memref<128xi32, #tpu.memory_space<vmem>>) semaphore(%arg19 : memref<!tpu.dma_semaphore, #tpu.memory_space<semaphore_mem>>)
    } else {
    }
    %dma_wait3A_76 = arith.constant 0 : i32
    %dma_wait3A_77 = arith.constant 0 : i32
    %dma_wait3A_78 = arith.constant 0 : i32
    %dma_wait3A_79 = tpu.memref_slice %arg12[%dma_wait3A_76, %dma_wait3A_78] : memref<8x128xf32, #tpu.memory_space<vmem>> -> memref<1x128xf32, #tpu.memory_space<vmem>>
    %dma_wait3A_80 = tpu.memref_squeeze %dma_wait3A_79 : memref<1x128xf32, #tpu.memory_space<vmem>> -> memref<128xf32, #tpu.memory_space<vmem>>
    %dma_wait3A_81 = arith.constant 0 : i32
    %dma_wait3A_82 = tpu.memref_slice %arg9[%dma_wait3A_77, %dma_wait3A_81] : memref<8x128xi32, #tpu.memory_space<vmem>> -> memref<1x128xi32, #tpu.memory_space<vmem>>
    %dma_wait3A_83 = tpu.memref_squeeze %dma_wait3A_82 : memref<1x128xi32, #tpu.memory_space<vmem>> -> memref<128xi32, #tpu.memory_space<vmem>>
    %dma_wait3A_84 = arith.constant 0 : i32
    %dma_wait3A_85 = tpu.memref_slice %arg16[%dma_wait3A_84] : memref<1000064xf32, #tpu.memory_space<vmem_shared>> -> memref<1000064xf32, #tpu.memory_space<vmem_shared>>
    tpu.wait_indirect_dma semaphore(%arg19 : memref<!tpu.dma_semaphore, #tpu.memory_space<semaphore_mem>>) src(%dma_wait3A_80 : memref<128xf32, #tpu.memory_space<vmem>>) dst(%dma_wait3A_85 : memref<1000064xf32, #tpu.memory_space<vmem_shared>>)
    %dma_wait3A_86 = arith.constant 1 : i32
    %dma_wait3A_87 = arith.constant 1 : i32
    %dma_wait3A_88 = arith.constant 0 : i32
    %dma_wait3A_89 = tpu.memref_slice %arg12[%dma_wait3A_86, %dma_wait3A_88] : memref<8x128xf32, #tpu.memory_space<vmem>> -> memref<1x128xf32, #tpu.memory_space<vmem>>
    %dma_wait3A_90 = tpu.memref_squeeze %dma_wait3A_89 : memref<1x128xf32, #tpu.memory_space<vmem>> -> memref<128xf32, #tpu.memory_space<vmem>>
    %dma_wait3A_91 = arith.constant 0 : i32
    %dma_wait3A_92 = tpu.memref_slice %arg9[%dma_wait3A_87, %dma_wait3A_91] : memref<8x128xi32, #tpu.memory_space<vmem>> -> memref<1x128xi32, #tpu.memory_space<vmem>>
    %dma_wait3A_93 = tpu.memref_squeeze %dma_wait3A_92 : memref<1x128xi32, #tpu.memory_space<vmem>> -> memref<128xi32, #tpu.memory_space<vmem>>
    %dma_wait3A_94 = arith.constant 0 : i32
    %dma_wait3A_95 = tpu.memref_slice %arg16[%dma_wait3A_94] : memref<1000064xf32, #tpu.memory_space<vmem_shared>> -> memref<1000064xf32, #tpu.memory_space<vmem_shared>>
    tpu.wait_indirect_dma semaphore(%arg19 : memref<!tpu.dma_semaphore, #tpu.memory_space<semaphore_mem>>) src(%dma_wait3A_90 : memref<128xf32, #tpu.memory_space<vmem>>) dst(%dma_wait3A_95 : memref<1000064xf32, #tpu.memory_space<vmem_shared>>)
    %dma_wait3A_96 = arith.constant 2 : i32
    %dma_wait3A_97 = arith.constant 2 : i32
    %dma_wait3A_98 = arith.constant 0 : i32
    %dma_wait3A_99 = tpu.memref_slice %arg12[%dma_wait3A_96, %dma_wait3A_98] : memref<8x128xf32, #tpu.memory_space<vmem>> -> memref<1x128xf32, #tpu.memory_space<vmem>>
    %dma_wait3A_100 = tpu.memref_squeeze %dma_wait3A_99 : memref<1x128xf32, #tpu.memory_space<vmem>> -> memref<128xf32, #tpu.memory_space<vmem>>
    %dma_wait3A_101 = arith.constant 0 : i32
    %dma_wait3A_102 = tpu.memref_slice %arg9[%dma_wait3A_97, %dma_wait3A_101] : memref<8x128xi32, #tpu.memory_space<vmem>> -> memref<1x128xi32, #tpu.memory_space<vmem>>
    %dma_wait3A_103 = tpu.memref_squeeze %dma_wait3A_102 : memref<1x128xi32, #tpu.memory_space<vmem>> -> memref<128xi32, #tpu.memory_space<vmem>>
    %dma_wait3A_104 = arith.constant 0 : i32
    %dma_wait3A_105 = tpu.memref_slice %arg16[%dma_wait3A_104] : memref<1000064xf32, #tpu.memory_space<vmem_shared>> -> memref<1000064xf32, #tpu.memory_space<vmem_shared>>
    tpu.wait_indirect_dma semaphore(%arg19 : memref<!tpu.dma_semaphore, #tpu.memory_space<semaphore_mem>>) src(%dma_wait3A_100 : memref<128xf32, #tpu.memory_space<vmem>>) dst(%dma_wait3A_105 : memref<1000064xf32, #tpu.memory_space<vmem_shared>>)
    %dma_wait3A_106 = arith.constant 3 : i32
    %dma_wait3A_107 = arith.constant 3 : i32
    %dma_wait3A_108 = arith.constant 0 : i32
    %dma_wait3A_109 = tpu.memref_slice %arg12[%dma_wait3A_106, %dma_wait3A_108] : memref<8x128xf32, #tpu.memory_space<vmem>> -> memref<1x128xf32, #tpu.memory_space<vmem>>
    %dma_wait3A_110 = tpu.memref_squeeze %dma_wait3A_109 : memref<1x128xf32, #tpu.memory_space<vmem>> -> memref<128xf32, #tpu.memory_space<vmem>>
    %dma_wait3A_111 = arith.constant 0 : i32
    %dma_wait3A_112 = tpu.memref_slice %arg9[%dma_wait3A_107, %dma_wait3A_111] : memref<8x128xi32, #tpu.memory_space<vmem>> -> memref<1x128xi32, #tpu.memory_space<vmem>>
    %dma_wait3A_113 = tpu.memref_squeeze %dma_wait3A_112 : memref<1x128xi32, #tpu.memory_space<vmem>> -> memref<128xi32, #tpu.memory_space<vmem>>
    %dma_wait3A_114 = arith.constant 0 : i32
    %dma_wait3A_115 = tpu.memref_slice %arg16[%dma_wait3A_114] : memref<1000064xf32, #tpu.memory_space<vmem_shared>> -> memref<1000064xf32, #tpu.memory_space<vmem_shared>>
    tpu.wait_indirect_dma semaphore(%arg19 : memref<!tpu.dma_semaphore, #tpu.memory_space<semaphore_mem>>) src(%dma_wait3A_110 : memref<128xf32, #tpu.memory_space<vmem>>) dst(%dma_wait3A_115 : memref<1000064xf32, #tpu.memory_space<vmem_shared>>)
    %dma_wait3A_116 = arith.constant 4 : i32
    %dma_wait3A_117 = arith.constant 4 : i32
    %dma_wait3A_118 = arith.constant 0 : i32
    %dma_wait3A_119 = tpu.memref_slice %arg12[%dma_wait3A_116, %dma_wait3A_118] : memref<8x128xf32, #tpu.memory_space<vmem>> -> memref<1x128xf32, #tpu.memory_space<vmem>>
    %dma_wait3A_120 = tpu.memref_squeeze %dma_wait3A_119 : memref<1x128xf32, #tpu.memory_space<vmem>> -> memref<128xf32, #tpu.memory_space<vmem>>
    %dma_wait3A_121 = arith.constant 0 : i32
    %dma_wait3A_122 = tpu.memref_slice %arg9[%dma_wait3A_117, %dma_wait3A_121] : memref<8x128xi32, #tpu.memory_space<vmem>> -> memref<1x128xi32, #tpu.memory_space<vmem>>
    %dma_wait3A_123 = tpu.memref_squeeze %dma_wait3A_122 : memref<1x128xi32, #tpu.memory_space<vmem>> -> memref<128xi32, #tpu.memory_space<vmem>>
    %dma_wait3A_124 = arith.constant 0 : i32
    %dma_wait3A_125 = tpu.memref_slice %arg16[%dma_wait3A_124] : memref<1000064xf32, #tpu.memory_space<vmem_shared>> -> memref<1000064xf32, #tpu.memory_space<vmem_shared>>
    tpu.wait_indirect_dma semaphore(%arg19 : memref<!tpu.dma_semaphore, #tpu.memory_space<semaphore_mem>>) src(%dma_wait3A_120 : memref<128xf32, #tpu.memory_space<vmem>>) dst(%dma_wait3A_125 : memref<1000064xf32, #tpu.memory_space<vmem_shared>>)
    %dma_wait3A_126 = arith.constant 5 : i32
    %dma_wait3A_127 = arith.constant 5 : i32
    %dma_wait3A_128 = arith.constant 0 : i32
    %dma_wait3A_129 = tpu.memref_slice %arg12[%dma_wait3A_126, %dma_wait3A_128] : memref<8x128xf32, #tpu.memory_space<vmem>> -> memref<1x128xf32, #tpu.memory_space<vmem>>
    %dma_wait3A_130 = tpu.memref_squeeze %dma_wait3A_129 : memref<1x128xf32, #tpu.memory_space<vmem>> -> memref<128xf32, #tpu.memory_space<vmem>>
    %dma_wait3A_131 = arith.constant 0 : i32
    %dma_wait3A_132 = tpu.memref_slice %arg9[%dma_wait3A_127, %dma_wait3A_131] : memref<8x128xi32, #tpu.memory_space<vmem>> -> memref<1x128xi32, #tpu.memory_space<vmem>>
    %dma_wait3A_133 = tpu.memref_squeeze %dma_wait3A_132 : memref<1x128xi32, #tpu.memory_space<vmem>> -> memref<128xi32, #tpu.memory_space<vmem>>
    %dma_wait3A_134 = arith.constant 0 : i32
    %dma_wait3A_135 = tpu.memref_slice %arg16[%dma_wait3A_134] : memref<1000064xf32, #tpu.memory_space<vmem_shared>> -> memref<1000064xf32, #tpu.memory_space<vmem_shared>>
    tpu.wait_indirect_dma semaphore(%arg19 : memref<!tpu.dma_semaphore, #tpu.memory_space<semaphore_mem>>) src(%dma_wait3A_130 : memref<128xf32, #tpu.memory_space<vmem>>) dst(%dma_wait3A_135 : memref<1000064xf32, #tpu.memory_space<vmem_shared>>)
    %dma_wait3A_136 = arith.constant 6 : i32
    %dma_wait3A_137 = arith.constant 6 : i32
    %dma_wait3A_138 = arith.constant 0 : i32
    %dma_wait3A_139 = tpu.memref_slice %arg12[%dma_wait3A_136, %dma_wait3A_138] : memref<8x128xf32, #tpu.memory_space<vmem>> -> memref<1x128xf32, #tpu.memory_space<vmem>>
    %dma_wait3A_140 = tpu.memref_squeeze %dma_wait3A_139 : memref<1x128xf32, #tpu.memory_space<vmem>> -> memref<128xf32, #tpu.memory_space<vmem>>
    %dma_wait3A_141 = arith.constant 0 : i32
    %dma_wait3A_142 = tpu.memref_slice %arg9[%dma_wait3A_137, %dma_wait3A_141] : memref<8x128xi32, #tpu.memory_space<vmem>> -> memref<1x128xi32, #tpu.memory_space<vmem>>
    %dma_wait3A_143 = tpu.memref_squeeze %dma_wait3A_142 : memref<1x128xi32, #tpu.memory_space<vmem>> -> memref<128xi32, #tpu.memory_space<vmem>>
    %dma_wait3A_144 = arith.constant 0 : i32
    %dma_wait3A_145 = tpu.memref_slice %arg16[%dma_wait3A_144] : memref<1000064xf32, #tpu.memory_space<vmem_shared>> -> memref<1000064xf32, #tpu.memory_space<vmem_shared>>
    tpu.wait_indirect_dma semaphore(%arg19 : memref<!tpu.dma_semaphore, #tpu.memory_space<semaphore_mem>>) src(%dma_wait3A_140 : memref<128xf32, #tpu.memory_space<vmem>>) dst(%dma_wait3A_145 : memref<1000064xf32, #tpu.memory_space<vmem_shared>>)
    %dma_wait3A_146 = arith.constant 7 : i32
    %dma_wait3A_147 = arith.constant 7 : i32
    %dma_wait3A_148 = arith.constant 0 : i32
    %dma_wait3A_149 = tpu.memref_slice %arg12[%dma_wait3A_146, %dma_wait3A_148] : memref<8x128xf32, #tpu.memory_space<vmem>> -> memref<1x128xf32, #tpu.memory_space<vmem>>
    %dma_wait3A_150 = tpu.memref_squeeze %dma_wait3A_149 : memref<1x128xf32, #tpu.memory_space<vmem>> -> memref<128xf32, #tpu.memory_space<vmem>>
    %dma_wait3A_151 = arith.constant 0 : i32
    %dma_wait3A_152 = tpu.memref_slice %arg9[%dma_wait3A_147, %dma_wait3A_151] : memref<8x128xi32, #tpu.memory_space<vmem>> -> memref<1x128xi32, #tpu.memory_space<vmem>>
    %dma_wait3A_153 = tpu.memref_squeeze %dma_wait3A_152 : memref<1x128xi32, #tpu.memory_space<vmem>> -> memref<128xi32, #tpu.memory_space<vmem>>
    %dma_wait3A_154 = arith.constant 0 : i32
    %dma_wait3A_155 = tpu.memref_slice %arg16[%dma_wait3A_154] : memref<1000064xf32, #tpu.memory_space<vmem_shared>> -> memref<1000064xf32, #tpu.memory_space<vmem_shared>>
    tpu.wait_indirect_dma semaphore(%arg19 : memref<!tpu.dma_semaphore, #tpu.memory_space<semaphore_mem>>) src(%dma_wait3A_150 : memref<128xf32, #tpu.memory_space<vmem>>) dst(%dma_wait3A_155 : memref<1000064xf32, #tpu.memory_space<vmem_shared>>)
    %barrier3A_156 = arith.constant 0 : index
    tpu.barrier barrier_id(%barrier3A_156)
    %not3A_157 = arith.constant true
    %not3A_158 = arith.xori %eq3A_3, %not3A_157 : i1
    %convert_element_type3A_159 = arith.extui %not3A_158 : i1 to i32
    %cond3A_160 = arith.constant 0 : i32
    %cond3A_161 = arith.cmpi ne, %convert_element_type3A_159, %cond3A_160 : i32
    scf.if %cond3A_161 {
      %add3A = arith.constant 0 : i32
      %add3A_229 = arith.addi %mul3A_0, %add3A : i32
      "tpu.region"() ({
        %run_scoped3A = tpu.sem_alloc : memref<!tpu.dma_semaphore, #tpu.memory_space<semaphore_mem>>
        %dma_start3A_230 = arith.constant 0 : i32
        %dma_start3A_231 = tpu.memref_slice %arg15[%dma_start3A_230] : memref<62504xf32, #tpu.memory_space<vmem>> -> memref<31256xf32, #tpu.memory_space<vmem>>
        %dma_start3A_232 = tpu.memref_slice %arg16[%add3A_229] : memref<1000064xf32, #tpu.memory_space<vmem_shared>> -> memref<31256xf32, #tpu.memory_space<vmem_shared>>
        %dma_start3A_233 = arith.constant 0 : i32
        %dma_start3A_234 = tpu.memref_slice %arg15[%dma_start3A_233] : memref<62504xf32, #tpu.memory_space<vmem>> -> memref<31256xf32, #tpu.memory_space<vmem>>
        %dma_start3A_235 = tpu.memref_slice %arg16[%add3A_229] : memref<1000064xf32, #tpu.memory_space<vmem_shared>> -> memref<31256xf32, #tpu.memory_space<vmem_shared>>
        tpu.enqueue_dma source(%dma_start3A_235 : memref<31256xf32, #tpu.memory_space<vmem_shared>>) target(%dma_start3A_234 : memref<31256xf32, #tpu.memory_space<vmem>>) target_semaphore(%run_scoped3A : memref<!tpu.dma_semaphore, #tpu.memory_space<semaphore_mem>>)
        %dma_wait3A_236 = arith.constant 0 : i32
        %dma_wait3A_237 = tpu.memref_slice %arg15[%dma_wait3A_236] : memref<62504xf32, #tpu.memory_space<vmem>> -> memref<31256xf32, #tpu.memory_space<vmem>>
        %dma_wait3A_238 = tpu.memref_slice %arg16[%add3A_229] : memref<1000064xf32, #tpu.memory_space<vmem_shared>> -> memref<31256xf32, #tpu.memory_space<vmem_shared>>
        %dma_wait3A_239 = arith.constant 0 : i32
        %dma_wait3A_240 = tpu.memref_slice %arg15[%dma_wait3A_239] : memref<62504xf32, #tpu.memory_space<vmem>> -> memref<31256xf32, #tpu.memory_space<vmem>>
        %dma_wait3A_241 = tpu.memref_slice %arg16[%add3A_229] : memref<1000064xf32, #tpu.memory_space<vmem_shared>> -> memref<31256xf32, #tpu.memory_space<vmem_shared>>
        tpu.wait_dma2 semaphore(%run_scoped3A : memref<!tpu.dma_semaphore, #tpu.memory_space<semaphore_mem>>) src(%dma_wait3A_241 : memref<31256xf32, #tpu.memory_space<vmem_shared>>) dst(%dma_wait3A_240 : memref<31256xf32, #tpu.memory_space<vmem>>)
        tpu.yield
      }) : () -> ()
    } else {
    }
    %convert_element_type3A_162 = arith.extui %eq3A_3 : i1 to i32
    %cond3A_163 = arith.constant 0 : i32
    %cond3A_164 = arith.cmpi ne, %convert_element_type3A_162, %cond3A_163 : i32
    scf.if %cond3A_164 {
      %add3A = arith.constant 0 : i32
      %add3A_229 = arith.addi %mul3A_0, %add3A : i32
      "tpu.region"() ({
        %run_scoped3A = tpu.sem_alloc : memref<!tpu.dma_semaphore, #tpu.memory_space<semaphore_mem>>
        %dma_start3A_230 = arith.constant 0 : i32
        %dma_start3A_231 = tpu.memref_slice %arg15[%dma_start3A_230] : memref<62504xf32, #tpu.memory_space<vmem>> -> memref<31256xf32, #tpu.memory_space<vmem>>
        %dma_start3A_232 = tpu.memref_slice %arg16[%add3A_229] : memref<1000064xf32, #tpu.memory_space<vmem_shared>> -> memref<31256xf32, #tpu.memory_space<vmem_shared>>
        %dma_start3A_233 = arith.constant 0 : i32
        %dma_start3A_234 = tpu.memref_slice %arg15[%dma_start3A_233] : memref<62504xf32, #tpu.memory_space<vmem>> -> memref<31256xf32, #tpu.memory_space<vmem>>
        %dma_start3A_235 = tpu.memref_slice %arg16[%add3A_229] : memref<1000064xf32, #tpu.memory_space<vmem_shared>> -> memref<31256xf32, #tpu.memory_space<vmem_shared>>
        tpu.enqueue_dma source(%dma_start3A_235 : memref<31256xf32, #tpu.memory_space<vmem_shared>>) target(%dma_start3A_234 : memref<31256xf32, #tpu.memory_space<vmem>>) target_semaphore(%run_scoped3A : memref<!tpu.dma_semaphore, #tpu.memory_space<semaphore_mem>>)
        %dma_wait3A_236 = arith.constant 0 : i32
        %dma_wait3A_237 = tpu.memref_slice %arg15[%dma_wait3A_236] : memref<62504xf32, #tpu.memory_space<vmem>> -> memref<31256xf32, #tpu.memory_space<vmem>>
        %dma_wait3A_238 = tpu.memref_slice %arg16[%add3A_229] : memref<1000064xf32, #tpu.memory_space<vmem_shared>> -> memref<31256xf32, #tpu.memory_space<vmem_shared>>
        %dma_wait3A_239 = arith.constant 0 : i32
        %dma_wait3A_240 = tpu.memref_slice %arg15[%dma_wait3A_239] : memref<62504xf32, #tpu.memory_space<vmem>> -> memref<31256xf32, #tpu.memory_space<vmem>>
        %dma_wait3A_241 = tpu.memref_slice %arg16[%add3A_229] : memref<1000064xf32, #tpu.memory_space<vmem_shared>> -> memref<31256xf32, #tpu.memory_space<vmem_shared>>
        tpu.wait_dma2 semaphore(%run_scoped3A : memref<!tpu.dma_semaphore, #tpu.memory_space<semaphore_mem>>) src(%dma_wait3A_241 : memref<31256xf32, #tpu.memory_space<vmem_shared>>) dst(%dma_wait3A_240 : memref<31256xf32, #tpu.memory_space<vmem>>)
        tpu.yield
      }) : () -> ()
    } else {
    }
    %not3A_165 = arith.constant true
    %not3A_166 = arith.xori %eq3A_3, %not3A_165 : i1
    %and3A_167 = arith.andi %eq3A_1, %not3A_166 : i1
    %convert_element_type3A_168 = arith.extui %and3A_167 : i1 to i32
    %cond3A_169 = arith.constant 0 : i32
    %cond3A_170 = arith.cmpi ne, %convert_element_type3A_168, %cond3A_169 : i32
    scf.if %cond3A_170 {
      %add3A = arith.constant 0 : i32
      %add3A_229 = arith.addi %mul3A_0, %add3A : i32
      %dma_start3A_230 = arith.constant 0 : i32
      %dma_start3A_231 = tpu.memref_slice %arg15[%dma_start3A_230] : memref<62504xf32, #tpu.memory_space<vmem>> -> memref<31256xf32, #tpu.memory_space<vmem>>
      %dma_start3A_232 = tpu.memref_slice %arg8[%add3A_229] : memref<1000001xf32, #tpu.memory_space<hbm>> -> memref<31256xf32, #tpu.memory_space<hbm>>
      %dma_start3A_233 = tpu.memref_slice %arg8[%add3A_229] : memref<1000001xf32, #tpu.memory_space<hbm>> -> memref<31256xf32, #tpu.memory_space<hbm>>
      %dma_start3A_234 = arith.constant 0 : i32
      %dma_start3A_235 = tpu.memref_slice %arg15[%dma_start3A_234] : memref<62504xf32, #tpu.memory_space<vmem>> -> memref<31256xf32, #tpu.memory_space<vmem>>
      tpu.enqueue_dma source(%dma_start3A_235 : memref<31256xf32, #tpu.memory_space<vmem>>) target(%dma_start3A_233 : memref<31256xf32, #tpu.memory_space<hbm>>) target_semaphore(%arg17 : memref<!tpu.dma_semaphore, #tpu.memory_space<semaphore_mem>>)
    } else {
    }
    %and3A_171 = arith.andi %eq3A_1, %eq3A_3 : i1
    %convert_element_type3A_172 = arith.extui %and3A_171 : i1 to i32
    %cond3A_173 = arith.constant 0 : i32
    %cond3A_174 = arith.cmpi ne, %convert_element_type3A_172, %cond3A_173 : i32
    scf.if %cond3A_174 {
      %add3A = arith.constant 0 : i32
      %add3A_229 = arith.addi %mul3A_0, %add3A : i32
      %dma_start3A_230 = arith.constant 0 : i32
      %dma_start3A_231 = tpu.memref_slice %arg15[%dma_start3A_230] : memref<62504xf32, #tpu.memory_space<vmem>> -> memref<31256xf32, #tpu.memory_space<vmem>>
      %dma_start3A_232 = tpu.memref_slice %arg8[%add3A_229] : memref<1000001xf32, #tpu.memory_space<hbm>> -> memref<31256xf32, #tpu.memory_space<hbm>>
      %dma_start3A_233 = tpu.memref_slice %arg8[%add3A_229] : memref<1000001xf32, #tpu.memory_space<hbm>> -> memref<31256xf32, #tpu.memory_space<hbm>>
      %dma_start3A_234 = arith.constant 0 : i32
      %dma_start3A_235 = tpu.memref_slice %arg15[%dma_start3A_234] : memref<62504xf32, #tpu.memory_space<vmem>> -> memref<31256xf32, #tpu.memory_space<vmem>>
      tpu.enqueue_dma source(%dma_start3A_235 : memref<31256xf32, #tpu.memory_space<vmem>>) target(%dma_start3A_233 : memref<31256xf32, #tpu.memory_space<hbm>>) target_semaphore(%arg17 : memref<!tpu.dma_semaphore, #tpu.memory_space<semaphore_mem>>)
    } else {
    }
    %not3A_175 = arith.constant true
    %not3A_176 = arith.xori %eq3A_1, %not3A_175 : i1
    %not3A_177 = arith.constant true
    %not3A_178 = arith.xori %eq3A_3, %not3A_177 : i1
    %and3A_179 = arith.andi %not3A_176, %not3A_178 : i1
    %convert_element_type3A_180 = arith.extui %and3A_179 : i1 to i32
    %cond3A_181 = arith.constant 0 : i32
    %cond3A_182 = arith.cmpi ne, %convert_element_type3A_180, %cond3A_181 : i32
    scf.if %cond3A_182 {
      %add3A = arith.constant 0 : i32
      %add3A_229 = arith.addi %mul3A_0, %add3A : i32
      %dma_start3A_230 = arith.constant 0 : i32
      %dma_start3A_231 = tpu.memref_slice %arg15[%dma_start3A_230] : memref<62504xf32, #tpu.memory_space<vmem>> -> memref<31256xf32, #tpu.memory_space<vmem>>
      %dma_start3A_232 = tpu.memref_slice %arg7[%add3A_229] : memref<1000001xf32, #tpu.memory_space<hbm>> -> memref<31256xf32, #tpu.memory_space<hbm>>
      %dma_start3A_233 = tpu.memref_slice %arg7[%add3A_229] : memref<1000001xf32, #tpu.memory_space<hbm>> -> memref<31256xf32, #tpu.memory_space<hbm>>
      %dma_start3A_234 = arith.constant 0 : i32
      %dma_start3A_235 = tpu.memref_slice %arg15[%dma_start3A_234] : memref<62504xf32, #tpu.memory_space<vmem>> -> memref<31256xf32, #tpu.memory_space<vmem>>
      tpu.enqueue_dma source(%dma_start3A_235 : memref<31256xf32, #tpu.memory_space<vmem>>) target(%dma_start3A_233 : memref<31256xf32, #tpu.memory_space<hbm>>) target_semaphore(%arg17 : memref<!tpu.dma_semaphore, #tpu.memory_space<semaphore_mem>>)
    } else {
    }
    %not3A_183 = arith.constant true
    %not3A_184 = arith.xori %eq3A_1, %not3A_183 : i1
    %and3A_185 = arith.andi %not3A_184, %eq3A_3 : i1
    %convert_element_type3A_186 = arith.extui %and3A_185 : i1 to i32
    %cond3A_187 = arith.constant 0 : i32
    %cond3A_188 = arith.cmpi ne, %convert_element_type3A_186, %cond3A_187 : i32
    scf.if %cond3A_188 {
      %add3A = arith.constant 0 : i32
      %add3A_229 = arith.addi %mul3A_0, %add3A : i32
      %dma_start3A_230 = arith.constant 0 : i32
      %dma_start3A_231 = tpu.memref_slice %arg15[%dma_start3A_230] : memref<62504xf32, #tpu.memory_space<vmem>> -> memref<31256xf32, #tpu.memory_space<vmem>>
      %dma_start3A_232 = tpu.memref_slice %arg7[%add3A_229] : memref<1000001xf32, #tpu.memory_space<hbm>> -> memref<31256xf32, #tpu.memory_space<hbm>>
      %dma_start3A_233 = tpu.memref_slice %arg7[%add3A_229] : memref<1000001xf32, #tpu.memory_space<hbm>> -> memref<31256xf32, #tpu.memory_space<hbm>>
      %dma_start3A_234 = arith.constant 0 : i32
      %dma_start3A_235 = tpu.memref_slice %arg15[%dma_start3A_234] : memref<62504xf32, #tpu.memory_space<vmem>> -> memref<31256xf32, #tpu.memory_space<vmem>>
      tpu.enqueue_dma source(%dma_start3A_235 : memref<31256xf32, #tpu.memory_space<vmem>>) target(%dma_start3A_233 : memref<31256xf32, #tpu.memory_space<hbm>>) target_semaphore(%arg17 : memref<!tpu.dma_semaphore, #tpu.memory_space<semaphore_mem>>)
    } else {
    }
    %not3A_189 = arith.constant true
    %not3A_190 = arith.xori %eq3A_3, %not3A_189 : i1
    %convert_element_type3A_191 = arith.extui %not3A_190 : i1 to i32
    %cond3A_192 = arith.constant 0 : i32
    %cond3A_193 = arith.cmpi ne, %convert_element_type3A_191, %cond3A_192 : i32
    scf.if %cond3A_193 {
      %add3A = arith.constant 31256 : i32
      %add3A_229 = arith.addi %mul3A_0, %add3A : i32
      "tpu.region"() ({
        %run_scoped3A = tpu.sem_alloc : memref<!tpu.dma_semaphore, #tpu.memory_space<semaphore_mem>>
        %dma_start3A_230 = arith.constant 31256 : i32
        %dma_start3A_231 = tpu.memref_slice %arg15[%dma_start3A_230] : memref<62504xf32, #tpu.memory_space<vmem>> -> memref<31248xf32, #tpu.memory_space<vmem>>
        %dma_start3A_232 = tpu.memref_slice %arg16[%add3A_229] : memref<1000064xf32, #tpu.memory_space<vmem_shared>> -> memref<31248xf32, #tpu.memory_space<vmem_shared>>
        %dma_start3A_233 = arith.constant 31256 : i32
        %dma_start3A_234 = tpu.memref_slice %arg15[%dma_start3A_233] : memref<62504xf32, #tpu.memory_space<vmem>> -> memref<31248xf32, #tpu.memory_space<vmem>>
        %dma_start3A_235 = tpu.memref_slice %arg16[%add3A_229] : memref<1000064xf32, #tpu.memory_space<vmem_shared>> -> memref<31248xf32, #tpu.memory_space<vmem_shared>>
        tpu.enqueue_dma source(%dma_start3A_235 : memref<31248xf32, #tpu.memory_space<vmem_shared>>) target(%dma_start3A_234 : memref<31248xf32, #tpu.memory_space<vmem>>) target_semaphore(%run_scoped3A : memref<!tpu.dma_semaphore, #tpu.memory_space<semaphore_mem>>)
        %dma_wait3A_236 = arith.constant 31256 : i32
        %dma_wait3A_237 = tpu.memref_slice %arg15[%dma_wait3A_236] : memref<62504xf32, #tpu.memory_space<vmem>> -> memref<31248xf32, #tpu.memory_space<vmem>>
        %dma_wait3A_238 = tpu.memref_slice %arg16[%add3A_229] : memref<1000064xf32, #tpu.memory_space<vmem_shared>> -> memref<31248xf32, #tpu.memory_space<vmem_shared>>
        %dma_wait3A_239 = arith.constant 31256 : i32
        %dma_wait3A_240 = tpu.memref_slice %arg15[%dma_wait3A_239] : memref<62504xf32, #tpu.memory_space<vmem>> -> memref<31248xf32, #tpu.memory_space<vmem>>
        %dma_wait3A_241 = tpu.memref_slice %arg16[%add3A_229] : memref<1000064xf32, #tpu.memory_space<vmem_shared>> -> memref<31248xf32, #tpu.memory_space<vmem_shared>>
        tpu.wait_dma2 semaphore(%run_scoped3A : memref<!tpu.dma_semaphore, #tpu.memory_space<semaphore_mem>>) src(%dma_wait3A_241 : memref<31248xf32, #tpu.memory_space<vmem_shared>>) dst(%dma_wait3A_240 : memref<31248xf32, #tpu.memory_space<vmem>>)
        tpu.yield
      }) : () -> ()
    } else {
    }
    %convert_element_type3A_194 = arith.extui %eq3A_3 : i1 to i32
    %cond3A_195 = arith.constant 0 : i32
    %cond3A_196 = arith.cmpi ne, %convert_element_type3A_194, %cond3A_195 : i32
    scf.if %cond3A_196 {
      %add3A = arith.constant 31256 : i32
      %add3A_229 = arith.addi %mul3A_0, %add3A : i32
      "tpu.region"() ({
        %run_scoped3A = tpu.sem_alloc : memref<!tpu.dma_semaphore, #tpu.memory_space<semaphore_mem>>
        %dma_start3A_230 = arith.constant 31256 : i32
        %dma_start3A_231 = tpu.memref_slice %arg15[%dma_start3A_230] : memref<62504xf32, #tpu.memory_space<vmem>> -> memref<31185xf32, #tpu.memory_space<vmem>>
        %dma_start3A_232 = tpu.memref_slice %arg16[%add3A_229] : memref<1000064xf32, #tpu.memory_space<vmem_shared>> -> memref<31185xf32, #tpu.memory_space<vmem_shared>>
        %dma_start3A_233 = arith.constant 31256 : i32
        %dma_start3A_234 = tpu.memref_slice %arg15[%dma_start3A_233] : memref<62504xf32, #tpu.memory_space<vmem>> -> memref<31185xf32, #tpu.memory_space<vmem>>
        %dma_start3A_235 = tpu.memref_slice %arg16[%add3A_229] : memref<1000064xf32, #tpu.memory_space<vmem_shared>> -> memref<31185xf32, #tpu.memory_space<vmem_shared>>
        tpu.enqueue_dma source(%dma_start3A_235 : memref<31185xf32, #tpu.memory_space<vmem_shared>>) target(%dma_start3A_234 : memref<31185xf32, #tpu.memory_space<vmem>>) target_semaphore(%run_scoped3A : memref<!tpu.dma_semaphore, #tpu.memory_space<semaphore_mem>>)
        %dma_wait3A_236 = arith.constant 31256 : i32
        %dma_wait3A_237 = tpu.memref_slice %arg15[%dma_wait3A_236] : memref<62504xf32, #tpu.memory_space<vmem>> -> memref<31185xf32, #tpu.memory_space<vmem>>
        %dma_wait3A_238 = tpu.memref_slice %arg16[%add3A_229] : memref<1000064xf32, #tpu.memory_space<vmem_shared>> -> memref<31185xf32, #tpu.memory_space<vmem_shared>>
        %dma_wait3A_239 = arith.constant 31256 : i32
        %dma_wait3A_240 = tpu.memref_slice %arg15[%dma_wait3A_239] : memref<62504xf32, #tpu.memory_space<vmem>> -> memref<31185xf32, #tpu.memory_space<vmem>>
        %dma_wait3A_241 = tpu.memref_slice %arg16[%add3A_229] : memref<1000064xf32, #tpu.memory_space<vmem_shared>> -> memref<31185xf32, #tpu.memory_space<vmem_shared>>
        tpu.wait_dma2 semaphore(%run_scoped3A : memref<!tpu.dma_semaphore, #tpu.memory_space<semaphore_mem>>) src(%dma_wait3A_241 : memref<31185xf32, #tpu.memory_space<vmem_shared>>) dst(%dma_wait3A_240 : memref<31185xf32, #tpu.memory_space<vmem>>)
        tpu.yield
      }) : () -> ()
    } else {
    }
    %not3A_197 = arith.constant true
    %not3A_198 = arith.xori %eq3A_3, %not3A_197 : i1
    %and3A_199 = arith.andi %eq3A_1, %not3A_198 : i1
    %convert_element_type3A_200 = arith.extui %and3A_199 : i1 to i32
    %cond3A_201 = arith.constant 0 : i32
    %cond3A_202 = arith.cmpi ne, %convert_element_type3A_200, %cond3A_201 : i32
    scf.if %cond3A_202 {
      %add3A = arith.constant 31256 : i32
      %add3A_229 = arith.addi %mul3A_0, %add3A : i32
      %dma_start3A_230 = arith.constant 31256 : i32
      %dma_start3A_231 = tpu.memref_slice %arg15[%dma_start3A_230] : memref<62504xf32, #tpu.memory_space<vmem>> -> memref<31248xf32, #tpu.memory_space<vmem>>
      %dma_start3A_232 = tpu.memref_slice %arg8[%add3A_229] : memref<1000001xf32, #tpu.memory_space<hbm>> -> memref<31248xf32, #tpu.memory_space<hbm>>
      %dma_start3A_233 = tpu.memref_slice %arg8[%add3A_229] : memref<1000001xf32, #tpu.memory_space<hbm>> -> memref<31248xf32, #tpu.memory_space<hbm>>
      %dma_start3A_234 = arith.constant 31256 : i32
      %dma_start3A_235 = tpu.memref_slice %arg15[%dma_start3A_234] : memref<62504xf32, #tpu.memory_space<vmem>> -> memref<31248xf32, #tpu.memory_space<vmem>>
      tpu.enqueue_dma source(%dma_start3A_235 : memref<31248xf32, #tpu.memory_space<vmem>>) target(%dma_start3A_233 : memref<31248xf32, #tpu.memory_space<hbm>>) target_semaphore(%arg17 : memref<!tpu.dma_semaphore, #tpu.memory_space<semaphore_mem>>)
    } else {
    }
    %and3A_203 = arith.andi %eq3A_1, %eq3A_3 : i1
    %convert_element_type3A_204 = arith.extui %and3A_203 : i1 to i32
    %cond3A_205 = arith.constant 0 : i32
    %cond3A_206 = arith.cmpi ne, %convert_element_type3A_204, %cond3A_205 : i32
    scf.if %cond3A_206 {
      %add3A = arith.constant 31256 : i32
      %add3A_229 = arith.addi %mul3A_0, %add3A : i32
      %dma_start3A_230 = arith.constant 31256 : i32
      %dma_start3A_231 = tpu.memref_slice %arg15[%dma_start3A_230] : memref<62504xf32, #tpu.memory_space<vmem>> -> memref<31185xf32, #tpu.memory_space<vmem>>
      %dma_start3A_232 = tpu.memref_slice %arg8[%add3A_229] : memref<1000001xf32, #tpu.memory_space<hbm>> -> memref<31185xf32, #tpu.memory_space<hbm>>
      %dma_start3A_233 = tpu.memref_slice %arg8[%add3A_229] : memref<1000001xf32, #tpu.memory_space<hbm>> -> memref<31185xf32, #tpu.memory_space<hbm>>
      %dma_start3A_234 = arith.constant 31256 : i32
      %dma_start3A_235 = tpu.memref_slice %arg15[%dma_start3A_234] : memref<62504xf32, #tpu.memory_space<vmem>> -> memref<31185xf32, #tpu.memory_space<vmem>>
      tpu.enqueue_dma source(%dma_start3A_235 : memref<31185xf32, #tpu.memory_space<vmem>>) target(%dma_start3A_233 : memref<31185xf32, #tpu.memory_space<hbm>>) target_semaphore(%arg17 : memref<!tpu.dma_semaphore, #tpu.memory_space<semaphore_mem>>)
    } else {
    }
    %not3A_207 = arith.constant true
    %not3A_208 = arith.xori %eq3A_1, %not3A_207 : i1
    %not3A_209 = arith.constant true
    %not3A_210 = arith.xori %eq3A_3, %not3A_209 : i1
    %and3A_211 = arith.andi %not3A_208, %not3A_210 : i1
    %convert_element_type3A_212 = arith.extui %and3A_211 : i1 to i32
    %cond3A_213 = arith.constant 0 : i32
    %cond3A_214 = arith.cmpi ne, %convert_element_type3A_212, %cond3A_213 : i32
    scf.if %cond3A_214 {
      %add3A = arith.constant 31256 : i32
      %add3A_229 = arith.addi %mul3A_0, %add3A : i32
      %dma_start3A_230 = arith.constant 31256 : i32
      %dma_start3A_231 = tpu.memref_slice %arg15[%dma_start3A_230] : memref<62504xf32, #tpu.memory_space<vmem>> -> memref<31248xf32, #tpu.memory_space<vmem>>
      %dma_start3A_232 = tpu.memref_slice %arg7[%add3A_229] : memref<1000001xf32, #tpu.memory_space<hbm>> -> memref<31248xf32, #tpu.memory_space<hbm>>
      %dma_start3A_233 = tpu.memref_slice %arg7[%add3A_229] : memref<1000001xf32, #tpu.memory_space<hbm>> -> memref<31248xf32, #tpu.memory_space<hbm>>
      %dma_start3A_234 = arith.constant 31256 : i32
      %dma_start3A_235 = tpu.memref_slice %arg15[%dma_start3A_234] : memref<62504xf32, #tpu.memory_space<vmem>> -> memref<31248xf32, #tpu.memory_space<vmem>>
      tpu.enqueue_dma source(%dma_start3A_235 : memref<31248xf32, #tpu.memory_space<vmem>>) target(%dma_start3A_233 : memref<31248xf32, #tpu.memory_space<hbm>>) target_semaphore(%arg17 : memref<!tpu.dma_semaphore, #tpu.memory_space<semaphore_mem>>)
    } else {
    }
    %not3A_215 = arith.constant true
    %not3A_216 = arith.xori %eq3A_1, %not3A_215 : i1
    %and3A_217 = arith.andi %not3A_216, %eq3A_3 : i1
    %convert_element_type3A_218 = arith.extui %and3A_217 : i1 to i32
    %cond3A_219 = arith.constant 0 : i32
    %cond3A_220 = arith.cmpi ne, %convert_element_type3A_218, %cond3A_219 : i32
    scf.if %cond3A_220 {
      %add3A = arith.constant 31256 : i32
      %add3A_229 = arith.addi %mul3A_0, %add3A : i32
      %dma_start3A_230 = arith.constant 31256 : i32
      %dma_start3A_231 = tpu.memref_slice %arg15[%dma_start3A_230] : memref<62504xf32, #tpu.memory_space<vmem>> -> memref<31185xf32, #tpu.memory_space<vmem>>
      %dma_start3A_232 = tpu.memref_slice %arg7[%add3A_229] : memref<1000001xf32, #tpu.memory_space<hbm>> -> memref<31185xf32, #tpu.memory_space<hbm>>
      %dma_start3A_233 = tpu.memref_slice %arg7[%add3A_229] : memref<1000001xf32, #tpu.memory_space<hbm>> -> memref<31185xf32, #tpu.memory_space<hbm>>
      %dma_start3A_234 = arith.constant 31256 : i32
      %dma_start3A_235 = tpu.memref_slice %arg15[%dma_start3A_234] : memref<62504xf32, #tpu.memory_space<vmem>> -> memref<31185xf32, #tpu.memory_space<vmem>>
      tpu.enqueue_dma source(%dma_start3A_235 : memref<31185xf32, #tpu.memory_space<vmem>>) target(%dma_start3A_233 : memref<31185xf32, #tpu.memory_space<hbm>>) target_semaphore(%arg17 : memref<!tpu.dma_semaphore, #tpu.memory_space<semaphore_mem>>)
    } else {
    }
    %not3A_221 = arith.constant true
    %not3A_222 = arith.xori %eq3A_3, %not3A_221 : i1
    %convert_element_type3A_223 = arith.extui %not3A_222 : i1 to i32
    %cond3A_224 = arith.constant 0 : i32
    %cond3A_225 = arith.cmpi ne, %convert_element_type3A_223, %cond3A_224 : i32
    scf.if %cond3A_225 {
      %dma_wait3A_229 = tpu.memref_slice %arg8[%mul3A_0] : memref<1000001xf32, #tpu.memory_space<hbm>> -> memref<62504xf32, #tpu.memory_space<hbm>>
      %dma_wait3A_230 = tpu.memref_slice %arg8[%mul3A_0] : memref<1000001xf32, #tpu.memory_space<hbm>> -> memref<62504xf32, #tpu.memory_space<hbm>>
      tpu.wait_dma2 semaphore(%arg17 : memref<!tpu.dma_semaphore, #tpu.memory_space<semaphore_mem>>) src(%arg15 : memref<62504xf32, #tpu.memory_space<vmem>>) dst(%dma_wait3A_230 : memref<62504xf32, #tpu.memory_space<hbm>>)
    } else {
    }
    %convert_element_type3A_226 = arith.extui %eq3A_3 : i1 to i32
    %cond3A_227 = arith.constant 0 : i32
    %cond3A_228 = arith.cmpi ne, %convert_element_type3A_226, %cond3A_227 : i32
    scf.if %cond3A_228 {
      %dma_wait3A_229 = arith.constant 0 : i32
      %dma_wait3A_230 = tpu.memref_slice %arg15[%dma_wait3A_229] : memref<62504xf32, #tpu.memory_space<vmem>> -> memref<62441xf32, #tpu.memory_space<vmem>>
      %dma_wait3A_231 = tpu.memref_slice %arg8[%mul3A_0] : memref<1000001xf32, #tpu.memory_space<hbm>> -> memref<62441xf32, #tpu.memory_space<hbm>>
      %dma_wait3A_232 = tpu.memref_slice %arg8[%mul3A_0] : memref<1000001xf32, #tpu.memory_space<hbm>> -> memref<62441xf32, #tpu.memory_space<hbm>>
      %dma_wait3A_233 = arith.constant 0 : i32
      %dma_wait3A_234 = tpu.memref_slice %arg15[%dma_wait3A_233] : memref<62504xf32, #tpu.memory_space<vmem>> -> memref<62441xf32, #tpu.memory_space<vmem>>
      tpu.wait_dma2 semaphore(%arg17 : memref<!tpu.dma_semaphore, #tpu.memory_space<semaphore_mem>>) src(%dma_wait3A_234 : memref<62441xf32, #tpu.memory_space<vmem>>) dst(%dma_wait3A_232 : memref<62441xf32, #tpu.memory_space<hbm>>)
    } else {
    }
    return
  }
}

</mosaic_0001>

<sc_bundles>
// kernel: kernel.3.cloned.1.call-start
scs
__scs_entry_jumppad:
0x0: {  	(pc) =	sbr.rel $0x88, $3  }
0x1: {  	(tag) =	ssettag $0x0;
	lr =	simm.s32 $0x1  }
0x2: {  	[smem:$0x3F9D] =	sst lr;
	_ =	strace $0xD0000000  }
0x3: {  	_ = 	snop  }
0x4: {  	_ = 	snop  }
0x5: {  	_ = 	snop  }
0x6: {  	_ = 	snop  }
0x7: {  	_ = 	snop  }
__scs_overlays_trampoline_lowered:
0x8: {  	[smem:$0x3FAC] =	sst s0  }
0x9: {  	[smem:$0x3FAD] =	sst s1  }
0xa: {  	[smem:$0x3FAE] =	sst s2  }
0xb: {  	[smem:$0x3FAF] =	sst s3  }
0xc: {  	[smem:$0x3FB0] =	sst s4  }
0xd: {  	[smem:$0x3FB1] =	sst s5  }
0xe: {  	[smem:$0x3FB2] =	sst s6  }
0xf: {  	[smem:$0x3FB3] =	sst s7  }
0x10: {  	[smem:$0x3FB4] =	sst s8  }
0x11: {  	[smem:$0x3FB5] =	sst s9;
	s0 =	simm.s32 @!p0 $0x0  }
0x12: {  	s1 =	sld [smem:$0x3F9B];
	s0 =	simm.s32 @p0 $0x1  }
0x13: {  	[smem:$0x3FB6] =	sst s0;
	s0 =	simm.s32 @!p1 $0x0  }
0x14: {  	s2 =	sld [smem:$0x3F9A];
	s0 =	simm.s32 @p1 $0x1  }
0x15: {  	[smem:$0x3FB7] =	sst s0;
	s0 =	simm.s32 @!p2 $0x0  }
0x16: {  	s3 =	sld [smem:$0x3FDB];
	s0 =	simm.s32 @p2 $0x1  }
0x17: {  	s4 =	simm.s32 $0x1BF5;
	[smem:$0x3FB9] =	sst s0  }
0x18: {  	s0 =	sld [smem:$0x3F9C];
	_ =	swait.ge [sflag:s4], $0x0  }
0x19: {  	s7 =	sld [smem:$0x3F9D]  }
0x1a: {  	s8 =	sadd.s32 $0xFFFFE003, lr  }
0x1b: {  	s9 =	sadd.s32 $0xFFFFFEF7, lr;
	s5 =	simm.s32 $0xFFFFFFFF;
	p2 =	slt.u32 s8, $0xFFFFF086  }
0x1c: {  	p1 =	slt.u32 s9, $0xF7A;
	s5 =	simm.s32 @!p2 $0x0  }
0x1d: {  	s5 =	simm.s32 @p1 $0x1;
	p0 =	seq.s32 s7, s2  }
0x1e: {  	s7 =	smul.u32 @!p0 $0xF7A, s2;
	p2 =	seq.s32 @!p0 s5, $0x0  }
0x1f: {  	s9 =	smul.u32 $0xF7A, s1;
	s8 =	simm.s32 @!p0 $0x1BF5;
	p2 =	por !p2, p0  }
0x20: {  	[sflag:s8] =	ssyncset.s32 @!p0 $0xFFFFF086;
	s6 =	sadd.s32 @!p0 s3, s7;
	s7 =	simm.s32 @!p0 $0x108  }
0x21: {  	s3 =	sadd.s32 s3, s9;
	s6 =	sadd.s32 @!p0 $0x88, s6;
	s7 =	simm.s32 @p2 $0x1082  }
0x22: {  	[simem:s7], [sflag:s8] =	dma.local @!p0 [hbm:s6], $0xF7A  }
0x23: {  	s9 =	sor.u32 $0xD0000000, s2;
	s6 =	simm.s32 $0x108;
	_ =	swait.ge @!p0 [sflag:s8], $0x0  }
0x24: {  	s3 =	sadd.s32 $0x88, s3;
	s6 =	simm.s32 @!p1 $0x1082;
	[sflag:s4] =	ssyncset.s32 $0xFFFFF086  }
0x25: {  	[simem:s6], [sflag:s4] =	dma.local [hbm:s3], $0xF7A  }
0x26: {  	[smem:$0x3F9D] =	sst s1;
	(tag) =	ssettag s2;
	_ =	strace s9  }
0x27: {  	s1 =	sld [smem:$0x3FAD]  }
0x28: {  	s2 =	sld [smem:$0x3FAE]  }
0x29: {  	s4 =	sld [smem:$0x3FB0]  }
0x2a: {  	p0 =	seq.s32 s5, $0x0;
	s5 =	sld [smem:$0x3FB1]  }
0x2b: {  	s6 =	sld [smem:$0x3FB2]  }
0x2c: {  	s7 =	sld [smem:$0x3FB3]  }
0x2d: {  	s3 =	simm.s32 $0x108;
	s8 =	sld [smem:$0x3FB4]  }
0x2e: {  	s3 =	simm.s32 @!p0 $0x1082;
	s9 =	sld [smem:$0x3FB5]  }
0x2f: {  	lr =	sadd.s32 s0, s3;
	s0 =	sld [smem:$0x3FAC]  }
0x30: {  	s3 =	sld [smem:$0x3FAF]  }
0x31: {  	[smem:$0x3FB8] =	sst s10  }
0x32: {  	s10 =	sld [smem:$0x3FB6];
	_ =	sdelay $0x3  }
0x33: {  	p0 =	seq.s32 s10, $0x1;
	s10 =	sld [smem:$0x3FB8];
	_ =	sdelay $0x3  }
0x34: {  	[smem:$0x3FB8] =	sst s10  }
0x35: {  	s10 =	sld [smem:$0x3FB7];
	_ =	sdelay $0x3  }
0x36: {  	p1 =	seq.s32 s10, $0x1;
	s10 =	sld [smem:$0x3FB8];
	_ =	sdelay $0x3  }
0x37: {  	[smem:$0x3FB8] =	sst s10  }
0x38: {  	s10 =	sld [smem:$0x3FB9]  }
0x39: {  	_ = 	snop;
	(pc) =	sbr.ind lr, $3  }
0x3a: {  	_ = 	snop  }
0x3b: {  	_ = 	snop  }
0x3c: {  	p2 =	seq.s32 s10, $0x1;
	s10 =	sld [smem:$0x3FB8]  }
0x3d: {  	_ =	shalt  }
0x3e: {  	_ =	shalt  }
0x3f: {  	_ =	shalt  }
0x40: {  	_ =	shalt  }
0x41: {  	_ =	shalt  }
0x42: {  	_ =	shalt  }
0x43: {  	_ =	shalt  }
0x44: {  	_ =	shalt  }
0x45: {  	_ =	shalt  }
0x46: {  	_ =	shalt  }
0x47: {  	_ =	shalt  }
0x48: {  	_ =	shalt  }
0x49: {  	_ =	shalt  }
0x4a: {  	_ =	shalt  }
0x4b: {  	_ =	shalt  }
0x4c: {  	_ =	shalt  }
0x4d: {  	_ =	shalt  }
0x4e: {  	_ =	shalt  }
0x4f: {  	_ =	shalt  }
0x50: {  	_ =	shalt  }
0x51: {  	_ =	shalt  }
0x52: {  	_ =	shalt  }
0x53: {  	_ =	shalt  }
0x54: {  	_ =	shalt  }
0x55: {  	_ =	shalt  }
0x56: {  	_ =	shalt  }
0x57: {  	_ =	shalt  }
0x58: {  	_ =	shalt  }
0x59: {  	_ =	shalt  }
0x5a: {  	_ =	shalt  }
0x5b: {  	_ =	shalt  }
0x5c: {  	_ =	shalt  }
0x5d: {  	_ =	shalt  }
0x5e: {  	_ =	shalt  }
0x5f: {  	_ =	shalt  }
0x60: {  	_ =	shalt  }
0x61: {  	_ =	shalt  }
0x62: {  	_ =	shalt  }
0x63: {  	_ =	shalt  }
0x64: {  	_ =	shalt  }
0x65: {  	_ =	shalt  }
0x66: {  	_ =	shalt  }
0x67: {  	_ =	shalt  }
0x68: {  	_ =	shalt  }
0x69: {  	_ =	shalt  }
0x6a: {  	_ =	shalt  }
0x6b: {  	_ =	shalt  }
0x6c: {  	_ =	shalt  }
0x6d: {  	_ =	shalt  }
0x6e: {  	_ =	shalt  }
0x6f: {  	_ =	shalt  }
0x70: {  	_ =	shalt  }
0x71: {  	_ =	shalt  }
0x72: {  	_ =	shalt  }
0x73: {  	_ =	shalt  }
0x74: {  	_ =	shalt  }
0x75: {  	_ =	shalt  }
0x76: {  	_ =	shalt  }
0x77: {  	_ =	shalt  }
0x78: {  	_ =	shalt  }
0x79: {  	_ =	shalt  }
0x7a: {  	_ =	shalt  }
0x7b: {  	_ =	shalt  }
0x7c: {  	_ =	shalt  }
0x7d: {  	_ =	shalt  }
0x7e: {  	_ =	shalt  }
0x7f: {  	_ =	shalt  }
0x80: {  	_ =	shalt  }
0x81: {  	_ =	shalt  }
0x82: {  	_ =	shalt  }
0x83: {  	_ =	shalt  }
0x84: {  	_ =	shalt  }
0x85: {  	_ =	shalt  }
0x86: {  	_ =	shalt  }
0x87: {  	_ =	shalt  }
.Lfunc_end0:
.L_simem_size_0:
called_computation_lowered:
.L_overlay_start_0:
0x88: {  	s2 =	sld [smem:$0x3FD9]  }
0x89: {  	s3 =	sld [smem:$0x3FFE];
	_ =	sdelay $0x1  }
0x8a: {  	s1 =	srdreg.scid  }
0x8b: {  	s0 =	sand.u32 $0x1, s1  }
0x8c: {  	s14 =	sshll.u32 s0, $0xA;
	s2 =	sadd.s32 s3, s2  }
0x8d: {  	s2 =	sadd.s32 s2, s14  }
0x8e: {  	[smem:$0x3FC4] =	sst s2  }
0x8f: {  	_ = 	snop  }
0x90: {  	s2 =	sld [smem:$0x3FD0]  }
0x91: {  	s15 =	sld [smem:$0x3FC9]  }
0x92: {  	s4 =	sld [smem:$0x3FC8]  }
0x93: {  	s6 =	simm.s32 $0xA;
	s7 =	simm.s32 $0x10;
	s5 =	sld [smem:$0x3FC7]  }
0x94: {  	[smem:s7], [sflag:s6] =	dma.local [hbm:s2], $0x1  }
0x95: {  	_ =	swait.eq [sflag:s6], $0x1  }
0x96: {  	s16 =	sld [smem:$0x10];
	[sflag:s6] =	ssyncset.done $0x0  }
0x97: {  	s17 =	sld [smem:$0x11];
	[sflag:s6] =	ssyncadd.s32 $0xFFFFFFFF  }
0x98: {  	s18 =	sld [smem:$0x12];
	(tm) =	ssettm $0x1  }
0x99: {  	s8 =	sld [smem:$0x3FFB];
	_ =	sdelay $0x3  }
0x9a: {  	_ =	strace s8  }
0x9b: {  	s8 =	sld [smem:$0x3FFC];
	_ =	sdelay $0x3  }
0x9c: {  	_ =	strace s8  }
0x9d: {  	s8 =	sld [smem:$0x3FFD];
	_ =	sdelay $0x3  }
0x9e: {  	_ =	strace s8  }
0x9f: {  	_ =	strace $0x8FFFFFFF  }
0xa0: {  	s19 =	sld [smem:$0x3FDB];
	_ =	sdelay $0x1  }
0xa1: {  	s9 =	simm.s32 $_scs_section_size  }
0xa2: {  	s10 =	simm.s32 $_size__tile_overlayer_lowered;
	s11 =	simm.s32 $_tile_overlayer_lowered  }
0xa3: {  	s22 =	simm.s32 $0x1BFF;
	s21 =	sshll.u32 s11, $0x1;
	s8 =	sadd.s32 s9, s19  }
0xa4: {  	s12 =	simm.s32 $0x0;
	s20 =	sshll.u32 s10, $0x1;
	s10 =	sadd.s32 s21, s8  }
0xa5: {  	[timem:s12], [sflag:s22] =	dma.local [hbm:s10], s20  }
0xa6: {  	_ =	swait.ge [sflag:s22], s20  }
0xa7: {  	s9 =	ssub.s32 $0x0, s20;
	[sflag:s22] =	ssyncset.done $0x0  }
0xa8: {  	[sflag:s22] =	ssyncadd.s32 s9;
	_ =	sdelay $0x1  }
0xa9: {  	s23 =	simm.s32 $0x1B8B  }
0xaa: {  	_ =	swait.ge [sflag:s23], $0x1  }
0xab: {  	[sflag:s23] =	ssyncset.done $0x0  }
0xac: {  	s25 =	simm.s32 $0x1B8E;
	s24 =	sld [smem:$0x3FFE];
	[sflag:s23] =	ssyncadd.s32 $0xFFFFFFFF  }
0xad: {  	s26 =	simm.s32 $execute0_lowered;
	[smem:$0x3FD2] =	sst s25  }
0xae: {  	s10 =	sshll.u32 s26, $0x1;
	_ =	strace $0x80000046;
	[dreg:$0x1] =	wrdreg $0xFFFFFFFF  }
0xaf: {  	s28 =	simm.s32 $_size_execute0_lowered;
	s8 =	sadd.s32 s8, s10;
	[dreg:$0x0] =	wrdreg $0x0  }
0xb0: {  	s10 =	sshll.u32 s28, $0x1;
	[dreg:$0x2] =	wrdreg s8  }
0xb1: {  	[dreg:$0x3] =	wrdreg s10  }
0xb2: {  	[dreg:$0x4] =	wrdreg $0xC0  }
0xb3: {  	_ =	task [dreg:s12], $0x5FFFF  }
0xb4: {  	[dreg:$0x1] =	wrdreg $0xFFFFFFFF  }
0xb5: {  	[dreg:$0x0] =	wrdreg $0x60  }
0xb6: {  	[dreg:$0x2] =	wrdreg s15  }
0xb7: {  	[dreg:$0x3] =	wrdreg s4  }
0xb8: {  	[dreg:$0x4] =	wrdreg s5  }
0xb9: {  	[dreg:$0x5] =	wrdreg s24  }
0xba: {  	[dreg:$0x6] =	wrdreg s16  }
0xbb: {  	[dreg:$0x7] =	wrdreg s17  }
0xbc: {  	[dreg:$0x8] =	wrdreg s18  }
0xbd: {  	[dreg:$0x9] =	wrdreg $0x109000  }
0xbe: {  	[dreg:$0xa] =	wrdreg $0x9  }
0xbf: {  	_ =	task.clear_ibuf [dreg:s12], $0xBFFFF;
	_ =	strace $0x90000046  }
0xc0: {  	s29 =	simm.s32 $0x9;
	_ =	strace $0x80000048  }
0xc1: {  	_ =	swait.ge [sflag:s29], $0x1  }
0xc2: {  	[sflag:s29] =	ssyncadd.s32 $0xFFFFFFFF  }
0xc3: {  	_ =	strace $0x90000048  }
0xc4: {  	_ =	sfence  }
0xc5: {  	s30 =	sld [smem:$0x0];
	_ =	sdelay $0x2  }
0xc6: {  	s31 =	sshll.u32 s1, $0xD;
	s1 =	sshrl.u32 s1, $0x2  }
0xc7: {  	s3 =	sand.u32 $0x4000, s31;
	s1 =	sadd.s32 s1, s30  }
0xc8: {  	s0 =	sor.u32 s3, s0;
	s1 =	sshll.u32 s1, $0x11  }
0xc9: {  	s0 =	sor.u32 s1, s0  }
0xca: {  	s0 =	sadd.s32 $0x8F2B, s0  }
0xcb: {  	[sflag:s0] =	ssyncadd.remote.s32 $0x1  }
0xcc: {  	_ =	sfence.sel $0xFFFF  }
0xcd: {  	[dreg:$0x0] =	wrdreg $0xFFFFFFFF;
	(pc) =	sbr.abs _section_cstart, $3  }
0xce: {  	[dreg:$0x1] =	wrdreg $0xFFFFFFFF  }
0xcf: {  	_ =	task.clear_ibuf [dreg:s12], $0x2FFFF;
	_ =	strace $0x9FFFFFFF  }
0xd0: {  	(tm) =	ssettm $0x7FFFFFFF  }
0xd1: {  	_ =	shalt  }
tec
execute0_lowered:
.L_overlay_start_1:
0x0: {  	(tag) =	ssettag $0x1  }
0x1: {  	s2 =	rddreg [dreg:$0x0]  }
0x2: {  	s0 =	rddreg [dreg:$0x1]  }
0x3: {  	s1 =	rddreg [dreg:$0x2]  }
0x4: {  	s5 =	rddreg [dreg:$0x3]  }
0x5: {  	s6 =	rddreg [dreg:$0x4]  }
0x6: {  	s7 =	rddreg [dreg:$0x5]  }
0x7: {  	s8 =	rddreg [dreg:$0x6]  }
0x8: {  	s3 =	rddreg [dreg:$0x7];
	s9 =	srdreg.scid;
	s4 =	simm.s32 $0x0  }
0x9: {  	s12 =	stileid.u32;
	s29 =	simm.s32 $0x4;
	s30 =	simm.s32 $0x3  }
0xa: {  	s9 =	sand.u32 $0x1, s9;
	[smem:$0x7FF] =	sst s4;
	s15 =	sadd.s32 $0x800, s5  }
0xb: {  	p0 =	seq.s32 s12, $0xF;
	p2 =	sne.s32 s12, $0xF;
	s18 =	smul.u32 $0xF428, s12  }
0xc: {  	s19 =	sadd.s32 $0x1C9CB, s0;
	s21 =	sshll.u32 s12, $0x7;
	s22 =	sadd.s32 $0x1C9CB, s1  }
0xd: {  	s26 =	sadd.s32 $0x1C9CB, s7;
	s28 =	sadd.s32 $0x1D90E, s7;
	s5 =	simm.s32 $0x0  }
0xe: {  	s10 =	ssub.s32 $0x2, s9;
	_ =	strace $0x80000047;
	[dreg:$0x9] =	wrdreg s19  }
0xf: {  	p1 =	seq.s32 s9, $0x0;
	[dreg:$0xb] =	wrdreg s22;
	s16 =	sadd.s32 s2, s21  }
0x10: {  	s24 =	sadd.s32 s6, s21;
	s19 =	sadd.s32 $0x1C9CB, s8;
	[dreg:$0xe] =	wrdreg s26  }
0x11: {  	[dreg:$0x10] =	wrdreg s28;
	s26 =	simm.s32 $0x2;
	s11 =	sshrl.u32 s10, $0x1  }
0x12: {  	p3 =	por !p1, !p2;
	p1 =	por !p1, !p0;
	s20 =	sshrl.u32 s18, $0x3  }
0x13: {  	s12 =	sadd.s32 s18, s3;
	[dreg:$0xd] =	wrdreg s24;
	s25 =	sadd.s32 $0x7A18, s18  }
0x14: {  	s24 =	sadd.s32 $0x1D90E, s8;
	s31 =	ssub.s32 s10, s11;
	p5 =	por !p3, !p3  }
0x15: {  	p1 =	por !p1, !p1;
	p3 =	seq.s32 s9, $0x1;
	s13 =	sadd.s32 s0, s20  }
0x16: {  	s23 =	sadd.s32 s1, s20;
	s17 =	sadd.s32 s8, s20;
	s20 =	sadd.s32 s7, s20  }
0x17: {  	s2 =	sshrl.u32 s25, $0x3;
	s11 =	simm.s32 @!p1 $0x0;
	[dreg:$0xa] =	wrdreg s13  }
0x18: {  	p4 =	por !p2, !p3;
	[dreg:$0xc] =	wrdreg s23;
	s23 =	sadd.s32 s8, s2  }
0x19: {  	s6 =	simm.s32 @!p3 $0x0;
	p6 =	por !p0, !p3;
	s31 =	smax.u32 s31, $0x1  }
0x1a: {  	s14 =	sadd.s32 s7, s2;
	s11 =	simm.s32 @p1 $0x1;
	[dreg:$0x11] =	wrdreg s31  }
0x1b: {  	p2 =	por !p4, !p4;
	s6 =	simm.s32 @p3 $0x1;
	[dreg:$0xf] =	wrdreg s14  }
0x1c: {  	p1 =	por !p6, !p6;
	[smem:$0x7F8] =	sst s11;
	s2 =	simm.s32 @!p2 $0x0  }
0x1d: {  	[smem:$0x7F9] =	sst s6;
	p1 =	por !p1, p2;
	s2 =	simm.s32 @p2 $0x1  }
.Ltmp0:
0x1e: {  	[smem:$0x7FA] =	sst s2;
	s2 =	simm.s32 @!p1 $0x0;
	(pc) =	sbr.rel .LBB2_1-.Ltmp0, $4  }
0x1f: {  	s6 =	simm.s32 @!p5 $0x0;
	s2 =	simm.s32 @p1 $0x1;
	p1 =	sne.s32 s9, $0x0  }
0x20: {  	s6 =	simm.s32 @p5 $0x1;
	[smem:$0x7FB] =	sst s2;
	s2 =	simm.s32 @!p1 $0x0  }
0x21: {  	s21 =	sadd.s32 $0x7A18, s12;
	[smem:$0x7FD] =	sst s6;
	s2 =	simm.s32 @p1 $0x1  }
0x22: {  	v0 =	vimm.f32 $0.0e+00;
	s8 =	simm.s32 $0x1480;
	[smem:$0x7FC] =	sst s2;
	s2 =	simm.s32 $0x1  }
.LBB2_19:
0x23: {  	_ =	swait.ge [sflag:s2], $0xF428  }
0x24: {  	[sflag:s2] =	ssyncset.done $0x0  }
0x25: {  	[sflag:s2] =	ssyncadd.s32 $0xFFFF0BD8  }
.LBB2_20:
0x26: {  	s5 =	sadd.s32 $0x1, s5;
	s6 =	rddreg [dreg:$0x11]  }
0x27: {  	p1 =	sne.s32 s5, s6  }
.Ltmp1:
0x28: {  	_ = 	snop;
	(pc) =	sbr.rel @!p1 .LBB2_21-.Ltmp1, $1  }
0x29: {  	_ =	sdelay $0x3  }
.LBB2_1:
.Ltmp2:
0x2a: {  	(pc) =	sbr.rel @!p5 .LBB2_4-.Ltmp2, $1  }
0x2b: {  	_ =	sdelay $0x3  }
.Ltmp3:
0x2c: {  	(pc) =	sbr.rel .LBB2_3-.Ltmp3, $3  }
0x2d: {  	_ =	sdelay $0x1  }
0x2e: {  	s6 =	rddreg [dreg:$0xa]  }
0x2f: {  	[tilespmem:s8], [sflag:$0x1] =	stream.linear.gather [hbm4b:s6+s4], $0xF428, $0x38;
	[tilespmem:$0x1FD28] =	vst v63  }
.LBB2_4:
0x30: {  	s6 =	sld [smem:$0x7F8];
	_ =	sdelay $0x2  }
0x31: {  	p1 =	seq.s32 s6, $0x1  }
.Ltmp4:
0x32: {  	_ = 	snop;
	(pc) =	sbr.rel @!p1 .LBB2_3-.Ltmp4, $1  }
0x33: {  	_ =	sdelay $0x3  }
.Ltmp5:
0x34: {  	(pc) =	sbr.rel .LBB2_6-.Ltmp5, $4  }
0x35: {  	_ = 	snop  }
0x36: {  	s6 =	rddreg [dreg:$0x9];
	p2 =	por $0x1, $0x1  }
0x37: {  	p4 =	por $0x0, $0x0;
	p5 =	por $0x0, $0x0;
	p3 =	por $0x0, $0x0  }
0x38: {  	[tilespmem:s8], [sflag:$0x1] =	stream.linear.gather [hbm4b:s6+s4], $0xF3E9, $0x38;
	[tilespmem:$0x1FD28] =	vst v63  }
.LBB2_3:
0x39: {  	s6 =	sld [smem:$0x7FB]  }
0x3a: {  	s28 =	sld [smem:$0x7FA]  }
0x3b: {  	s8 =	rddreg [dreg:$0xb]  }
0x3c: {  	s31 =	sld [smem:$0x7F9];
	p4 =	seq.s32 s6, $0x1  }
0x3d: {  	p6 =	seq.s32 s28, $0x1;
	s6 =	simm.s32 @!p4 $0x0;
	s7 =	simm.s32 @!p4 $0x1480  }
0x3e: {  	p1 =	por @!p6 $0x0, $0x0;
	p2 =	por @!p4 $0x0, $0x0;
	p3 =	por @!p4 $0x1, $0x1  }
0x3f: {  	[tilespmem:s7], [sflag:$0x1] =	stream.linear.gather @!p4 [hbm4b:s8+s6], $0xF3E9, $0x38;
	[tilespmem:$0x1FD28] =	vst v63  }
0x40: {  	p5 =	por @!p6 $0x0, $0x0;
	s6 =	simm.s32 @p6 $0x0;
	s7 =	simm.s32 @p6 $0x1480  }
0x41: {  	s8 =	rddreg [dreg:$0xc];
	p1 =	por @!p4 p2, p2;
	p2 =	seq.s32 s31, $0x1  }
0x42: {  	p5 =	por @!p4 p3, p3;
	p2 =	por @!p4 p3, p3;
	p4 =	por @p6 $0x0, $0x0  }
0x43: {  	[tilespmem:s7], [sflag:$0x1] =	stream.linear.gather @p6 [hbm4b:s8+s6], $0xF428, $0x38;
	[tilespmem:$0x1FD28] =	vst v63  }
0x44: {  	p4 =	por @!p6 p5, p5;
	p5 =	por @p6 $0x1, $0x1  }
0x45: {  	p3 =	por @p6 $0x1, $0x1;
	p5 =	por @!p6 p2, p2;
	p2 =	por @p6 $0x0, $0x0  }
0x46: {  	p3 =	por @!p6 p1, p1;
	p2 =	por @!p6 p1, p1  }
.LBB2_6:
0x47: {  	[tilespmem:s4], [sflag:$0x2] =	stream.linear.gather [hbm4b:s16+s4], $0x400, $0x38;
	[tilespmem:$0x1FD28] =	vst v63  }
0x48: {  	s6 =	simm.s32 $0x1400  }
0x49: {  	[tilespmem:s6], [sflag:$0x2] =	stream.linear.gather [hbm4b:s15+s4], $0x80, $0x38;
	[tilespmem:$0x1FD28] =	vst v63  }
0x4a: {  	_ =	swait.ge [sflag:s26], $0x400  }
0x4b: {  	[sflag:s26] =	ssyncset.done $0x0  }
0x4c: {  	[sflag:s26] =	ssyncadd.s32 $0xFFFFFC00  }
0x4d: {  	_ =	swait.ge [sflag:s26], $0x80  }
0x4e: {  	s28 =	simm.s32 @p5 $0x80;
	[sflag:s26] =	ssyncset.done $0x0  }
0x4f: {  	s7 =	simm.s32 @p5 $0x0;
	s6 =	simm.s32 @p5 $0x400;
	[sflag:s26] =	ssyncadd.s32 $0xFFFFFF80  }
0x50: {  	[tilespmem:s6], [sflag:$0x2] =	stream.indirect.gather @p5 [hbm4b:s0+s28], $0x1, s7, s28, $0xb8;
	[tilespmem:$0x1FD28] =	vst v63  }
0x51: {  	s6 =	simm.s32 @p5 $0x800  }
0x52: {  	[tilespmem:s6], [sflag:$0x2] =	stream.indirect.gather @p5 [hbm4b:s1+s28], $0x1, s7, s28, $0xb8;
	[tilespmem:$0x1FD28] =	vst v63  }
0x53: {  	s6 =	simm.s32 @p5 $0x480  }
0x54: {  	[tilespmem:s6], [sflag:$0x2] =	stream.indirect.gather @p5 [hbm4b:s0+s28], $0x1, s28, s28, $0xb8;
	[tilespmem:$0x1FD28] =	vst v63  }
0x55: {  	s6 =	simm.s32 @p5 $0x880  }
0x56: {  	[tilespmem:s6], [sflag:$0x2] =	stream.indirect.gather @p5 [hbm4b:s1+s28], $0x1, s28, s28, $0xb8;
	[tilespmem:$0x1FD28] =	vst v63  }
0x57: {  	s25 =	simm.s32 @p5 $0x100;
	s6 =	simm.s32 @p5 $0x500  }
0x58: {  	[tilespmem:s6], [sflag:$0x2] =	stream.indirect.gather @p5 [hbm4b:s0+s28], $0x1, s25, s28, $0xb8;
	[tilespmem:$0x1FD28] =	vst v63  }
0x59: {  	s6 =	simm.s32 @p5 $0x900  }
0x5a: {  	[tilespmem:s6], [sflag:$0x2] =	stream.indirect.gather @p5 [hbm4b:s1+s28], $0x1, s25, s28, $0xb8;
	[tilespmem:$0x1FD28] =	vst v63  }
0x5b: {  	s8 =	simm.s32 @p5 $0x180;
	s6 =	simm.s32 @p5 $0x580  }
0x5c: {  	[tilespmem:s6], [sflag:$0x2] =	stream.indirect.gather @p5 [hbm4b:s0+s28], $0x1, s8, s28, $0xb8;
	[tilespmem:$0x1FD28] =	vst v63  }
0x5d: {  	s6 =	simm.s32 @p5 $0x980  }
0x5e: {  	[tilespmem:s6], [sflag:$0x2] =	stream.indirect.gather @p5 [hbm4b:s1+s28], $0x1, s8, s28, $0xb8;
	[tilespmem:$0x1FD28] =	vst v63  }
0x5f: {  	s13 =	simm.s32 @p5 $0x200;
	s6 =	simm.s32 @p5 $0x600  }
0x60: {  	[tilespmem:s6], [sflag:$0x2] =	stream.indirect.gather @p5 [hbm4b:s0+s28], $0x1, s13, s28, $0xb8;
	[tilespmem:$0x1FD28] =	vst v63  }
0x61: {  	s6 =	simm.s32 @p5 $0xA00  }
0x62: {  	[tilespmem:s6], [sflag:$0x2] =	stream.indirect.gather @p5 [hbm4b:s1+s28], $0x1, s13, s28, $0xb8;
	[tilespmem:$0x1FD28] =	vst v63  }
0x63: {  	s18 =	simm.s32 @p5 $0x280;
	s6 =	simm.s32 @p5 $0x680  }
0x64: {  	[tilespmem:s6], [sflag:$0x2] =	stream.indirect.gather @p5 [hbm4b:s0+s28], $0x1, s18, s28, $0xb8;
	[tilespmem:$0x1FD28] =	vst v63  }
0x65: {  	s6 =	simm.s32 @p5 $0xA80  }
0x66: {  	[tilespmem:s6], [sflag:$0x2] =	stream.indirect.gather @p5 [hbm4b:s1+s28], $0x1, s18, s28, $0xb8;
	[tilespmem:$0x1FD28] =	vst v63  }
0x67: {  	s22 =	simm.s32 @p5 $0x300;
	s6 =	simm.s32 @p5 $0x700  }
0x68: {  	[tilespmem:s6], [sflag:$0x2] =	stream.indirect.gather @p5 [hbm4b:s0+s28], $0x1, s22, s28, $0xb8;
	[tilespmem:$0x1FD28] =	vst v63  }
0x69: {  	s6 =	simm.s32 @p5 $0xB00  }
0x6a: {  	[tilespmem:s6], [sflag:$0x2] =	stream.indirect.gather @p5 [hbm4b:s1+s28], $0x1, s22, s28, $0xb8;
	[tilespmem:$0x1FD28] =	vst v63  }
0x6b: {  	s9 =	simm.s32 @p5 $0x380;
	s6 =	simm.s32 @p5 $0x780  }
0x6c: {  	[tilespmem:s6], [sflag:$0x2] =	stream.indirect.gather @p5 [hbm4b:s0+s28], $0x1, s9, s28, $0xb8;
	[tilespmem:$0x1FD28] =	vst v63  }
0x6d: {  	s10 =	simm.s32 @p0 $0x1;
	s6 =	simm.s32 @p5 $0xB80  }
0x6e: {  	[tilespmem:s6], [sflag:$0x2] =	stream.indirect.gather @p5 [hbm4b:s1+s28], $0x1, s9, s28, $0xb8;
	[tilespmem:$0x1FD28] =	vst v63  }
0x6f: {  	_ =	swait.ge @p0 [sflag:s10], $0xF3E9  }
0x70: {  	[sflag:s10] =	ssyncset.done @p0 $0x0  }
0x71: {  	s6 =	simm.s32 @p0 $0x1480;
	[sflag:s10] =	ssyncadd.s32 @p0 $0xFFFF0C17  }
0x72: {  	[spmem:s12] =	stream.linear.scatter @p0 [tilespmem:s6], [sflag:$0x1], $0xF3E9, $0x38;
	[tilespmem:$0x1FD28] =	vst v63  }
.Ltmp6:
0x73: {  	s31 =	simm.s32 @!p0 $0x1;
	(pc) =	sbr.rel @!p5 .LBB2_10-.Ltmp6, $4  }
0x74: {  	_ =	swait.ge @!p0 [sflag:s31], $0xF428  }
0x75: {  	[sflag:s31] =	ssyncset.done @!p0 $0x0  }
0x76: {  	s6 =	simm.s32 @!p0 $0x1480;
	[sflag:s31] =	ssyncadd.s32 @!p0 $0xFFFF0BD8  }
0x77: {  	[spmem:s12] =	stream.linear.scatter @!p0 [tilespmem:s6], [sflag:$0x1], $0xF428, $0x38;
	[tilespmem:$0x1FD28] =	vst v63  }
0x78: {  	v1 =	vld [tilespmem:$0x1400];
	_ =	swait.ge [sflag:s26], $0x80  }
0x79: {  	[sflag:s26] =	ssyncset.done $0x0  }
0x7a: {  	[sflag:s26] =	ssyncadd.s32 $0xFFFFFF80  }
0x7b: {  	_ =	swait.ge [sflag:s26], $0x80  }
0x7c: {  	[sflag:s26] =	ssyncset.done $0x0  }
0x7d: {  	[sflag:s26] =	ssyncadd.s32 $0xFFFFFF80  }
0x7e: {  	_ =	swait.ge [sflag:s26], $0x80  }
0x7f: {  	[sflag:s26] =	ssyncset.done $0x0  }
0x80: {  	[sflag:s26] =	ssyncadd.s32 $0xFFFFFF80  }
0x81: {  	_ =	swait.ge [sflag:s26], $0x80  }
0x82: {  	[sflag:s26] =	ssyncset.done $0x0  }
0x83: {  	[sflag:s26] =	ssyncadd.s32 $0xFFFFFF80  }
0x84: {  	_ =	swait.ge [sflag:s26], $0x80  }
0x85: {  	[sflag:s26] =	ssyncset.done $0x0  }
0x86: {  	[sflag:s26] =	ssyncadd.s32 $0xFFFFFF80  }
0x87: {  	_ =	swait.ge [sflag:s26], $0x80  }
0x88: {  	[sflag:s26] =	ssyncset.done $0x0  }
0x89: {  	[sflag:s26] =	ssyncadd.s32 $0xFFFFFF80  }
0x8a: {  	_ =	swait.ge [sflag:s26], $0x80  }
0x8b: {  	[sflag:s26] =	ssyncset.done $0x0  }
0x8c: {  	[sflag:s26] =	ssyncadd.s32 $0xFFFFFF80  }
0x8d: {  	_ =	swait.ge [sflag:s26], $0x80  }
0x8e: {  	[sflag:s26] =	ssyncset.done $0x0  }
0x8f: {  	[sflag:s26] =	ssyncadd.s32 $0xFFFFFF80  }
0x90: {  	_ =	swait.ge [sflag:s26], $0x80  }
0x91: {  	[sflag:s26] =	ssyncset.done $0x0  }
0x92: {  	[sflag:s26] =	ssyncadd.s32 $0xFFFFFF80  }
0x93: {  	_ =	swait.ge [sflag:s26], $0x80  }
0x94: {  	[sflag:s26] =	ssyncset.done $0x0  }
0x95: {  	[sflag:s26] =	ssyncadd.s32 $0xFFFFFF80  }
0x96: {  	_ =	swait.ge [sflag:s26], $0x80  }
0x97: {  	[sflag:s26] =	ssyncset.done $0x0  }
0x98: {  	[sflag:s26] =	ssyncadd.s32 $0xFFFFFF80  }
0x99: {  	_ =	swait.ge [sflag:s26], $0x80  }
0x9a: {  	[sflag:s26] =	ssyncset.done $0x0  }
0x9b: {  	[sflag:s26] =	ssyncadd.s32 $0xFFFFFF80  }
0x9c: {  	_ =	swait.ge [sflag:s26], $0x80  }
0x9d: {  	[sflag:s26] =	ssyncset.done $0x0  }
0x9e: {  	[sflag:s26] =	ssyncadd.s32 $0xFFFFFF80  }
0x9f: {  	_ =	swait.ge [sflag:s26], $0x80  }
0xa0: {  	[sflag:s26] =	ssyncset.done $0x0  }
0xa1: {  	[sflag:s26] =	ssyncadd.s32 $0xFFFFFF80  }
0xa2: {  	_ =	swait.ge [sflag:s26], $0x80  }
0xa3: {  	[sflag:s26] =	ssyncset.done $0x0  }
0xa4: {  	[sflag:s26] =	ssyncadd.s32 $0xFFFFFF80  }
0xa5: {  	_ =	swait.ge [sflag:s26], $0x80  }
0xa6: {  	[sflag:s26] =	ssyncset.done $0x0  }
0xa7: {  	s6 =	simm.s32 $0x0;
	[sflag:s26] =	ssyncadd.s32 $0xFFFFFF80  }
0xa8: {  	v2 =	vld [tilespmem:s6+$0x850]  }
0xa9: {  	v3 =	vld [tilespmem:s6+$0x820]  }
0xaa: {  	v4 =	vld [tilespmem:s6+$0x830]  }
0xab: {  	v5 =	vld [tilespmem:s6+$0x470]  }
0xac: {  	v6 =	vld [tilespmem:s6+$0x400]  }
0xad: {  	v7 =	vld [tilespmem:s6+$0x870]  }
0xae: {  	v8 =	vld [tilespmem:s6+$0x800]  }
0xaf: {  	v9 =	vld [tilespmem:s6+$0x410]  }
0xb0: {  	v12 =	vld [tilespmem:s6+$0x810]  }
0xb1: {  	v15 =	vld [tilespmem:s6+$0x460]  }
0xb2: {  	v10 =	vld [tilespmem:s6+$0x450]  }
0xb3: {  	v11 =	vld [tilespmem:s6+$0x430];
	v5 =	vsub.f32 v1, v5;
	v13 =	vmul.f32 $9.998999830e-01, v3  }
0xb4: {  	v3 =	vsub.f32 v1, v6;
	v6 =	vld [tilespmem:s6+$0x860];
	v7 =	vmul.f32 $9.998999830e-01, v7;
	v8 =	vmul.f32 $9.998999830e-01, v8  }
0xb5: {  	v9 =	vsub.f32 v1, v9;
	v4 =	vmul.f32 $9.998999830e-01, v4;
	v5 =	vmul.f32 $9.999999740e-05, v5  }
0xb6: {  	v12 =	vmul.f32 $9.998999830e-01, v12;
	v15 =	vsub.f32 v1, v15;
	v3 =	vmul.f32 $9.999999740e-05, v3  }
0xb7: {  	v9 =	vmul.f32 $9.999999740e-05, v9;
	v5 =	vadd.f32 v5, v7;
	v7 =	vsub.f32 v1, v10  }
0xb8: {  	v2 =	vmul.f32 $9.998999830e-01, v2;
	v10 =	vsub.f32 v1, v11;
	v3 =	vadd.f32 v3, v8  }
0xb9: {  	v18 =	vadd.f32 v9, v12;
	v6 =	vmul.f32 $9.998999830e-01, v6;
	v14 =	vand.u32 $0x7FFFFF, v5  }
0xba: {  	v8 =	vld [tilespmem:s6+$0x840];
	v7 =	vmul.f32 $9.999999740e-05, v7;
	v16 =	vand.u32 $0x7FFFFF, v3;
	v17 =	vshrl.u32 v3, $0x17  }
0xbb: {  	v11 =	vld [tilespmem:s6+$0x420];
	[tilespmem:s6+$0xC70] =	vst v5;
	v5 =	vshrl.u32 v5, $0x17;
	v23 =	vand.u32 $0x7FFFFF, v18;
	v14 =	vor.u32 $0x3F800000, v14  }
0xbc: {  	v16 =	vor.u32 $0x3F800000, v16;
	v17 =	vadd.s32 $0xFFFFFF81, v17;
	v29 =	vadd.s32 $0xFFFFFF81, v5  }
0xbd: {  	v2 =	vadd.f32 v7, v2;
	v7 =	vmul.f32 $9.999999740e-05, v10;
	v10 =	vmul.f32 $5.000000000e-01, v16  }
0xbe: {  	vm0 =	vge.f32 v14, $1.414213540e+00;
	v12 =	vmul.f32 $5.000000000e-01, v14;
	v17 =	vcvt.s32.f32 v17  }
0xbf: {  	vm1 =	vge.f32 v16, $1.414213540e+00;
	v29 =	vcvt.s32.f32 v29;
	v8 =	vmul.f32 $9.998999830e-01, v8  }
0xc0: {  	[tilespmem:s6+$0xC00] =	vst v3;
	v11 =	vsub.f32 v1, v11;
	v3 =	vand.u32 $0x7FFFFF, v2;
	v10 =	vsel vm1, v10, v16  }
0xc1: {  	[tilespmem:s6+$0xC50] =	vst v2;
	v2 =	vshrl.u32 v2, $0x17;
	v19 =	vor.u32 $0x3F800000, v3;
	v3 =	vadd.f32 v7, v4  }
0xc2: {  	v4 =	vld [tilespmem:s6+$0x440];
	v21 =	vadd.f32 $1.000000000e+00, v10;
	v11 =	vmul.f32 $9.999999740e-05, v11;
	v2 =	vadd.s32 $0xFFFFFF81, v2  }
0xc3: {  	v10 =	vadd.f32 $-1.000000000e+00, v10;
	v7 =	vmul.f32 $5.000000000e-01, v19;
	vm2 =	vge.f32 v19, $1.414213540e+00  }
0xc4: {  	v2 =	vcvt.s32.f32 v2;
	v20 =	vand.u32 $0x7FFFFF, v3;
	v22 =	vsel vm2, $0x3F800000, v0  }
0xc5: {  	v9 =	vor.u32 $0x3F800000, v20;
	v7 =	vsel vm2, v7, v19;
	v19 =	vadd.f32 v11, v13  }
0xc6: {  	v11 =	vsel vm0, v12, v14;
	v13 =	vsel vm0, $0x3F800000, v0;
	v16 =	vadd.f32 $1.000000000e+00, v7  }
0xc7: {  	v24 =	vmul.f32 $5.000000000e-01, v9;
	v12 =	vadd.f32 $1.000000000e+00, v11;
	v4 =	vsub.f32 v1, v4  }
0xc8: {  	v11 =	vadd.f32 $-1.000000000e+00, v11;
	vm13 =	vge.f32 v9, $1.414213540e+00;
	v14 =	vand.u32 $0x7FFFFF, v19  }
0xc9: {  	(erf) = vrcp.f32 v16;
	v16 =	vor.u32 $0x3F800000, v23;
	v4 =	vmul.f32 $9.999999740e-05, v4  }
0xca: {  	v14 =	vor.u32 $0x3F800000, v14;
	(erf) = vrcp.f32 v21;
	v21 =	vsel vm13, v24, v9  }
0xcb: {  	vm15 =	vge.f32 v14, $1.414213540e+00;
	v23 =	vmul.f32 $5.000000000e-01, v14;
	v20 =	vadd.f32 v4, v8  }
0xcc: {  	vm4 =	vge.f32 v16, $1.414213540e+00;
	(erf) = vrcp.f32 v12;
	v12 =	vadd.f32 v2, v22  }
0xcd: {  	v4 =	vmul.f32 $9.999999740e-05, v15;
	v8 =	vshrl.u32 v3, $0x17;
	v15 =	vand.u32 $0x7FFFFF, v20  }
0xce: {  	v14 =	vsel vm15, v23, v14;
	v8 =	vadd.s32 $0xFFFFFF81, v8;
	v15 =	vor.u32 $0x3F800000, v15  }
0xcf: {  	v26 =	vadd.f32 $1.000000000e+00, v14;
	v27 =	vadd.f32 v4, v6;
	v4 =	vmul.f32 $5.000000000e-01, v15  }
0xd0: {  	v8 =	vcvt.s32.f32 v8;
	v6 =	vadd.f32 $-1.000000000e+00, v7;
	vm14 =	vge.f32 v15, $1.414213540e+00  }
0xd1: {  	v7 =	vsel vm13, $0x3F800000, v0;
	v2 =	vand.u32 $0x7FFFFF, v27;
	v4 =	vsel vm14, v4, v15  }
0xd2: {  	v25 =	vadd.f32 v8, v7;
	v15 =	vshrl.u32 v27, $0x17;
	v9 =	vadd.f32 $1.000000000e+00, v4  }
0xd3: {  	v7 =	vmul.f32 $5.000000000e-01, v16;
	v22 =	vadd.s32 $0xFFFFFF81, v15;
	v15 =	vor.u32 $0x3F800000, v2  }
0xd4: {  	v28 =	vshrl.u32 v20, $0x17;
	v2 =	vpop (erf);
	v24 =	vmul.f32 $5.000000000e-01, v15;
	(erf) = vrcp.f32 v9  }
0xd5: {  	v2 =	vmul.f32 v2, v6;
	vm3 =	vge.f32 v15, $1.414213540e+00;
	v6 =	vshrl.u32 v18, $0x17;
	v23 =	vpop (erf)  }
0xd6: {  	v9 =	vsel vm4, v7, v16;
	v6 =	vadd.s32 $0xFFFFFF81, v6;
	v30 =	vmul.f32 v23, v10  }
0xd7: {  	v10 =	vadd.f32 $-1.000000000e+00, v4;
	v16 =	vadd.f32 $1.000000000e+00, v9;
	(erf) = vrcp.f32 v26  }
0xd8: {  	v4 =	vpop (erf);
	v5 =	vcvt.s32.f32 v6;
	v23 =	vsel vm3, v24, v15;
	v6 =	vadd.s32 $0xFFFFFF81, v28  }
0xd9: {  	v26 =	vcvt.s32.f32 v6;
	v6 =	vmul.f32 v4, v11;
	v11 =	vadd.f32 $1.000000000e+00, v23  }
0xda: {  	v31 =	vsel vm15, $0x3F800000, v0;
	v24 =	vmul.f32 v30, v30;
	(erf) = vrcp.f32 v16  }
0xdb: {  	v14 =	vadd.f32 $-1.000000000e+00, v14;
	v15 =	vsel vm1, $0x3F800000, v0;
	v4 =	vmul.f32 $6.931471820e-01, v12  }
0xdc: {  	v12 =	vadd.f32 v17, v15;
	v15 =	vadd.f32 $1.000000000e+00, v21;
	v28 =	vmul.f32 $2.857142980e-01, v24  }
0xdd: {  	v7 =	vmul.f32 v2, v2;
	v17 =	vshrl.u32 v19, $0x17;
	(erf) = vrcp.f32 v11;
	v11 =	vpop (erf)  }
0xde: {  	v16 =	vsel vm4, $0x3F800000, v0;
	(erf) = vrcp.f32 v15;
	v15 =	vmul.f32 v11, v10  }
0xdf: {  	v10 =	vmul.f32 $6.931471820e-01, v12;
	v11 =	vadd.s32 $0xFFFFFF81, v17;
	v12 =	vadd.f32 $4.000000060e-01, v28  }
0xe0: {  	v5 =	vadd.f32 v5, v16;
	v16 =	vmul.f32 v6, v6;
	v28 =	vpop (erf);
	v11 =	vcvt.s32.f32 v11  }
0xe1: {  	v8 =	vsel vm3, $0x3F800000, v0;
	v14 =	vmul.f32 v28, v14;
	v28 =	vmul.f32 v12, v24  }
0xe2: {  	v9 =	vadd.f32 $-1.000000000e+00, v9;
	v17 =	vcvt.s32.f32 v22;
	v22 =	vmul.f32 $2.857142980e-01, v16  }
0xe3: {  	v32 =	vmul.f32 v15, v15;
	v11 =	vadd.f32 v11, v31;
	v12 =	vpop (erf);
	v28 =	vadd.f32 $6.666666860e-01, v28  }
0xe4: {  	v12 =	vmul.f32 v12, v9;
	v9 =	vadd.f32 v17, v8;
	v8 =	vadd.f32 $-1.000000000e+00, v23  }
0xe5: {  	v31 =	vadd.f32 $4.000000060e-01, v22;
	v22 =	vmul.f32 v14, v14;
	v24 =	vmul.f32 v28, v24  }
0xe6: {  	v23 =	vpop (erf);
	v28 =	vadd.f32 $-1.000000000e+00, v21;
	v21 =	vadd.f32 v29, v13;
	v29 =	vmul.f32 $2.857142980e-01, v32  }
0xe7: {  	v17 =	vmul.f32 v12, v12;
	v13 =	vmul.f32 v23, v8;
	v23 =	vsel vm14, $0x3F800000, v0  }
0xe8: {  	v33 =	vmul.f32 $2.857142980e-01, v22;
	v34 =	vadd.f32 v26, v23;
	v26 =	vmul.f32 $2.857142980e-01, v7;
	v8 =	vpop (erf)  }
0xe9: {  	v29 =	vadd.f32 $4.000000060e-01, v29;
	v8 =	vmul.f32 v8, v28;
	v28 =	vmul.f32 $2.857142980e-01, v17  }
0xea: {  	v23 =	vmul.f32 v31, v16;
	v31 =	vadd.f32 $4.000000060e-01, v33;
	v24 =	vadd.f32 $2.000000000e+00, v24  }
0xeb: {  	[tilespmem:s6+$0xC30] =	vst v3;
	v3 =	vmul.f32 $6.931471820e-01, v25;
	v25 =	vmul.f32 v29, v32;
	v28 =	vadd.f32 $4.000000060e-01, v28  }
0xec: {  	[tilespmem:s6+$0xC10] =	vst v18;
	v26 =	vadd.f32 $4.000000060e-01, v26;
	v29 =	vmul.f32 v31, v22;
	v24 =	vmul.f32 v24, v30  }
0xed: {  	[tilespmem:s6+$0xC20] =	vst v19;
	v18 =	vmul.f32 v8, v8;
	v19 =	vadd.f32 $6.666666860e-01, v25;
	v28 =	vmul.f32 v28, v17  }
0xee: {  	[tilespmem:s6+$0xC60] =	vst v27;
	v26 =	vmul.f32 v26, v7;
	v25 =	vmul.f32 $6.931471820e-01, v34;
	v27 =	vadd.f32 $6.666666860e-01, v29  }
0xef: {  	s11 =	simm.s32 $0x200;
	[tilespmem:s6+$0xC40] =	vst v20;
	v20 =	vadd.f32 $6.666666860e-01, v28;
	v28 =	vmul.f32 v19, v32;
	v19 =	vmul.f32 v13, v13  }
.LBB2_8:
0xf0: {  	s14 =	sshra.s32 s11, $0x2;
	p1 =	sne.s32 s11, $0xE00;
	s11 =	sadd.s32 $0x200, s11;
	v29 =	vmul.f32 $2.857142980e-01, v18;
	v26 =	vadd.f32 $6.666666860e-01, v26;
	v23 =	vadd.f32 $6.666666860e-01, v23  }
0xf1: {  	v30 =	vld [tilespmem:s14+$0x850];
	v22 =	vmul.f32 v27, v22;
	v27 =	vadd.f32 $2.000000000e+00, v28;
	v28 =	vmul.f32 $2.857142980e-01, v19  }
0xf2: {  	v31 =	vld [tilespmem:s14+$0x820];
	v29 =	vadd.f32 $4.000000060e-01, v29;
	v7 =	vmul.f32 v26, v7;
	v16 =	vmul.f32 v23, v16  }
0xf3: {  	v23 =	vld [tilespmem:s14+$0x830];
	v22 =	vadd.f32 $2.000000000e+00, v22;
	v15 =	vmul.f32 v27, v15;
	v26 =	vadd.f32 $4.000000060e-01, v28  }
0xf4: {  	v21 =	vmul.f32 $6.931471820e-01, v21;
	v27 =	vld [tilespmem:s14+$0x810];
	v7 =	vadd.f32 $2.000000000e+00, v7;
	v16 =	vadd.f32 $2.000000000e+00, v16  }
0xf5: {  	v29 =	vmul.f32 v29, v18;
	v28 =	vld [tilespmem:s14+$0x470];
	v15 =	vadd.f32 v15, v25;
	v25 =	vmul.f32 v26, v19  }
0xf6: {  	v10 =	vadd.f32 v24, v10;
	v26 =	vld [tilespmem:s14+$0x400];
	v7 =	vmul.f32 v7, v2;
	v6 =	vmul.f32 v16, v6  }
0xf7: {  	v17 =	vmul.f32 v20, v17;
	v2 =	vmul.f32 $9.998999830e-01, v31;
	v16 =	vld [tilespmem:s14+$0x870];
	v15 =	vsub.f32 $0.0e+00, v15  }
0xf8: {  	v24 =	vadd.f32 $6.666666860e-01, v29;
	v25 =	vadd.f32 $6.666666860e-01, v25;
	v20 =	vld [tilespmem:s14+$0x800];
	v23 =	vmul.f32 $9.998999830e-01, v23  }
0xf9: {  	v17 =	vadd.f32 $2.000000000e+00, v17;
	v14 =	vmul.f32 v22, v14;
	v4 =	vadd.f32 v7, v4;
	v29 =	vld [tilespmem:s14+$0x410];
	[tilespmem:s6+$0x1040] =	vst v15  }
0xfa: {  	v5 =	vmul.f32 $6.931471820e-01, v5;
	v11 =	vmul.f32 $6.931471820e-01, v11;
	v7 =	vld [tilespmem:s14+$0x430];
	v15 =	vsub.f32 v1, v28  }
0xfb: {  	v12 =	vmul.f32 v17, v12;
	v4 =	vsub.f32 $0.0e+00, v4;
	v22 =	vsub.f32 v1, v26;
	v26 =	vld [tilespmem:s14+$0x860]  }
0xfc: {  	v11 =	vadd.f32 v14, v11;
	v14 =	vmul.f32 v25, v19;
	v17 =	vld [tilespmem:s14+$0x420];
	v16 =	vmul.f32 $9.998999830e-01, v16  }
0xfd: {  	v5 =	vadd.f32 v12, v5;
	v25 =	vmul.f32 $9.998999830e-01, v30;
	v15 =	vmul.f32 $9.999999740e-05, v15;
	v19 =	vld [tilespmem:s14+$0x450]  }
0xfe: {  	v18 =	vmul.f32 v24, v18;
	v12 =	vmul.f32 $9.999999740e-05, v22;
	v22 =	vsub.f32 v1, v29;
	v28 =	vld [tilespmem:s14+$0x460]  }
0xff: {  	v14 =	vadd.f32 $2.000000000e+00, v14;
	v20 =	vmul.f32 $9.998999830e-01, v20;
	v7 =	vsub.f32 v1, v7  }
0x100: {  	v15 =	vadd.f32 v15, v16;
	v16 =	vadd.f32 $2.000000000e+00, v18;
	v22 =	vmul.f32 $9.999999740e-05, v22;
	[tilespmem:s6+$0x1050] =	vst v4  }
0x101: {  	v10 =	vsub.f32 $0.0e+00, v10;
	v4 =	vadd.f32 v12, v20;
	v12 =	vmul.f32 v14, v13  }
0x102: {  	v9 =	vmul.f32 $6.931471820e-01, v9;
	v18 =	vand.u32 $0x7FFFFF, v15;
	v13 =	vld [tilespmem:s14+$0x840];
	v14 =	vsub.f32 v1, v19;
	[tilespmem:s14+$0xC70] =	vst v15  }
0x103: {  	v20 =	vmul.f32 $9.998999830e-01, v27;
	v24 =	vmul.f32 $9.998999830e-01, v26;
	v19 =	vand.u32 $0x7FFFFF, v4;
	[tilespmem:s6+$0x1000] =	vst v10  }
0x104: {  	v9 =	vadd.f32 v12, v9;
	[tilespmem:s14+$0xC00] =	vst v4;
	v10 =	vmul.f32 $9.999999740e-05, v14;
	v14 =	vor.u32 $0x3F800000, v18  }
0x105: {  	v11 =	vsub.f32 $0.0e+00, v11;
	v7 =	vmul.f32 $9.999999740e-05, v7;
	v12 =	vor.u32 $0x3F800000, v19  }
0x106: {  	v18 =	vmul.f32 $5.000000000e-01, v12;
	v9 =	vsub.f32 $0.0e+00, v9;
	v10 =	vadd.f32 v10, v25  }
0x107: {  	v6 =	vadd.f32 v6, v21;
	v4 =	vshrl.u32 v4, $0x17;
	vm0 =	vge.f32 v14, $1.414213540e+00;
	[tilespmem:s6+$0x1020] =	vst v11  }
0x108: {  	v5 =	vsub.f32 $0.0e+00, v5;
	v11 =	vmul.f32 $9.998999830e-01, v13;
	v13 =	vand.u32 $0x7FFFFF, v10;
	[tilespmem:s6+$0x1060] =	vst v9  }
0x109: {  	v6 =	vsub.f32 $0.0e+00, v6;
	v9 =	vsub.f32 v1, v17;
	[tilespmem:s14+$0xC50] =	vst v10;
	v13 =	vor.u32 $0x3F800000, v13  }
0x10a: {  	v7 =	vadd.f32 v7, v23;
	v17 =	vmul.f32 $5.000000000e-01, v13;
	[tilespmem:s6+$0x1010] =	vst v5;
	v5 =	vmul.f32 v16, v8  }
0x10b: {  	v15 =	vshrl.u32 v15, $0x17;
	v4 =	vadd.s32 $0xFFFFFF81, v4;
	vm2 =	vge.f32 v13, $1.414213540e+00;
	v8 =	vld [tilespmem:s14+$0x440];
	[tilespmem:s6+$0x1070] =	vst v6  }
0x10c: {  	vm1 =	vge.f32 v12, $1.414213540e+00;
	v16 =	vand.u32 $0x7FFFFF, v7;
	v6 =	vadd.f32 v22, v20;
	[tilespmem:s14+$0xC30] =	vst v7  }
0x10d: {  	v16 =	vor.u32 $0x3F800000, v16;
	v13 =	vsel vm2, v17, v13;
	v17 =	vmul.f32 $5.000000000e-01, v14  }
0x10e: {  	v12 =	vsel vm1, v18, v12;
	v3 =	vadd.f32 v5, v3;
	v18 =	vadd.f32 $1.000000000e+00, v13;
	[tilespmem:s14+$0xC10] =	vst v6  }
0x10f: {  	v9 =	vmul.f32 $9.999999740e-05, v9;
	v5 =	vcvt.s32.f32 v4;
	v4 =	vadd.f32 $1.000000000e+00, v12  }
0x110: {  	v19 =	vsel vm2, $0x3F800000, v0;
	v20 =	vsub.f32 $0.0e+00, v3;
	v8 =	vsub.f32 v1, v8  }
0x111: {  	v23 =	vsub.f32 v1, v28;
	v22 =	vmul.f32 $5.000000000e-01, v16;
	v21 =	vand.u32 $0x7FFFFF, v6  }
0x112: {  	v9 =	vadd.f32 v9, v2;
	v2 =	vmul.f32 $9.999999740e-05, v8;
	v8 =	vsel vm0, v17, v14  }
0x113: {  	v10 =	vshrl.u32 v10, $0x17;
	v3 =	vsel vm0, $0x3F800000, v0;
	v14 =	vadd.f32 $1.000000000e+00, v8  }
0x114: {  	[tilespmem:s14+$0xC20] =	vst v9;
	v11 =	vadd.f32 v2, v11;
	v2 =	vadd.s32 $0xFFFFFF81, v10;
	v10 =	vmul.f32 $9.999999740e-05, v23  }
0x115: {  	v7 =	vshrl.u32 v7, $0x17;
	v8 =	vadd.f32 $-1.000000000e+00, v8;
	(erf) = vrcp.f32 v18;
	[tilespmem:s6+$0x1030] =	vst v20;
	s6 =	smov.u32 s14  }
0x116: {  	v7 =	vadd.s32 $0xFFFFFF81, v7;
	v17 =	vand.u32 $0x7FFFFF, v9;
	[tilespmem:s6+$0xC40] =	vst v11;
	v18 =	vand.u32 $0x7FFFFF, v11  }
0x117: {  	v7 =	vcvt.s32.f32 v7;
	v17 =	vor.u32 $0x3F800000, v17;
	v20 =	vor.u32 $0x3F800000, v21  }
0x118: {  	v2 =	vcvt.s32.f32 v2;
	v10 =	vadd.f32 v10, v24;
	v18 =	vor.u32 $0x3F800000, v18  }
0x119: {  	v13 =	vadd.f32 $-1.000000000e+00, v13;
	v21 =	vmul.f32 $5.000000000e-01, v18;
	(erf) = vrcp.f32 v4  }
0x11a: {  	vm2 =	vge.f32 v16, $1.414213540e+00;
	v4 =	vadd.f32 $-1.000000000e+00, v12;
	[tilespmem:s6+$0xC60] =	vst v10;
	(erf) = vrcp.f32 v14  }
0x11b: {  	vm0 =	vge.f32 v18, $1.414213540e+00;
	v12 =	vadd.f32 v2, v19;
	v2 =	vand.u32 $0x7FFFFF, v10  }
0x11c: {  	v14 =	vsel vm2, $0x3F800000, v0;
	v18 =	vsel vm0, v21, v18;
	v10 =	vshrl.u32 v10, $0x17  }
0x11d: {  	v19 =	vsel vm2, v22, v16;
	v16 =	vadd.f32 $1.000000000e+00, v18;
	v21 =	vadd.s32 $0xFFFFFF81, v10  }
0x11e: {  	vm2 =	vge.f32 v17, $1.414213540e+00;
	v22 =	vor.u32 $0x3F800000, v2;
	v10 =	vmul.f32 $5.000000000e-01, v17;
	v2 =	vpop (erf)  }
0x11f: {  	v24 =	vadd.f32 v7, v14;
	v14 =	vmul.f32 $5.000000000e-01, v22;
	(erf) = vrcp.f32 v16  }
0x120: {  	v7 =	vmul.f32 $5.000000000e-01, v20;
	vm3 =	vge.f32 v22, $1.414213540e+00;
	v2 =	vmul.f32 v2, v13  }
0x121: {  	v6 =	vshrl.u32 v6, $0x17;
	vm4 =	vge.f32 v20, $1.414213540e+00;
	v13 =	vsel vm3, $0x3F800000, v0  }
0x122: {  	v20 =	vsel vm4, v7, v20;
	v10 =	vsel vm2, v10, v17;
	v7 =	vmul.f32 v2, v2;
	v16 =	vpop (erf)  }
0x123: {  	v6 =	vadd.s32 $0xFFFFFF81, v6;
	v17 =	vadd.f32 $1.000000000e+00, v20;
	v23 =	vadd.f32 $1.000000000e+00, v10;
	v25 =	vpop (erf)  }
0x124: {  	v26 =	vadd.f32 $-1.000000000e+00, v10;
	v10 =	vshrl.u32 v11, $0x17;
	v11 =	vadd.s32 $0xFFFFFF81, v15  }
0x125: {  	v6 =	vcvt.s32.f32 v6;
	v28 =	vsel vm3, v14, v22;
	v27 =	vmul.f32 v16, v4  }
0x126: {  	v4 =	vadd.s32 $0xFFFFFF81, v10;
	v10 =	vadd.f32 $-1.000000000e+00, v18;
	(erf) = vrcp.f32 v23  }
0x127: {  	v14 =	vsel vm1, $0x3F800000, v0;
	v29 =	vcvt.s32.f32 v4;
	v18 =	vmul.f32 v27, v27  }
0x128: {  	v15 =	vsel vm4, $0x3F800000, v0;
	v4 =	vmul.f32 $6.931471820e-01, v12;
	(erf) = vrcp.f32 v17;
	v12 =	vpop (erf)  }
0x129: {  	v14 =	vadd.f32 v5, v14;
	v5 =	vadd.f32 v6, v15;
	v6 =	vmul.f32 v25, v8  }
0x12a: {  	v8 =	vshrl.u32 v9, $0x17;
	v9 =	vadd.f32 $1.000000000e+00, v28;
	v15 =	vmul.f32 v12, v10  }
0x12b: {  	v16 =	vmul.f32 v6, v6;
	v10 =	vmul.f32 $6.931471820e-01, v14;
	v12 =	vsel vm2, $0x3F800000, v0  }
0x12c: {  	v8 =	vadd.s32 $0xFFFFFF81, v8;
	v17 =	vcvt.s32.f32 v21;
	(erf) = vrcp.f32 v9  }
0x12d: {  	v21 =	vmul.f32 $2.857142980e-01, v16;
	v14 =	vadd.f32 $1.000000000e+00, v19;
	v9 =	vmul.f32 $2.857142980e-01, v18  }
0x12e: {  	v20 =	vadd.f32 $-1.000000000e+00, v20;
	v22 =	vcvt.s32.f32 v11;
	v8 =	vcvt.s32.f32 v8  }
0x12f: {  	v30 =	vmul.f32 v15, v15;
	v9 =	vadd.f32 $4.000000060e-01, v9;
	v23 =	vpop (erf);
	(erf) = vrcp.f32 v14  }
0x130: {  	v11 =	vadd.f32 v8, v12;
	v8 =	vadd.f32 $4.000000060e-01, v21;
	v14 =	vmul.f32 v23, v26  }
0x131: {  	v21 =	vadd.f32 v22, v3;
	v23 =	vmul.f32 v9, v18;
	v9 =	vadd.f32 v17, v13;
	v3 =	vpop (erf)  }
0x132: {  	v12 =	vmul.f32 v3, v20;
	v22 =	vmul.f32 v14, v14  }
0x133: {  	v13 =	vmul.f32 $2.857142980e-01, v7;
	v3 =	vadd.f32 $6.666666860e-01, v23;
	v23 =	vmul.f32 v8, v16  }
0x134: {  	v17 =	vmul.f32 v12, v12;
	v8 =	vmul.f32 $2.857142980e-01, v22  }
0x135: {  	v20 =	vmul.f32 $2.857142980e-01, v30;
	v25 =	vadd.f32 $4.000000060e-01, v13;
	v13 =	vadd.f32 $-1.000000000e+00, v28;
	v26 =	vpop (erf)  }
0x136: {  	v28 =	vmul.f32 $2.857142980e-01, v17;
	v31 =	vadd.f32 $4.000000060e-01, v8;
	v8 =	vadd.f32 $-1.000000000e+00, v19  }
0x137: {  	v18 =	vmul.f32 v3, v18;
	v19 =	vadd.f32 $4.000000060e-01, v20;
	v13 =	vmul.f32 v26, v13  }
0x138: {  	v3 =	vmul.f32 $6.931471820e-01, v24;
	v24 =	vsel vm0, $0x3F800000, v0;
	v20 =	vadd.f32 $4.000000060e-01, v28;
	v26 =	vpop (erf)  }
.Ltmp7:
0x139: {  	v28 =	vadd.f32 $2.000000000e+00, v18;
	v19 =	vmul.f32 v19, v30;
	v8 =	vmul.f32 v26, v8;
	(pc) =	sbr.rel @p1 .LBB2_8-.Ltmp7, $4  }
0x13a: {  	v29 =	vadd.f32 v29, v24;
	v31 =	vmul.f32 v31, v22;
	v20 =	vmul.f32 v20, v17  }
0x13b: {  	v26 =	vmul.f32 v25, v7;
	v19 =	vadd.f32 $6.666666860e-01, v19;
	v18 =	vmul.f32 v8, v8  }
0x13c: {  	v25 =	vmul.f32 $6.931471820e-01, v29;
	v24 =	vmul.f32 v28, v27;
	v20 =	vadd.f32 $6.666666860e-01, v20  }
0x13d: {  	v27 =	vadd.f32 $6.666666860e-01, v31;
	v28 =	vmul.f32 v19, v30;
	v19 =	vmul.f32 v13, v13  }
0x13e: {  	_ = 	snop  }
0x13f: {  	v26 =	vadd.f32 $6.666666860e-01, v26;
	v1 =	vmul.f32 $2.857142980e-01, v19  }
0x140: {  	v29 =	vmul.f32 $2.857142980e-01, v18;
	v23 =	vadd.f32 $6.666666860e-01, v23;
	v21 =	vmul.f32 $6.931471820e-01, v21  }
0x141: {  	v57 =	vmul.f32 v20, v17;
	v59 =	vmul.f32 $6.931471820e-01, v5;
	v1 =	vadd.f32 $4.000000060e-01, v1  }
0x142: {  	v61 =	vmul.f32 $6.931471820e-01, v11;
	v7 =	vmul.f32 v26, v7;
	v54 =	vadd.f32 $4.000000060e-01, v29  }
0x143: {  	v56 =	vadd.f32 v24, v10;
	v22 =	vmul.f32 v27, v22;
	v1 =	vmul.f32 v1, v19  }
0x144: {  	v53 =	vadd.f32 $2.000000000e+00, v28;
	v7 =	vadd.f32 $2.000000000e+00, v7;
	v55 =	vmul.f32 v54, v18  }
0x145: {  	v9 =	vmul.f32 $6.931471820e-01, v9;
	v22 =	vadd.f32 $2.000000000e+00, v22;
	v1 =	vadd.f32 $6.666666860e-01, v1  }
0x146: {  	v16 =	vmul.f32 v23, v16;
	v2 =	vmul.f32 v7, v2;
	v58 =	vadd.f32 $6.666666860e-01, v55  }
0x147: {  	v60 =	vadd.f32 $2.000000000e+00, v57;
	v14 =	vmul.f32 v22, v14;
	v1 =	vmul.f32 v1, v19  }
0x148: {  	v16 =	vadd.f32 $2.000000000e+00, v16;
	v2 =	vadd.f32 v2, v4;
	v62 =	vmul.f32 v58, v18  }
0x149: {  	v15 =	vmul.f32 v53, v15;
	v10 =	vadd.f32 v14, v61;
	v1 =	vadd.f32 $2.000000000e+00, v1  }
0x14a: {  	v5 =	vmul.f32 v60, v12;
	v2 =	vsub.f32 $0.0e+00, v2;
	v11 =	vadd.f32 $2.000000000e+00, v62  }
0x14b: {  	v15 =	vadd.f32 v15, v25;
	v7 =	vsub.f32 $0.0e+00, v56;
	v1 =	vmul.f32 v1, v13  }
0x14c: {  	v4 =	vadd.f32 v5, v59;
	[tilespmem:s6+$0x1050] =	vst v2;
	v2 =	vsub.f32 $0.0e+00, v10;
	v63 =	vmul.f32 v11, v8  }
0x14d: {  	v6 =	vmul.f32 v16, v6;
	v15 =	vsub.f32 $0.0e+00, v15;
	[tilespmem:s6+$0x1000] =	vst v7;
	v1 =	vadd.f32 v1, v9  }
0x14e: {  	[tilespmem:s6+$0x1020] =	vst v2;
	v2 =	vsub.f32 $0.0e+00, v4;
	v3 =	vadd.f32 v63, v3  }
0x14f: {  	v6 =	vadd.f32 v6, v21;
	[tilespmem:s6+$0x1040] =	vst v15;
	v1 =	vsub.f32 $0.0e+00, v1  }
0x150: {  	[tilespmem:s6+$0x1010] =	vst v2;
	v2 =	vsub.f32 $0.0e+00, v3  }
0x151: {  	[tilespmem:s6+$0x1060] =	vst v1;
	v1 =	vsub.f32 $0.0e+00, v6  }
0x152: {  	[tilespmem:s6+$0x1030] =	vst v2  }
0x153: {  	s14 =	rddreg [dreg:$0xd];
	s11 =	simm.s32 $0x1000;
	[tilespmem:s6+$0x1070] =	vst v1  }
0x154: {  	[hbm4b:s14+s4] =	stream.linear.scatter [tilespmem:s11], [sflag:$0x4], $0x400, $0x38;
	[tilespmem:$0x1FD28] =	vst v63  }
0x155: {  	_ =	swait.ge [sflag:s29], $0x400  }
0x156: {  	[sflag:s29] =	ssyncset.done $0x0  }
0x157: {  	s14 =	rddreg [dreg:$0xf];
	[sflag:s29] =	ssyncadd.s32 $0xFFFFFC00  }
.LBB2_10:
0x158: {  	_ =	swait.ge @p0 [sflag:s10], $0xF3E9  }
0x159: {  	[sflag:s10] =	ssyncset.done @p0 $0x0  }
0x15a: {  	[sflag:s10] =	ssyncadd.s32 @p0 $0xFFFF0C17  }
0x15b: {  	_ =	swait.ge @!p0 [sflag:s31], $0xF428  }
0x15c: {  	[sflag:s31] =	ssyncset.done @!p0 $0x0  }
0x15d: {  	[sflag:s31] =	ssyncadd.s32 @!p0 $0xFFFF0BD8  }
0x15e: {  	[bflag:$0x0] =	sbarrier.arrive $0xFFFF  }
0x15f: {  	s6 =	sld [smem:$0x7FC];
	_ =	sdelay $0x2  }
0x160: {  	p1 =	seq.s32 s6, $0x1  }
0x161: {  	s6 =	simm.s32 @!p1 $0x80;
	s10 =	simm.s32 @!p1 $0x0;
	s11 =	simm.s32 @!p1 $0x1400  }
0x162: {  	[spmem:s3] =	stream.indirect.scatter @!p1 [tilespmem:s11], [sflag:$0x3], $0x1, s10, s6, $0xb8;
	[tilespmem:$0x1FD28] =	vst v63  }
0x163: {  	_ = 	snop  }
0x164: {  	[spmem:s3] =	stream.indirect.scatter @!p1 [tilespmem:s11], [sflag:$0x3], $0x1, s6, s6, $0xb8;
	[tilespmem:$0x1FD28] =	vst v63  }
0x165: {  	s10 =	simm.s32 @!p1 $0x100  }
0x166: {  	[spmem:s3] =	stream.indirect.scatter @!p1 [tilespmem:s11], [sflag:$0x3], $0x1, s10, s6, $0xb8;
	[tilespmem:$0x1FD28] =	vst v63  }
0x167: {  	s10 =	simm.s32 @!p1 $0x180  }
0x168: {  	[spmem:s3] =	stream.indirect.scatter @!p1 [tilespmem:s11], [sflag:$0x3], $0x1, s10, s6, $0xb8;
	[tilespmem:$0x1FD28] =	vst v63  }
0x169: {  	s10 =	simm.s32 @!p1 $0x200  }
0x16a: {  	[spmem:s3] =	stream.indirect.scatter @!p1 [tilespmem:s11], [sflag:$0x3], $0x1, s10, s6, $0xb8;
	[tilespmem:$0x1FD28] =	vst v63  }
0x16b: {  	s10 =	simm.s32 @!p1 $0x280  }
0x16c: {  	[spmem:s3] =	stream.indirect.scatter @!p1 [tilespmem:s11], [sflag:$0x3], $0x1, s10, s6, $0xb8;
	[tilespmem:$0x1FD28] =	vst v63  }
0x16d: {  	s10 =	simm.s32 @!p1 $0x300  }
0x16e: {  	[spmem:s3] =	stream.indirect.scatter @!p1 [tilespmem:s11], [sflag:$0x3], $0x1, s10, s6, $0xb8;
	[tilespmem:$0x1FD28] =	vst v63  }
0x16f: {  	s10 =	simm.s32 @!p1 $0x380  }
0x170: {  	[spmem:s3] =	stream.indirect.scatter @!p1 [tilespmem:s11], [sflag:$0x3], $0x1, s10, s6, $0xb8;
	[tilespmem:$0x1FD28] =	vst v63  }
0x171: {  	s6 =	simm.s32 @p5 $0xC00  }
0x172: {  	[spmem:s3] =	stream.indirect.scatter @p5 [tilespmem:s6], [sflag:$0x3], $0x1, s7, s28, $0xb8;
	[tilespmem:$0x1FD28] =	vst v63  }
0x173: {  	s6 =	simm.s32 @p5 $0xC80  }
0x174: {  	[spmem:s3] =	stream.indirect.scatter @p5 [tilespmem:s6], [sflag:$0x3], $0x1, s28, s28, $0xb8;
	[tilespmem:$0x1FD28] =	vst v63  }
0x175: {  	s6 =	simm.s32 @p5 $0xD00  }
0x176: {  	[spmem:s3] =	stream.indirect.scatter @p5 [tilespmem:s6], [sflag:$0x3], $0x1, s25, s28, $0xb8;
	[tilespmem:$0x1FD28] =	vst v63  }
0x177: {  	s6 =	simm.s32 @p5 $0xD80  }
0x178: {  	[spmem:s3] =	stream.indirect.scatter @p5 [tilespmem:s6], [sflag:$0x3], $0x1, s8, s28, $0xb8;
	[tilespmem:$0x1FD28] =	vst v63  }
0x179: {  	s6 =	simm.s32 @p5 $0xE00  }
0x17a: {  	[spmem:s3] =	stream.indirect.scatter @p5 [tilespmem:s6], [sflag:$0x3], $0x1, s13, s28, $0xb8;
	[tilespmem:$0x1FD28] =	vst v63  }
0x17b: {  	s6 =	simm.s32 @p5 $0xE80  }
0x17c: {  	[spmem:s3] =	stream.indirect.scatter @p5 [tilespmem:s6], [sflag:$0x3], $0x1, s18, s28, $0xb8;
	[tilespmem:$0x1FD28] =	vst v63  }
0x17d: {  	s6 =	simm.s32 @p5 $0xF00  }
0x17e: {  	[spmem:s3] =	stream.indirect.scatter @p5 [tilespmem:s6], [sflag:$0x3], $0x1, s22, s28, $0xb8;
	[tilespmem:$0x1FD28] =	vst v63  }
0x17f: {  	s6 =	simm.s32 @p5 $0xF80  }
0x180: {  	[spmem:s3] =	stream.indirect.scatter @p5 [tilespmem:s6], [sflag:$0x3], $0x1, s9, s28, $0xb8;
	[tilespmem:$0x1FD28] =	vst v63  }
0x181: {  	_ =	swait.ge [sflag:s30], $0x80  }
0x182: {  	[sflag:s30] =	ssyncset.done $0x0  }
0x183: {  	[sflag:s30] =	ssyncadd.s32 $0xFFFFFF80  }
0x184: {  	_ =	swait.ge [sflag:s30], $0x80  }
0x185: {  	[sflag:s30] =	ssyncset.done $0x0  }
0x186: {  	[sflag:s30] =	ssyncadd.s32 $0xFFFFFF80  }
0x187: {  	_ =	swait.ge [sflag:s30], $0x80  }
0x188: {  	[sflag:s30] =	ssyncset.done $0x0  }
0x189: {  	[sflag:s30] =	ssyncadd.s32 $0xFFFFFF80  }
0x18a: {  	_ =	swait.ge [sflag:s30], $0x80  }
0x18b: {  	[sflag:s30] =	ssyncset.done $0x0  }
0x18c: {  	[sflag:s30] =	ssyncadd.s32 $0xFFFFFF80  }
0x18d: {  	_ =	swait.ge [sflag:s30], $0x80  }
0x18e: {  	[sflag:s30] =	ssyncset.done $0x0  }
0x18f: {  	[sflag:s30] =	ssyncadd.s32 $0xFFFFFF80  }
0x190: {  	_ =	swait.ge [sflag:s30], $0x80  }
0x191: {  	[sflag:s30] =	ssyncset.done $0x0  }
0x192: {  	[sflag:s30] =	ssyncadd.s32 $0xFFFFFF80  }
0x193: {  	_ =	swait.ge [sflag:s30], $0x80  }
0x194: {  	[sflag:s30] =	ssyncset.done $0x0  }
0x195: {  	[sflag:s30] =	ssyncadd.s32 $0xFFFFFF80  }
0x196: {  	_ =	swait.ge [sflag:s30], $0x80  }
0x197: {  	[sflag:s30] =	ssyncset.done $0x0  }
0x198: {  	[sflag:s30] =	ssyncadd.s32 $0xFFFFFF80  }
0x199: {  	s8 =	simm.s32 $0x1480;
	[bflag:$0x0] =	sbarrier.arrive $0xFFFF  }
0x19a: {  	[tilespmem:s8], [sflag:$0x4] =	stream.linear.gather [spmem:s12], $0x7A18, $0x38;
	[tilespmem:$0x1FD28] =	vst v63  }
0x19b: {  	_ =	swait.ge [sflag:s29], $0x7A18  }
0x19c: {  	s31 =	sld [smem:$0x7FD];
	_ =	sdelay $0x2  }
0x19d: {  	[sflag:s29] =	ssyncset.done $0x0;
	p5 =	seq.s32 s31, $0x1  }
0x19e: {  	[sflag:s29] =	ssyncadd.s32 $0xFFFF85E8;
	s6 =	simm.s32 @p5 $0x0;
	s7 =	simm.s32 @p5 $0x1480  }
0x19f: {  	[hbm4b:s17+s6] =	stream.linear.scatter @p5 [tilespmem:s7], [sflag:$0x1], $0x7A18, $0x38;
	[tilespmem:$0x1FD28] =	vst v63  }
.Ltmp8:
0x1a0: {  	_ = 	snop;
	(pc) =	sbr.rel @!p4 .LBB2_13-.Ltmp8, $4  }
0x1a1: {  	s6 =	simm.s32 @p2 $0x0;
	s7 =	simm.s32 @p2 $0x1480  }
0x1a2: {  	[hbm4b:s19+s6] =	stream.linear.scatter @p2 [tilespmem:s7], [sflag:$0x1], $0x7A18, $0x38;
	[tilespmem:$0x1FD28] =	vst v63  }
0x1a3: {  	s6 =	simm.s32 @p3 $0x0;
	s7 =	simm.s32 @p3 $0x1480  }
0x1a4: {  	[hbm4b:s20+s6] =	stream.linear.scatter @p3 [tilespmem:s7], [sflag:$0x1], $0x7A18, $0x38;
	[tilespmem:$0x1FD28] =	vst v63  }
.Ltmp9:
0x1a5: {  	(pc) =	sbr.rel .LBB2_12-.Ltmp9, $3  }
0x1a6: {  	_ =	sdelay $0x1  }
0x1a7: {  	s6 =	rddreg [dreg:$0xe]  }
0x1a8: {  	[hbm4b:s6+s4] =	stream.linear.scatter [tilespmem:s8], [sflag:$0x1], $0x7A18, $0x38;
	[tilespmem:$0x1FD28] =	vst v63  }
.LBB2_13:
.Ltmp10:
0x1a9: {  	(pc) =	sbr.rel @p0 .LBB2_12-.Ltmp10, $1  }
0x1aa: {  	_ =	sdelay $0x3  }
.Ltmp11:
0x1ab: {  	s6 =	simm.s32 $0x8E98;
	(pc) =	sbr.rel .LBB2_15-.Ltmp11, $4  }
0x1ac: {  	[tilespmem:s6], [sflag:$0x4] =	stream.linear.gather [spmem:s21], $0x7A10, $0x38;
	[tilespmem:$0x1FD28] =	vst v63  }
0x1ad: {  	_ =	swait.ge [sflag:s29], $0x7A10  }
0x1ae: {  	[sflag:s29] =	ssyncset.done $0x0  }
0x1af: {  	[sflag:s29] =	ssyncadd.s32 $0xFFFF85F0  }
.LBB2_12:
0x1b0: {  	s6 =	simm.s32 $0x8E98  }
0x1b1: {  	[tilespmem:s6], [sflag:$0x4] =	stream.linear.gather [spmem:s21], $0x79D1, $0x38;
	[tilespmem:$0x1FD28] =	vst v63  }
0x1b2: {  	_ =	swait.ge [sflag:s29], $0x79D1  }
0x1b3: {  	[sflag:s29] =	ssyncset.done $0x0  }
0x1b4: {  	[sflag:s29] =	ssyncadd.s32 $0xFFFF862F  }
.LBB2_15:
0x1b5: {  	s6 =	simm.s32 @p5 $0x0;
	s7 =	simm.s32 @p5 $0x8E98  }
0x1b6: {  	[hbm4b:s23+s6] =	stream.linear.scatter @p5 [tilespmem:s7], [sflag:$0x1], $0x7A10, $0x38;
	[tilespmem:$0x1FD28] =	vst v63  }
.Ltmp12:
0x1b7: {  	_ = 	snop;
	(pc) =	sbr.rel @!p4 .LBB2_18-.Ltmp12, $4  }
0x1b8: {  	s6 =	simm.s32 @p2 $0x0;
	s7 =	simm.s32 @p2 $0x8E98  }
0x1b9: {  	[hbm4b:s24+s6] =	stream.linear.scatter @p2 [tilespmem:s7], [sflag:$0x1], $0x79D1, $0x38;
	[tilespmem:$0x1FD28] =	vst v63  }
0x1ba: {  	s6 =	simm.s32 @p3 $0x0;
	s7 =	simm.s32 @p3 $0x8E98  }
0x1bb: {  	[hbm4b:s14+s6] =	stream.linear.scatter @p3 [tilespmem:s7], [sflag:$0x1], $0x7A10, $0x38;
	[tilespmem:$0x1FD28] =	vst v63  }
.Ltmp13:
0x1bc: {  	(pc) =	sbr.rel .LBB2_17-.Ltmp13, $3  }
0x1bd: {  	_ =	sdelay $0x1  }
0x1be: {  	s6 =	rddreg [dreg:$0x10];
	s7 =	simm.s32 $0x8E98  }
0x1bf: {  	[hbm4b:s6+s4] =	stream.linear.scatter [tilespmem:s7], [sflag:$0x1], $0x79D1, $0x38;
	[tilespmem:$0x1FD28] =	vst v63  }
.LBB2_18:
.Ltmp14:
0x1c0: {  	(pc) =	sbr.rel @!p0 .LBB2_19-.Ltmp14, $1  }
0x1c1: {  	_ =	sdelay $0x3  }
.LBB2_17:
.Ltmp15:
0x1c2: {  	(pc) =	sbr.rel .LBB2_20-.Ltmp15, $4  }
0x1c3: {  	_ = 	snop  }
0x1c4: {  	_ =	swait.ge [sflag:s2], $0xF3E9  }
0x1c5: {  	[sflag:s2] =	ssyncset.done $0x0  }
0x1c6: {  	[sflag:s2] =	ssyncadd.s32 $0xFFFF0C17  }
.LBB2_21:
0x1c7: {  	_ =	sfence.sel $0x180000  }
0x1c8: {  	[bflag:$0x0] =	sbarrier.arrive $0xFFFF  }
0x1c9: {  	_ =	strace $0x90000047  }
0x1ca: {  	s0 =	stileid.u32;
	[bflag:$0x2] =	sbarrier.arrive $0xFFFF  }
0x1cb: {  	p0 =	sne.s32 s0, $0x0;
	s0 =	rddreg [dreg:$0x8]  }
0x1cc: {  	s0 =	sadd.s32 @!p0 $0x100000, s0  }
0x1cd: {  	[sflag:s0] =	ssyncadd.tile.s32 @!p0 $0x1;
	_ =	shalt  }
.Lfunc_end2:
_tile_overlayer_lowered:
.L_overlay_start_2:
0x1ce: {  	(tag) =	ssettag $0x2  }
0x1cf: {  	s0 =	rddreg [dreg:$0x0];
	s2 =	stileid.u32  }
0x1d0: {  	s1 =	rddreg [dreg:$0x1];
	p0 =	sne.s32 s2, $0x0  }
0x1d1: {  	s3 =	rddreg [dreg:$0x2];
	[bflag:$0x3] =	sbarrier.arrive $0xFFFF;
	s2 =	simm.s32 @!p0 $0x1C04  }
0x1d2: {  	[timem:s3], [sflag:s2] =	dma.local @!p0 [hbm:s0], s1  }
0x1d3: {  	s0 =	simm.s32 @!p0 $0x4  }
0x1d4: {  	_ =	swait.ge @!p0 [sflag:s0], s1  }
0x1d5: {  	s1 =	ssub.s32 @!p0 $0x0, s1;
	[sflag:s0] =	ssyncset.done @!p0 $0x0  }
0x1d6: {  	[sflag:s0] =	ssyncadd.s32 @!p0 s1  }
0x1d7: {  	[bflag:$0x3] =	sbarrier.arrive $0xFFFF  }
0x1d8: {  	_ =	shalt  }

</sc_bundles>
